<compile_context>
chip_gen: v7x
topology: tpu7x:2x2x1
jax: 0.10.2.dev20260603
libtpu: 0.0.44.dev20260713+nightly
codegen_flags: <defaults>
</compile_context>

<pallas_src>
import dataclasses
import functools

import jax
import jax.numpy as jnp
from jax import lax
from jax.experimental import pallas as pl
from jax.experimental.pallas import tpu as pltpu
from jax.experimental.pallas import tpu_sc as plsc

N = 10000
D = 128
E = 320000

NC = 2
NS = 16
L = 16
NW = NC * NS
EPT = E // NW
K = 64
NCHUNK = (EPT + K - 1) // K
PADE = NCHUNK * K - EPT
NP = N + 16
RPT = 624
TAIL = N - NS * RPT

R = 400



def _pre_body(x_ref, w_ref, avs_ref, avd_ref, h_ref, as_ref, ad_ref):
    h = jnp.dot(x_ref[...], w_ref[...], preferred_element_type=jnp.float32)
    h_ref[...] = h
    as_ref[...] = jnp.sum(h * avs_ref[...], axis=1, keepdims=True)
    ad_ref[...] = jnp.sum(h * avd_ref[...], axis=1, keepdims=True)


def _tc_pre(x, W, a_s, a_d):
    return pl.pallas_call(
        _pre_body,
        grid=(N // R,),
        in_specs=[
            pl.BlockSpec((R, D), lambda i: (i, 0)),
            pl.BlockSpec((D, D), lambda i: (0, 0)),
            pl.BlockSpec((1, D), lambda i: (0, 0)),
            pl.BlockSpec((1, D), lambda i: (0, 0)),
        ],
        out_specs=[
            pl.BlockSpec((R, D), lambda i: (i, 0)),
            pl.BlockSpec((R, 1), lambda i: (i, 0)),
            pl.BlockSpec((R, 1), lambda i: (i, 0)),
        ],
        out_shape=[
            jax.ShapeDtypeStruct((N, D), jnp.float32),
            jax.ShapeDtypeStruct((N, 1), jnp.float32),
            jax.ShapeDtypeStruct((N, 1), jnp.float32),
        ],
    )(x, W, a_s.reshape(1, D), a_d.reshape(1, D))


def _post_body(ah_ref, dpart_ref, h_ref, as_ref, advr_ref, c_ref, b_ref,
               fcw_ref, fcb_ref, o_ref):
    z = as_ref[...] + advr_ref[...]
    e = jnp.maximum(z, 0.2 * z)
    exs = jnp.exp(e - c_ref[0, 0])
    S = ah_ref[0] + ah_ref[1] + exs * h_ref[...]
    den = dpart_ref[...] + exs + 1e-16
    y = S / den + b_ref[...]
    y = jnp.where(y > 0, y, jnp.exp(jnp.minimum(y, 0.0)) - 1.0)
    o_ref[...] = (jnp.dot(y, fcw_ref[...], preferred_element_type=jnp.float32)
                  + fcb_ref[...])


def _tc_post(acch, den2d, h, as2d, ad2d, c2d, b, fcw, fcb):
    return pl.pallas_call(
        _post_body,
        grid=(N // R,),
        in_specs=[
            pl.BlockSpec((NC, R, D), lambda i: (0, i, 0)),
            pl.BlockSpec((R, 1), lambda i: (i, 0)),
            pl.BlockSpec((R, D), lambda i: (i, 0)),
            pl.BlockSpec((R, 1), lambda i: (i, 0)),
            pl.BlockSpec((R, 1), lambda i: (i, 0)),
            pl.BlockSpec((1, 1), lambda i: (0, 0)),
            pl.BlockSpec((1, D), lambda i: (0, 0)),
            pl.BlockSpec((D, D), lambda i: (0, 0)),
            pl.BlockSpec((1, D), lambda i: (0, 0)),
        ],
        out_specs=pl.BlockSpec((R, D), lambda i: (i, 0)),
        out_shape=jax.ShapeDtypeStruct((N, D), jnp.float32),
    )(acch, den2d, h, as2d, ad2d, c2d, b.reshape(1, D), fcw, fcb.reshape(1, D))


def _final_body(h_ref, w_ref, b_ref, g_ref, o_ref):
    z = (jnp.dot(h_ref[...], w_ref[...], preferred_element_type=jnp.float32)
         + b_ref[...] + g_ref[...])
    m = jnp.max(z, axis=1, keepdims=True)
    p = jnp.exp(z - m)
    o_ref[...] = p / jnp.sum(p, axis=1, keepdims=True)


def _tc_final(h, fow, fob, g):
    return pl.pallas_call(
        _final_body,
        grid=(N // R,),
        in_specs=[
            pl.BlockSpec((R, D), lambda i: (i, 0)),
            pl.BlockSpec((D, D), lambda i: (0, 0)),
            pl.BlockSpec((1, D), lambda i: (0, 0)),
            pl.BlockSpec((R, D), lambda i: (i, 0)),
        ],
        out_specs=pl.BlockSpec((R, D), lambda i: (i, 0)),
        out_shape=jax.ShapeDtypeStruct((N, D), jnp.float32),
    )(h, fow, fob.reshape(1, D), g)



def _sc_edge(h, asv, adv, cvec, sd3, zh, zd):
    mesh = plsc.VectorSubcoreMesh(core_axis_name="c", subcore_axis_name="s")
    cp = pltpu.CompilerParams()
    if "needs_layout_passes" in pltpu.CompilerParams.__dataclass_fields__:
        cp = dataclasses.replace(cp, needs_layout_passes=False)

    @functools.partial(
        pl.kernel,
        mesh=mesh,
        compiler_params=cp,
        out_type=[
            jax.ShapeDtypeStruct((NC * N, D), jnp.float32),
            jax.ShapeDtypeStruct((NW, NP), jnp.float32),
        ],
        scratch_types=[
            pltpu.VMEM((NP,), jnp.float32),
            pltpu.VMEM((NP,), jnp.float32),
            pltpu.VMEM((L,), jnp.float32),
            pltpu.VMEM((3, 2, K), jnp.int32),
            pltpu.VMEM((K,), jnp.float32),
            pltpu.VMEM((K, D), jnp.float32),
            pltpu.VMEM((K, D), jnp.float32),
            pltpu.VMEM((NP,), jnp.float32),
            pltpu.VMEM_SHARED((NP, D), jnp.float32),
            pltpu.SemaphoreType.DMA,
            pltpu.SemaphoreType.DMA,
            pltpu.SemaphoreType.DMA,
            pltpu.SemaphoreType.DMA,
            pltpu.SemaphoreType.DMA,
        ],
    )
    def k(h_hbm, asv_hbm, adv_hbm, c_hbm, sd_hbm, zh_hbm, zd_hbm,
          outh_hbm, outd_hbm,
          asv_v, adv_v, c_v, sdb, ex_v, rows_a, rows_b,
          denom_v, acc_h, isem, gsem_a, gsem_b, ssem_a, ssem_b):
        cid = lax.axis_index("c")
        sid = lax.axis_index("s")
        wid = sid * NC + cid

        pltpu.sync_copy(asv_hbm, asv_v.at[pl.ds(0, N)])
        pltpu.sync_copy(adv_hbm, adv_v.at[pl.ds(0, N)])
        pltpu.sync_copy(c_hbm, c_v)
        zero16 = jnp.zeros((L,), jnp.float32)
        asv_v[pl.ds(N, L)] = zero16
        adv_v[pl.ds(N, L)] = zero16

        @pl.loop(0, NP, step=L)
        def _(i):
            denom_v[pl.ds(i, L)] = zero16

        @pl.loop(0, RPT, step=104)
        def _(rr):
            pltpu.sync_copy(zh_hbm.at[pl.ds(sid * RPT + rr, 104)],
                            acc_h.at[pl.ds(sid * RPT + rr, 104)])

        @pl.when(sid == NS - 1)
        def _():
            pltpu.sync_copy(zh_hbm.at[pl.ds(NS * RPT, TAIL)],
                            acc_h.at[pl.ds(NS * RPT, TAIL)])

        plsc.subcore_barrier()

        cvec_r = c_v[...]

        def body(g, rows_m, gsem_m, ssem_m, rows_o, gsem_o, ssem_o):
            s_g = lax.rem(g + 3000, 3)
            s_n = lax.rem(g + 3001, 3)
            s_p = lax.rem(g + 3002, 3)

            @pl.when(g >= 1)
            def _():
                pltpu.make_async_copy(rows_o, acc_h.at[sdb.at[s_p, 1]],
                                      ssem_o).wait()

            @pl.when(jnp.logical_and(g + 1 >= 0, g + 1 <= NCHUNK - 1))
            def _():
                pltpu.make_async_copy(sd_hbm.at[wid, g + 1], sdb.at[s_n],
                                      isem).wait()
                pltpu.make_async_copy(h_hbm.at[sdb.at[s_n, 0]], rows_o,
                                      gsem_o).start()

            @pl.when(jnp.logical_and(g >= 0, g <= NCHUNK - 1))
            def _():
                for j in range(K // L):
                    s16 = sdb[s_g, 0, pl.ds(j * L, L)]
                    d16 = sdb[s_g, 1, pl.ds(j * L, L)]
                    z = (plsc.load_gather(asv_v, [s16])
                         + plsc.load_gather(adv_v, [d16]))
                    e = jnp.maximum(z, 0.2 * z)
                    ex = jnp.exp(e - cvec_r)
                    ex_v[pl.ds(j * L, L)] = ex
                    plsc.addupdate_scatter(denom_v, [d16], ex)

                pltpu.make_async_copy(h_hbm.at[sdb.at[s_g, 0]], rows_m,
                                      gsem_m).wait()
                lane = lax.iota(jnp.int32, 16)

                @pl.loop(0, K)
                def _(i):
                    exb = plsc.load_gather(ex_v, [lane * 0 + i])
                    for kk in range(D // L):
                        rows_m[i, pl.ds(kk * L, L)] = (
                            rows_m[i, pl.ds(kk * L, L)] * exb)

                pltpu.make_async_copy(rows_m, acc_h.at[sdb.at[s_g, 1]],
                                      ssem_m).start()

            @pl.when(jnp.logical_and(g + 2 >= 0, g + 2 <= NCHUNK - 1))
            def _():
                pltpu.make_async_copy(sd_hbm.at[wid, g + 2], sdb.at[s_p],
                                      isem).start()

        aset = (rows_a, gsem_a, ssem_a)
        bset = (rows_b, gsem_b, ssem_b)

        @pl.loop(0, (NCHUNK + 3) // 2)
        def _(r):
            g = 2 * r - 2
            body(g, *aset, *bset)
            body(g + 1, *bset, *aset)

        plsc.subcore_barrier()

        @pl.loop(0, RPT, step=104)
        def _(rr):
            pltpu.sync_copy(acc_h.at[pl.ds(sid * RPT + rr, 104)],
                            outh_hbm.at[pl.ds(cid * N + sid * RPT + rr, 104)])

        pltpu.sync_copy(denom_v, outd_hbm.at[wid])

        @pl.when(sid == NS - 1)
        def _():
            pltpu.sync_copy(acc_h.at[pl.ds(NS * RPT, TAIL)],
                            outh_hbm.at[pl.ds(cid * N + NS * RPT, TAIL)])

    return k(h, asv, adv, cvec, sd3, zh, zd)



def _layer(x, sd3, zh, zd, W, a_s, a_d, b, fcw, fcb):
    h, as2d, ad2d = _tc_pre(x, W, a_s, a_d)
    asv = as2d.reshape(N)
    adv = ad2d.reshape(N)
    m = jnp.max(asv) + jnp.max(adv)
    c = jnp.maximum(m, 0.2 * m)
    cvec = jnp.full((L,), 0.0, jnp.float32) + c
    outh, outd = _sc_edge(h, asv, adv, cvec, sd3, zh, zd)
    acch = outh.reshape(NC, N, D)
    den2d = jnp.sum(outd[:, :N], axis=0).reshape(N, 1)
    return _tc_post(acch, den2d, h, as2d, ad2d, c.reshape(1, 1), b, fcw, fcb)


def kernel(x, edge_index, W0, as0, ad0, b0, fcw0, fcb0,
           W1, as1, ad1, b1, fcw1, fcb1, fow, fob):
    ei = edge_index.astype(jnp.int32)
    srcp = jnp.concatenate(
        [ei[0].reshape(NW, EPT), jnp.zeros((NW, PADE), jnp.int32)], axis=1)
    dstp = jnp.concatenate(
        [ei[1].reshape(NW, EPT), jnp.full((NW, PADE), N, jnp.int32)], axis=1)
    sd3 = jnp.stack([srcp.reshape(NW, NCHUNK, K),
                     dstp.reshape(NW, NCHUNK, K)], axis=2)
    zh = jnp.zeros((N, D), jnp.float32)
    zd = jnp.zeros((N,), jnp.float32)

    h1 = _layer(x, sd3, zh, zd, W0, as0, ad0, b0, fcw0, fcb0)
    h2 = _layer(h1, sd3, zh, zd, W1, as1, ad1, b1, fcw1, fcb1)

    u = jax.random.uniform(jax.random.key(42), (N, D), jnp.float32)
    g = -jnp.log(-jnp.log(u + 1e-20) + 1e-20)
    return _tc_final(h2, fow, fob, g)

# --- scband reference (transcript-rebuilt; emitter-appended) ---
"""Pipeline reference for scband-interaction-based-attention-model-8787503088332 (READ-ONLY COPY).

The authoritative reference and input builder live on the scoring server;
editing this copy changes nothing except your own understanding.
"""

import jax, jax.numpy as jnp
import numpy as np

N = 10000
E = 320000
D_IN = 128
D_HID = 128
D_OUT = 128


def _glorot(k, shape):
    fan_in, fan_out = shape[0], shape[-1]
    lim = float(np.sqrt(6.0 / (fan_in + fan_out)))
    return jax.random.uniform(k, shape, jnp.float32, -lim, lim)


def _gat_layer(x, src, dst, W, a_src, a_dst, b, fcw, fcb):
    n = x.shape[0]
    h = x @ W
    alpha_src = (h * a_src).sum(-1)
    alpha_dst = (h * a_dst).sum(-1)
    e = jax.nn.leaky_relu(alpha_src[src] + alpha_dst[dst], 0.2)
    emax = jax.ops.segment_max(e, dst, num_segments=n)
    emax = jnp.where(jnp.isfinite(emax), emax, 0.0)
    ex = jnp.exp(e - emax[dst])
    denom = jax.ops.segment_sum(ex, dst, num_segments=n)
    alpha = ex / (denom[dst] + 1e-16)
    agg = jax.ops.segment_sum(h[src] * alpha[:, None], dst, num_segments=n) + b
    agg = jax.nn.elu(agg)
    return agg @ fcw + fcb


def setup_inputs(seed: int = 0):
    key = jax.random.key(seed)
    ks = jax.random.split(key, 16)
    x = jax.random.normal(ks[0], (N, D_IN), jnp.float32)
    edge_index = jax.random.randint(ks[1], (2, E), 0, N)
    inp = {"x": x, "edge_index": edge_index}
    dims = [(D_IN, D_HID), (D_HID, D_HID)]
    for i, (di, dh) in enumerate(dims):
        inp[f"W{i}"] = _glorot(ks[2 + 5 * i], (di, dh))
        inp[f"as{i}"] = _glorot(ks[3 + 5 * i], (1, dh))[0]
        inp[f"ad{i}"] = _glorot(ks[4 + 5 * i], (1, dh))[0]
        inp[f"b{i}"] = jnp.zeros((dh,), jnp.float32)
        inp[f"fcw{i}"] = _glorot(ks[5 + 5 * i], (dh, dh))
        inp[f"fcb{i}"] = jnp.zeros((dh,), jnp.float32)
    inp["fow"] = _glorot(ks[13], (D_HID, D_OUT))
    inp["fob"] = jnp.zeros((D_OUT,), jnp.float32)
    return inp


def reference(x, edge_index, W0, as0, ad0, b0, fcw0, fcb0, W1, as1, ad1, b1, fcw1, fcb1, fow, fob):
    n = x.shape[0]
    loops = jnp.arange(n).astype(edge_index.dtype)
    src = jnp.concatenate([edge_index[0], loops])
    dst = jnp.concatenate([edge_index[1], loops])
    h = _gat_layer(x, src, dst, W0, as0, ad0, b0, fcw0, fcb0)
    h = _gat_layer(h, src, dst, W1, as1, ad1, b1, fcw1, fcb1)
    logits = h @ fow + fob
    u = jax.random.uniform(jax.random.key(42), logits.shape, jnp.float32)
    g = -jnp.log(-jnp.log(u + 1e-20) + 1e-20)
    return jax.nn.softmax((logits + g) / 1.0, axis=-1)

if __name__ == "__main__":
    import jax
    _d = setup_inputs()
    print(jax.jit(kernel)(*tuple(_d.values())))

</pallas_src>

<mosaic_0001>
#map = affine_map<(d0, d1) -> (0, 0)>
#map1 = affine_map<(d0, d1) -> (0)>
#map2 = affine_map<(d0, d1) -> (0, 0, 0, 0)>
module attributes {stable_mosaic.version = 14 : i64} {
  func.func @k(%arg0: i32, %arg1: i32, %arg2: memref<10000x128xf32, #tpu.memory_space<hbm>>, %arg3: memref<10000xf32, #tpu.memory_space<hbm>>, %arg4: memref<10000xf32, #tpu.memory_space<hbm>>, %arg5: memref<16xf32, #tpu.memory_space<hbm>>, %arg6: memref<32x157x2x64xi32, #tpu.memory_space<hbm>>, %arg7: memref<10000x128xf32, #tpu.memory_space<hbm>>, %arg8: memref<10000xf32, #tpu.memory_space<hbm>>, %arg9: memref<20000x128xf32, #tpu.memory_space<hbm>>, %arg10: memref<32x10016xf32, #tpu.memory_space<hbm>>, %arg11: memref<10016xf32, #tpu.memory_space<vmem>>, %arg12: memref<10016xf32, #tpu.memory_space<vmem>>, %arg13: memref<16xf32, #tpu.memory_space<vmem>>, %arg14: memref<3x2x64xi32, #tpu.memory_space<vmem>>, %arg15: memref<64xf32, #tpu.memory_space<vmem>>, %arg16: memref<64x128xf32, #tpu.memory_space<vmem>>, %arg17: memref<64x128xf32, #tpu.memory_space<vmem>>, %arg18: memref<10016xf32, #tpu.memory_space<vmem>>, %arg19: memref<10016x128xf32, #tpu.memory_space<vmem_shared>>, %arg20: memref<!tpu.dma_semaphore, #tpu.memory_space<semaphore_mem>>, %arg21: memref<!tpu.dma_semaphore, #tpu.memory_space<semaphore_mem>>, %arg22: memref<!tpu.dma_semaphore, #tpu.memory_space<semaphore_mem>>, %arg23: memref<!tpu.dma_semaphore, #tpu.memory_space<semaphore_mem>>, %arg24: memref<!tpu.dma_semaphore, #tpu.memory_space<semaphore_mem>>) attributes {dimension_semantics = [#tpu.dimension_semantics<core_parallel>, #tpu.dimension_semantics<subcore_parallel>], iteration_bounds = array<i64: 2, 16>, scalar_prefetch = 0 : i64, scratch_operands = 14 : i64, tpu.core_type = #tpu.core_type<sc_vector_subcore>, window_params = [{transform_indices = #map}, {transform_indices = #map1}, {transform_indices = #map1}, {transform_indices = #map1}, {transform_indices = #map2}, {transform_indices = #map}, {transform_indices = #map1}, {transform_indices = #map}, {transform_indices = #map}]} {
    %mul3A = arith.constant 2 : i32
    %mul3A_0 = arith.muli %arg1, %mul3A : i32
    %add3A = arith.addi %mul3A_0, %arg0 : i32
    "tpu.region"() ({
      %run_scoped3A = tpu.sem_alloc : memref<!tpu.dma_semaphore, #tpu.memory_space<semaphore_mem>>
      %dma_start3A = arith.constant 0 : i32
      %dma_start3A_33 = tpu.memref_slice %arg11[%dma_start3A] : memref<10016xf32, #tpu.memory_space<vmem>> -> memref<10000xf32, #tpu.memory_space<vmem>>
      %dma_start3A_34 = arith.constant 0 : i32
      %dma_start3A_35 = tpu.memref_slice %arg11[%dma_start3A_34] : memref<10016xf32, #tpu.memory_space<vmem>> -> memref<10000xf32, #tpu.memory_space<vmem>>
      tpu.enqueue_dma source(%arg3 : memref<10000xf32, #tpu.memory_space<hbm>>) target(%dma_start3A_35 : memref<10000xf32, #tpu.memory_space<vmem>>) target_semaphore(%run_scoped3A : memref<!tpu.dma_semaphore, #tpu.memory_space<semaphore_mem>>)
      %dma_wait3A = arith.constant 0 : i32
      %dma_wait3A_36 = tpu.memref_slice %arg11[%dma_wait3A] : memref<10016xf32, #tpu.memory_space<vmem>> -> memref<10000xf32, #tpu.memory_space<vmem>>
      %dma_wait3A_37 = arith.constant 0 : i32
      %dma_wait3A_38 = tpu.memref_slice %arg11[%dma_wait3A_37] : memref<10016xf32, #tpu.memory_space<vmem>> -> memref<10000xf32, #tpu.memory_space<vmem>>
      tpu.wait_dma2 semaphore(%run_scoped3A : memref<!tpu.dma_semaphore, #tpu.memory_space<semaphore_mem>>) src(%arg3 : memref<10000xf32, #tpu.memory_space<hbm>>) dst(%dma_wait3A_38 : memref<10000xf32, #tpu.memory_space<vmem>>)
      tpu.yield
    }) : () -> ()
    "tpu.region"() ({
      %run_scoped3A = tpu.sem_alloc : memref<!tpu.dma_semaphore, #tpu.memory_space<semaphore_mem>>
      %dma_start3A = arith.constant 0 : i32
      %dma_start3A_33 = tpu.memref_slice %arg12[%dma_start3A] : memref<10016xf32, #tpu.memory_space<vmem>> -> memref<10000xf32, #tpu.memory_space<vmem>>
      %dma_start3A_34 = arith.constant 0 : i32
      %dma_start3A_35 = tpu.memref_slice %arg12[%dma_start3A_34] : memref<10016xf32, #tpu.memory_space<vmem>> -> memref<10000xf32, #tpu.memory_space<vmem>>
      tpu.enqueue_dma source(%arg4 : memref<10000xf32, #tpu.memory_space<hbm>>) target(%dma_start3A_35 : memref<10000xf32, #tpu.memory_space<vmem>>) target_semaphore(%run_scoped3A : memref<!tpu.dma_semaphore, #tpu.memory_space<semaphore_mem>>)
      %dma_wait3A = arith.constant 0 : i32
      %dma_wait3A_36 = tpu.memref_slice %arg12[%dma_wait3A] : memref<10016xf32, #tpu.memory_space<vmem>> -> memref<10000xf32, #tpu.memory_space<vmem>>
      %dma_wait3A_37 = arith.constant 0 : i32
      %dma_wait3A_38 = tpu.memref_slice %arg12[%dma_wait3A_37] : memref<10016xf32, #tpu.memory_space<vmem>> -> memref<10000xf32, #tpu.memory_space<vmem>>
      tpu.wait_dma2 semaphore(%run_scoped3A : memref<!tpu.dma_semaphore, #tpu.memory_space<semaphore_mem>>) src(%arg4 : memref<10000xf32, #tpu.memory_space<hbm>>) dst(%dma_wait3A_38 : memref<10000xf32, #tpu.memory_space<vmem>>)
      tpu.yield
    }) : () -> ()
    "tpu.region"() ({
      %run_scoped3A = tpu.sem_alloc : memref<!tpu.dma_semaphore, #tpu.memory_space<semaphore_mem>>
      tpu.enqueue_dma source(%arg5 : memref<16xf32, #tpu.memory_space<hbm>>) target(%arg13 : memref<16xf32, #tpu.memory_space<vmem>>) target_semaphore(%run_scoped3A : memref<!tpu.dma_semaphore, #tpu.memory_space<semaphore_mem>>)
      tpu.wait_dma2 semaphore(%run_scoped3A : memref<!tpu.dma_semaphore, #tpu.memory_space<semaphore_mem>>) src(%arg5 : memref<16xf32, #tpu.memory_space<hbm>>) dst(%arg13 : memref<16xf32, #tpu.memory_space<vmem>>)
      tpu.yield
    }) : () -> ()
    %broadcast_in_dim3A = arith.constant 0.000000e+00 : f32
    %broadcast_in_dim3A_1 = vector.broadcast %broadcast_in_dim3A : f32 to vector<16xf32>
    %swap3A = arith.constant 10000 : index
    %swap3A_2 = tpu.vector_load %arg11[%swap3A] {strides = array<i32>} : memref<10016xf32, #tpu.memory_space<vmem>>, vector<16xf32>,
    tpu.vector_store %arg11[%swap3A], %broadcast_in_dim3A_1 {strides = array<i32>} : memref<10016xf32, #tpu.memory_space<vmem>>, vector<16xf32>,
    %swap3A_3 = arith.constant 10000 : index
    %swap3A_4 = tpu.vector_load %arg12[%swap3A_3] {strides = array<i32>} : memref<10016xf32, #tpu.memory_space<vmem>>, vector<16xf32>,
    tpu.vector_store %arg12[%swap3A_3], %broadcast_in_dim3A_1 {strides = array<i32>} : memref<10016xf32, #tpu.memory_space<vmem>>, vector<16xf32>,
    %scan3A = arith.constant 0 : i32
    %scan3A_5 = arith.constant 626 : i32
    %scan3A_6 = arith.addi %scan3A, %scan3A_5 : i32
    %scan3A_7 = arith.constant 1 : i32
    scf.for %scan3A_33 = %scan3A to %scan3A_6 step %scan3A_7  : i32 {
      %mul3A_34 = arith.constant 16 : i32
      %mul3A_35 = arith.muli %scan3A_33, %mul3A_34 : i32
      %add3A_36 = arith.constant 0 : i32
      %add3A_37 = arith.addi %add3A_36, %mul3A_35 : i32
      %swap3A_38 = arith.index_cast %add3A_37 : i32 to index
      %swap3A_39 = tpu.vector_load %arg18[%swap3A_38] {strides = array<i32>} : memref<10016xf32, #tpu.memory_space<vmem>>, vector<16xf32>,
      tpu.vector_store %arg18[%swap3A_38], %broadcast_in_dim3A_1 {strides = array<i32>} : memref<10016xf32, #tpu.memory_space<vmem>>, vector<16xf32>,
    }
    %scan3A_8 = arith.constant 626 : i32
    %scan3A_9 = arith.constant 0 : i32
    %scan3A_10 = arith.constant 6 : i32
    %scan3A_11 = arith.addi %scan3A_9, %scan3A_10 : i32
    %scan3A_12 = arith.constant 1 : i32
    scf.for %scan3A_33 = %scan3A_9 to %scan3A_11 step %scan3A_12  : i32 {
      %mul3A_34 = arith.constant 104 : i32
      %mul3A_35 = arith.muli %scan3A_33, %mul3A_34 : i32
      %add3A_36 = arith.constant 0 : i32
      %add3A_37 = arith.addi %add3A_36, %mul3A_35 : i32
      %mul3A_38 = arith.constant 624 : i32
      %mul3A_39 = arith.muli %arg1, %mul3A_38 : i32
      %add3A_40 = arith.addi %mul3A_39, %add3A_37 : i32
      %mul3A_41 = arith.constant 624 : i32
      %mul3A_42 = arith.muli %arg1, %mul3A_41 : i32
      %add3A_43 = arith.addi %mul3A_42, %add3A_37 : i32
      "tpu.region"() ({
        %run_scoped3A = tpu.sem_alloc : memref<!tpu.dma_semaphore, #tpu.memory_space<semaphore_mem>>
        %dma_start3A = arith.constant 0 : i32
        %dma_start3A_44 = tpu.memref_slice %arg19[%add3A_43, %dma_start3A] : memref<10016x128xf32, #tpu.memory_space<vmem_shared>> -> memref<104x128xf32, #tpu.memory_space<vmem_shared>>
        %dma_start3A_45 = arith.constant 0 : i32
        %dma_start3A_46 = tpu.memref_slice %arg7[%add3A_40, %dma_start3A_45] : memref<10000x128xf32, #tpu.memory_space<hbm>> -> memref<104x128xf32, #tpu.memory_space<hbm>>
        tpu.enqueue_dma source(%dma_start3A_46 : memref<104x128xf32, #tpu.memory_space<hbm>>) target(%dma_start3A_44 : memref<104x128xf32, #tpu.memory_space<vmem_shared>>) target_semaphore(%run_scoped3A : memref<!tpu.dma_semaphore, #tpu.memory_space<semaphore_mem>>)
        %dma_wait3A = arith.constant 0 : i32
        %dma_wait3A_47 = tpu.memref_slice %arg19[%add3A_43, %dma_wait3A] : memref<10016x128xf32, #tpu.memory_space<vmem_shared>> -> memref<104x128xf32, #tpu.memory_space<vmem_shared>>
        %dma_wait3A_48 = arith.constant 0 : i32
        %dma_wait3A_49 = tpu.memref_slice %arg7[%add3A_40, %dma_wait3A_48] : memref<10000x128xf32, #tpu.memory_space<hbm>> -> memref<104x128xf32, #tpu.memory_space<hbm>>
        tpu.wait_dma2 semaphore(%run_scoped3A : memref<!tpu.dma_semaphore, #tpu.memory_space<semaphore_mem>>) src(%dma_wait3A_49 : memref<104x128xf32, #tpu.memory_space<hbm>>) dst(%dma_wait3A_47 : memref<104x128xf32, #tpu.memory_space<vmem_shared>>)
        tpu.yield
      }) : () -> ()
    }
    %scan3A_13 = arith.constant 6 : i32
    %eq3A = arith.constant 15 : i32
    %eq3A_14 = arith.cmpi eq, %arg1, %eq3A : i32
    %convert_element_type3A = arith.extui %eq3A_14 : i1 to i32
    %cond3A = arith.constant 0 : i32
    %cond3A_15 = arith.cmpi ne, %convert_element_type3A, %cond3A : i32
    scf.if %cond3A_15 {
      "tpu.region"() ({
        %run_scoped3A = tpu.sem_alloc : memref<!tpu.dma_semaphore, #tpu.memory_space<semaphore_mem>>
        %dma_start3A = arith.constant 9984 : i32
        %dma_start3A_33 = arith.constant 0 : i32
        %dma_start3A_34 = tpu.memref_slice %arg19[%dma_start3A, %dma_start3A_33] : memref<10016x128xf32, #tpu.memory_space<vmem_shared>> -> memref<16x128xf32, #tpu.memory_space<vmem_shared>>
        %dma_start3A_35 = arith.constant 9984 : i32
        %dma_start3A_36 = arith.constant 0 : i32
        %dma_start3A_37 = tpu.memref_slice %arg7[%dma_start3A_35, %dma_start3A_36] : memref<10000x128xf32, #tpu.memory_space<hbm>> -> memref<16x128xf32, #tpu.memory_space<hbm>>
        tpu.enqueue_dma source(%dma_start3A_37 : memref<16x128xf32, #tpu.memory_space<hbm>>) target(%dma_start3A_34 : memref<16x128xf32, #tpu.memory_space<vmem_shared>>) target_semaphore(%run_scoped3A : memref<!tpu.dma_semaphore, #tpu.memory_space<semaphore_mem>>)
        %dma_wait3A = arith.constant 9984 : i32
        %dma_wait3A_38 = arith.constant 0 : i32
        %dma_wait3A_39 = tpu.memref_slice %arg19[%dma_wait3A, %dma_wait3A_38] : memref<10016x128xf32, #tpu.memory_space<vmem_shared>> -> memref<16x128xf32, #tpu.memory_space<vmem_shared>>
        %dma_wait3A_40 = arith.constant 9984 : i32
        %dma_wait3A_41 = arith.constant 0 : i32
        %dma_wait3A_42 = tpu.memref_slice %arg7[%dma_wait3A_40, %dma_wait3A_41] : memref<10000x128xf32, #tpu.memory_space<hbm>> -> memref<16x128xf32, #tpu.memory_space<hbm>>
        tpu.wait_dma2 semaphore(%run_scoped3A : memref<!tpu.dma_semaphore, #tpu.memory_space<semaphore_mem>>) src(%dma_wait3A_42 : memref<16x128xf32, #tpu.memory_space<hbm>>) dst(%dma_wait3A_39 : memref<16x128xf32, #tpu.memory_space<vmem_shared>>)
        tpu.yield
      }) : () -> ()
    } else {
    }
    %barrier3A = arith.constant 0 : index
    tpu.barrier barrier_id(%barrier3A)
    %get3A = arith.constant 0 : index
    %get3A_16 = tpu.vector_load %arg13[%get3A] {strides = array<i32>} : memref<16xf32, #tpu.memory_space<vmem>>, vector<16xf32>,
    %scan3A_17 = arith.constant 0 : i32
    %scan3A_18 = arith.constant 80 : i32
    %scan3A_19 = arith.addi %scan3A_17, %scan3A_18 : i32
    %scan3A_20 = arith.constant 1 : i32
    scf.for %scan3A_33 = %scan3A_17 to %scan3A_19 step %scan3A_20  : i32 {
      %mul3A_34 = arith.constant 1 : i32
      %mul3A_35 = arith.muli %scan3A_33, %mul3A_34 : i32
      %add3A_36 = arith.constant 0 : i32
      %add3A_37 = arith.addi %add3A_36, %mul3A_35 : i32
      %mul3A_38 = arith.constant 2 : i32
      %mul3A_39 = arith.muli %mul3A_38, %add3A_37 : i32
      %sub3A = arith.constant 2 : i32
      %sub3A_40 = arith.subi %mul3A_39, %sub3A : i32
      %add3A_41 = arith.constant 3000 : i32
      %add3A_42 = arith.addi %sub3A_40, %add3A_41 : i32
      %rem3A = arith.constant 3 : i32
      %rem3A_43 = arith.remsi %add3A_42, %rem3A : i32
      %add3A_44 = arith.constant 3001 : i32
      %add3A_45 = arith.addi %sub3A_40, %add3A_44 : i32
      %rem3A_46 = arith.constant 3 : i32
      %rem3A_47 = arith.remsi %add3A_45, %rem3A_46 : i32
      %add3A_48 = arith.constant 3002 : i32
      %add3A_49 = arith.addi %sub3A_40, %add3A_48 : i32
      %rem3A_50 = arith.constant 3 : i32
      %rem3A_51 = arith.remsi %add3A_49, %rem3A_50 : i32
      %ge3A = arith.constant 1 : i32
      %ge3A_52 = arith.cmpi sge, %sub3A_40, %ge3A : i32
      %convert_element_type3A_53 = arith.extui %ge3A_52 : i1 to i32
      %cond3A_54 = arith.constant 0 : i32
      %cond3A_55 = arith.cmpi ne, %convert_element_type3A_53, %cond3A_54 : i32
      scf.if %cond3A_55 {
        %dma_wait3A = arith.constant 1 : i32
        %dma_wait3A_137 = arith.constant 0 : i32
        %dma_wait3A_138 = tpu.memref_slice %arg14[%rem3A_51, %dma_wait3A, %dma_wait3A_137] : memref<3x2x64xi32, #tpu.memory_space<vmem>> -> memref<1x1x64xi32, #tpu.memory_space<vmem>>
        %dma_wait3A_139 = tpu.memref_squeeze %dma_wait3A_138 : memref<1x1x64xi32, #tpu.memory_space<vmem>> -> memref<64xi32, #tpu.memory_space<vmem>>
        %dma_wait3A_140 = arith.constant 0 : i32
        %dma_wait3A_141 = arith.constant 0 : i32
        %dma_wait3A_142 = tpu.memref_slice %arg19[%dma_wait3A_140, %dma_wait3A_141] : memref<10016x128xf32, #tpu.memory_space<vmem_shared>> -> memref<10016x128xf32, #tpu.memory_space<vmem_shared>>
        tpu.wait_indirect_dma semaphore(%arg24 : memref<!tpu.dma_semaphore, #tpu.memory_space<semaphore_mem>>) src(%arg17 : memref<64x128xf32, #tpu.memory_space<vmem>>) dst(%dma_wait3A_142 : memref<10016x128xf32, #tpu.memory_space<vmem_shared>>)
      } else {
      }
      %add3A_56 = arith.constant 1 : i32
      %add3A_57 = arith.addi %sub3A_40, %add3A_56 : i32
      %ge3A_58 = arith.constant 0 : i32
      %ge3A_59 = arith.cmpi sge, %add3A_57, %ge3A_58 : i32
      %add3A_60 = arith.constant 1 : i32
      %add3A_61 = arith.addi %sub3A_40, %add3A_60 : i32
      %le3A = arith.constant 156 : i32
      %le3A_62 = arith.cmpi sle, %add3A_61, %le3A : i32
      %and3A = arith.andi %ge3A_59, %le3A_62 : i1
      %convert_element_type3A_63 = arith.extui %and3A : i1 to i32
      %cond3A_64 = arith.constant 0 : i32
      %cond3A_65 = arith.cmpi ne, %convert_element_type3A_63, %cond3A_64 : i32
      scf.if %cond3A_65 {
        %add3A_137 = arith.constant 1 : i32
        %add3A_138 = arith.addi %sub3A_40, %add3A_137 : i32
        %dma_wait3A = arith.constant 0 : i32
        %dma_wait3A_139 = arith.constant 0 : i32
        %dma_wait3A_140 = tpu.memref_slice %arg14[%rem3A_47, %dma_wait3A, %dma_wait3A_139] : memref<3x2x64xi32, #tpu.memory_space<vmem>> -> memref<1x2x64xi32, #tpu.memory_space<vmem>>
        %dma_wait3A_141 = tpu.memref_squeeze %dma_wait3A_140 : memref<1x2x64xi32, #tpu.memory_space<vmem>> -> memref<2x64xi32, #tpu.memory_space<vmem>>
        %dma_wait3A_142 = arith.constant 0 : i32
        %dma_wait3A_143 = arith.constant 0 : i32
        %dma_wait3A_144 = tpu.memref_slice %arg6[%add3A, %add3A_138, %dma_wait3A_142, %dma_wait3A_143] : memref<32x157x2x64xi32, #tpu.memory_space<hbm>> -> memref<1x1x2x64xi32, #tpu.memory_space<hbm>>
        %dma_wait3A_145 = tpu.memref_squeeze %dma_wait3A_144 : memref<1x1x2x64xi32, #tpu.memory_space<hbm>> -> memref<2x64xi32, #tpu.memory_space<hbm>>
        %dma_wait3A_146 = arith.constant 0 : i32
        %dma_wait3A_147 = arith.constant 0 : i32
        %dma_wait3A_148 = tpu.memref_slice %arg14[%rem3A_47, %dma_wait3A_146, %dma_wait3A_147] : memref<3x2x64xi32, #tpu.memory_space<vmem>> -> memref<1x2x64xi32, #tpu.memory_space<vmem>>
        %dma_wait3A_149 = tpu.memref_squeeze %dma_wait3A_148 : memref<1x2x64xi32, #tpu.memory_space<vmem>> -> memref<2x64xi32, #tpu.memory_space<vmem>>
        %dma_wait3A_150 = arith.constant 0 : i32
        %dma_wait3A_151 = arith.constant 0 : i32
        %dma_wait3A_152 = tpu.memref_slice %arg6[%add3A, %add3A_138, %dma_wait3A_150, %dma_wait3A_151] : memref<32x157x2x64xi32, #tpu.memory_space<hbm>> -> memref<1x1x2x64xi32, #tpu.memory_space<hbm>>
        %dma_wait3A_153 = tpu.memref_squeeze %dma_wait3A_152 : memref<1x1x2x64xi32, #tpu.memory_space<hbm>> -> memref<2x64xi32, #tpu.memory_space<hbm>>
        tpu.wait_dma2 semaphore(%arg20 : memref<!tpu.dma_semaphore, #tpu.memory_space<semaphore_mem>>) src(%dma_wait3A_153 : memref<2x64xi32, #tpu.memory_space<hbm>>) dst(%dma_wait3A_149 : memref<2x64xi32, #tpu.memory_space<vmem>>)
        %dma_start3A = arith.constant 0 : i32
        %dma_start3A_154 = arith.constant 0 : i32
        %dma_start3A_155 = tpu.memref_slice %arg14[%rem3A_47, %dma_start3A, %dma_start3A_154] : memref<3x2x64xi32, #tpu.memory_space<vmem>> -> memref<1x1x64xi32, #tpu.memory_space<vmem>>
        %dma_start3A_156 = tpu.memref_squeeze %dma_start3A_155 : memref<1x1x64xi32, #tpu.memory_space<vmem>> -> memref<64xi32, #tpu.memory_space<vmem>>
        %dma_start3A_157 = arith.constant 0 : i32
        %dma_start3A_158 = arith.constant 0 : i32
        %dma_start3A_159 = tpu.memref_slice %arg2[%dma_start3A_157, %dma_start3A_158] : memref<10000x128xf32, #tpu.memory_space<hbm>> -> memref<10000x128xf32, #tpu.memory_space<hbm>>
        tpu.enqueue_indirect_dma source(%dma_start3A_159 : memref<10000x128xf32, #tpu.memory_space<hbm>>) target(%arg17 : memref<64x128xf32, #tpu.memory_space<vmem>>) offsets(%dma_start3A_156 : memref<64xi32, #tpu.memory_space<vmem>>) semaphore(%arg22 : memref<!tpu.dma_semaphore, #tpu.memory_space<semaphore_mem>>)
      } else {
      }
      %ge3A_66 = arith.constant 0 : i32
      %ge3A_67 = arith.cmpi sge, %sub3A_40, %ge3A_66 : i32
      %le3A_68 = arith.constant 156 : i32
      %le3A_69 = arith.cmpi sle, %sub3A_40, %le3A_68 : i32
      %and3A_70 = arith.andi %ge3A_67, %le3A_69 : i1
      %convert_element_type3A_71 = arith.extui %and3A_70 : i1 to i32
      %cond3A_72 = arith.constant 0 : i32
      %cond3A_73 = arith.cmpi ne, %convert_element_type3A_71, %cond3A_72 : i32
      scf.if %cond3A_73 {
        %get3A_137 = arith.constant 0 : i32
        %get3A_138 = arith.index_cast %rem3A_43 : i32 to index
        %get3A_139 = arith.index_cast %get3A_137 : i32 to index
        %get3A_140 = arith.constant 0 : index
        %get3A_141 = tpu.vector_load %arg14[%get3A_138, %get3A_139, %get3A_140] {strides = array<i32>} : memref<3x2x64xi32, #tpu.memory_space<vmem>>, vector<16xi32>,
        %get3A_142 = arith.constant 1 : i32
        %get3A_143 = arith.index_cast %rem3A_43 : i32 to index
        %get3A_144 = arith.index_cast %get3A_142 : i32 to index
        %get3A_145 = arith.constant 0 : index
        %get3A_146 = tpu.vector_load %arg14[%get3A_143, %get3A_144, %get3A_145] {strides = array<i32>} : memref<3x2x64xi32, #tpu.memory_space<vmem>>, vector<16xi32>,
        %gather3A = tpu.vector_load_idx %arg11[%get3A_141] : memref<10016xf32, #tpu.memory_space<vmem>>[vector<16xi32>], vector<16xf32>,
        %gather3A_147 = tpu.vector_load_idx %arg12[%get3A_146] : memref<10016xf32, #tpu.memory_space<vmem>>[vector<16xi32>], vector<16xf32>,
        %add3A_148 = arith.addf %gather3A, %gather3A_147 : vector<16xf32>
        %mul3A_149 = arith.constant 2.000000e-01 : f32
        %mul3A_150 = vector.broadcast %mul3A_149 : f32 to vector<16xf32>
        %mul3A_151 = arith.mulf %mul3A_150, %add3A_148 : vector<16xf32>
        %max3A = arith.maximumf %add3A_148, %mul3A_151 : vector<16xf32>
        %sub3A_152 = arith.subf %max3A, %get3A_16 : vector<16xf32>
        %exp3A = math.exp %sub3A_152 : vector<16xf32>
        %swap3A_153 = arith.constant 0 : index
        %swap3A_154 = tpu.vector_load %arg15[%swap3A_153] {strides = array<i32>} : memref<64xf32, #tpu.memory_space<vmem>>, vector<16xf32>,
        tpu.vector_store %arg15[%swap3A_153], %exp3A {strides = array<i32>} : memref<64xf32, #tpu.memory_space<vmem>>, vector<16xf32>,
        tpu.vector_store_idx %arg18[%get3A_146], %exp3A {add = true} : memref<10016xf32, #tpu.memory_space<vmem>>[vector<16xi32>], vector<16xf32>,
        %get3A_155 = arith.constant 0 : i32
        %get3A_156 = arith.index_cast %rem3A_43 : i32 to index
        %get3A_157 = arith.index_cast %get3A_155 : i32 to index
        %get3A_158 = arith.constant 16 : index
        %get3A_159 = tpu.vector_load %arg14[%get3A_156, %get3A_157, %get3A_158] {strides = array<i32>} : memref<3x2x64xi32, #tpu.memory_space<vmem>>, vector<16xi32>,
        %get3A_160 = arith.constant 1 : i32
        %get3A_161 = arith.index_cast %rem3A_43 : i32 to index
        %get3A_162 = arith.index_cast %get3A_160 : i32 to index
        %get3A_163 = arith.constant 16 : index
        %get3A_164 = tpu.vector_load %arg14[%get3A_161, %get3A_162, %get3A_163] {strides = array<i32>} : memref<3x2x64xi32, #tpu.memory_space<vmem>>, vector<16xi32>,
        %gather3A_165 = tpu.vector_load_idx %arg11[%get3A_159] : memref<10016xf32, #tpu.memory_space<vmem>>[vector<16xi32>], vector<16xf32>,
        %gather3A_166 = tpu.vector_load_idx %arg12[%get3A_164] : memref<10016xf32, #tpu.memory_space<vmem>>[vector<16xi32>], vector<16xf32>,
        %add3A_167 = arith.addf %gather3A_165, %gather3A_166 : vector<16xf32>
        %mul3A_168 = arith.constant 2.000000e-01 : f32
        %mul3A_169 = vector.broadcast %mul3A_168 : f32 to vector<16xf32>
        %mul3A_170 = arith.mulf %mul3A_169, %add3A_167 : vector<16xf32>
        %max3A_171 = arith.maximumf %add3A_167, %mul3A_170 : vector<16xf32>
        %sub3A_172 = arith.subf %max3A_171, %get3A_16 : vector<16xf32>
        %exp3A_173 = math.exp %sub3A_172 : vector<16xf32>
        %swap3A_174 = arith.constant 16 : index
        %swap3A_175 = tpu.vector_load %arg15[%swap3A_174] {strides = array<i32>} : memref<64xf32, #tpu.memory_space<vmem>>, vector<16xf32>,
        tpu.vector_store %arg15[%swap3A_174], %exp3A_173 {strides = array<i32>} : memref<64xf32, #tpu.memory_space<vmem>>, vector<16xf32>,
        tpu.vector_store_idx %arg18[%get3A_164], %exp3A_173 {add = true} : memref<10016xf32, #tpu.memory_space<vmem>>[vector<16xi32>], vector<16xf32>,
        %get3A_176 = arith.constant 0 : i32
        %get3A_177 = arith.index_cast %rem3A_43 : i32 to index
        %get3A_178 = arith.index_cast %get3A_176 : i32 to index
        %get3A_179 = arith.constant 32 : index
        %get3A_180 = tpu.vector_load %arg14[%get3A_177, %get3A_178, %get3A_179] {strides = array<i32>} : memref<3x2x64xi32, #tpu.memory_space<vmem>>, vector<16xi32>,
        %get3A_181 = arith.constant 1 : i32
        %get3A_182 = arith.index_cast %rem3A_43 : i32 to index
        %get3A_183 = arith.index_cast %get3A_181 : i32 to index
        %get3A_184 = arith.constant 32 : index
        %get3A_185 = tpu.vector_load %arg14[%get3A_182, %get3A_183, %get3A_184] {strides = array<i32>} : memref<3x2x64xi32, #tpu.memory_space<vmem>>, vector<16xi32>,
        %gather3A_186 = tpu.vector_load_idx %arg11[%get3A_180] : memref<10016xf32, #tpu.memory_space<vmem>>[vector<16xi32>], vector<16xf32>,
        %gather3A_187 = tpu.vector_load_idx %arg12[%get3A_185] : memref<10016xf32, #tpu.memory_space<vmem>>[vector<16xi32>], vector<16xf32>,
        %add3A_188 = arith.addf %gather3A_186, %gather3A_187 : vector<16xf32>
        %mul3A_189 = arith.constant 2.000000e-01 : f32
        %mul3A_190 = vector.broadcast %mul3A_189 : f32 to vector<16xf32>
        %mul3A_191 = arith.mulf %mul3A_190, %add3A_188 : vector<16xf32>
        %max3A_192 = arith.maximumf %add3A_188, %mul3A_191 : vector<16xf32>
        %sub3A_193 = arith.subf %max3A_192, %get3A_16 : vector<16xf32>
        %exp3A_194 = math.exp %sub3A_193 : vector<16xf32>
        %swap3A_195 = arith.constant 32 : index
        %swap3A_196 = tpu.vector_load %arg15[%swap3A_195] {strides = array<i32>} : memref<64xf32, #tpu.memory_space<vmem>>, vector<16xf32>,
        tpu.vector_store %arg15[%swap3A_195], %exp3A_194 {strides = array<i32>} : memref<64xf32, #tpu.memory_space<vmem>>, vector<16xf32>,
        tpu.vector_store_idx %arg18[%get3A_185], %exp3A_194 {add = true} : memref<10016xf32, #tpu.memory_space<vmem>>[vector<16xi32>], vector<16xf32>,
        %get3A_197 = arith.constant 0 : i32
        %get3A_198 = arith.index_cast %rem3A_43 : i32 to index
        %get3A_199 = arith.index_cast %get3A_197 : i32 to index
        %get3A_200 = arith.constant 48 : index
        %get3A_201 = tpu.vector_load %arg14[%get3A_198, %get3A_199, %get3A_200] {strides = array<i32>} : memref<3x2x64xi32, #tpu.memory_space<vmem>>, vector<16xi32>,
        %get3A_202 = arith.constant 1 : i32
        %get3A_203 = arith.index_cast %rem3A_43 : i32 to index
        %get3A_204 = arith.index_cast %get3A_202 : i32 to index
        %get3A_205 = arith.constant 48 : index
        %get3A_206 = tpu.vector_load %arg14[%get3A_203, %get3A_204, %get3A_205] {strides = array<i32>} : memref<3x2x64xi32, #tpu.memory_space<vmem>>, vector<16xi32>,
        %gather3A_207 = tpu.vector_load_idx %arg11[%get3A_201] : memref<10016xf32, #tpu.memory_space<vmem>>[vector<16xi32>], vector<16xf32>,
        %gather3A_208 = tpu.vector_load_idx %arg12[%get3A_206] : memref<10016xf32, #tpu.memory_space<vmem>>[vector<16xi32>], vector<16xf32>,
        %add3A_209 = arith.addf %gather3A_207, %gather3A_208 : vector<16xf32>
        %mul3A_210 = arith.constant 2.000000e-01 : f32
        %mul3A_211 = vector.broadcast %mul3A_210 : f32 to vector<16xf32>
        %mul3A_212 = arith.mulf %mul3A_211, %add3A_209 : vector<16xf32>
        %max3A_213 = arith.maximumf %add3A_209, %mul3A_212 : vector<16xf32>
        %sub3A_214 = arith.subf %max3A_213, %get3A_16 : vector<16xf32>
        %exp3A_215 = math.exp %sub3A_214 : vector<16xf32>
        %swap3A_216 = arith.constant 48 : index
        %swap3A_217 = tpu.vector_load %arg15[%swap3A_216] {strides = array<i32>} : memref<64xf32, #tpu.memory_space<vmem>>, vector<16xf32>,
        tpu.vector_store %arg15[%swap3A_216], %exp3A_215 {strides = array<i32>} : memref<64xf32, #tpu.memory_space<vmem>>, vector<16xf32>,
        tpu.vector_store_idx %arg18[%get3A_206], %exp3A_215 {add = true} : memref<10016xf32, #tpu.memory_space<vmem>>[vector<16xi32>], vector<16xf32>,
        %dma_wait3A = arith.constant 0 : i32
        %dma_wait3A_218 = arith.constant 0 : i32
        %dma_wait3A_219 = tpu.memref_slice %arg14[%rem3A_43, %dma_wait3A, %dma_wait3A_218] : memref<3x2x64xi32, #tpu.memory_space<vmem>> -> memref<1x1x64xi32, #tpu.memory_space<vmem>>
        %dma_wait3A_220 = tpu.memref_squeeze %dma_wait3A_219 : memref<1x1x64xi32, #tpu.memory_space<vmem>> -> memref<64xi32, #tpu.memory_space<vmem>>
        %dma_wait3A_221 = arith.constant 0 : i32
        %dma_wait3A_222 = arith.constant 0 : i32
        %dma_wait3A_223 = tpu.memref_slice %arg2[%dma_wait3A_221, %dma_wait3A_222] : memref<10000x128xf32, #tpu.memory_space<hbm>> -> memref<10000x128xf32, #tpu.memory_space<hbm>>
        tpu.wait_indirect_dma semaphore(%arg21 : memref<!tpu.dma_semaphore, #tpu.memory_space<semaphore_mem>>) src(%dma_wait3A_223 : memref<10000x128xf32, #tpu.memory_space<hbm>>) dst(%arg16 : memref<64x128xf32, #tpu.memory_space<vmem>>)
        %iota3A = tpu.iota {dimensions = array<i32: 0>} : vector<16xi32>
        %scan3A_224 = arith.constant 0 : i32
        %scan3A_225 = arith.constant 64 : i32
        %scan3A_226 = arith.addi %scan3A_224, %scan3A_225 : i32
        %scan3A_227 = arith.constant 1 : i32
        scf.for %scan3A_235 = %scan3A_224 to %scan3A_226 step %scan3A_227  : i32 {
          %mul3A_236 = arith.constant 1 : i32
          %mul3A_237 = arith.muli %scan3A_235, %mul3A_236 : i32
          %add3A_238 = arith.constant 0 : i32
          %add3A_239 = arith.addi %add3A_238, %mul3A_237 : i32
          %mul3A_240 = arith.constant 0 : i32
          %mul3A_241 = vector.broadcast %mul3A_240 : i32 to vector<16xi32>
          %mul3A_242 = arith.muli %iota3A, %mul3A_241 : vector<16xi32>
          %add3A_243 = vector.broadcast %add3A_239 : i32 to vector<16xi32>
          %add3A_244 = arith.addi %mul3A_242, %add3A_243 : vector<16xi32>
          %gather3A_245 = tpu.vector_load_idx %arg15[%add3A_244] : memref<64xf32, #tpu.memory_space<vmem>>[vector<16xi32>], vector<16xf32>,
          %get3A_246 = arith.index_cast %add3A_239 : i32 to index
          %get3A_247 = arith.constant 0 : index
          %get3A_248 = tpu.vector_load %arg16[%get3A_246, %get3A_247] {strides = array<i32>} : memref<64x128xf32, #tpu.memory_space<vmem>>, vector<16xf32>,
          %mul3A_249 = arith.mulf %get3A_248, %gather3A_245 : vector<16xf32>
          %swap3A_250 = arith.index_cast %add3A_239 : i32 to index
          %swap3A_251 = arith.constant 0 : index
          %swap3A_252 = tpu.vector_load %arg16[%swap3A_250, %swap3A_251] {strides = array<i32>} : memref<64x128xf32, #tpu.memory_space<vmem>>, vector<16xf32>,
          tpu.vector_store %arg16[%swap3A_250, %swap3A_251], %mul3A_249 {strides = array<i32>} : memref<64x128xf32, #tpu.memory_space<vmem>>, vector<16xf32>,
          %get3A_253 = arith.index_cast %add3A_239 : i32 to index
          %get3A_254 = arith.constant 16 : index
          %get3A_255 = tpu.vector_load %arg16[%get3A_253, %get3A_254] {strides = array<i32>} : memref<64x128xf32, #tpu.memory_space<vmem>>, vector<16xf32>,
          %mul3A_256 = arith.mulf %get3A_255, %gather3A_245 : vector<16xf32>
          %swap3A_257 = arith.index_cast %add3A_239 : i32 to index
          %swap3A_258 = arith.constant 16 : index
          %swap3A_259 = tpu.vector_load %arg16[%swap3A_257, %swap3A_258] {strides = array<i32>} : memref<64x128xf32, #tpu.memory_space<vmem>>, vector<16xf32>,
          tpu.vector_store %arg16[%swap3A_257, %swap3A_258], %mul3A_256 {strides = array<i32>} : memref<64x128xf32, #tpu.memory_space<vmem>>, vector<16xf32>,
          %get3A_260 = arith.index_cast %add3A_239 : i32 to index
          %get3A_261 = arith.constant 32 : index
          %get3A_262 = tpu.vector_load %arg16[%get3A_260, %get3A_261] {strides = array<i32>} : memref<64x128xf32, #tpu.memory_space<vmem>>, vector<16xf32>,
          %mul3A_263 = arith.mulf %get3A_262, %gather3A_245 : vector<16xf32>
          %swap3A_264 = arith.index_cast %add3A_239 : i32 to index
          %swap3A_265 = arith.constant 32 : index
          %swap3A_266 = tpu.vector_load %arg16[%swap3A_264, %swap3A_265] {strides = array<i32>} : memref<64x128xf32, #tpu.memory_space<vmem>>, vector<16xf32>,
          tpu.vector_store %arg16[%swap3A_264, %swap3A_265], %mul3A_263 {strides = array<i32>} : memref<64x128xf32, #tpu.memory_space<vmem>>, vector<16xf32>,
          %get3A_267 = arith.index_cast %add3A_239 : i32 to index
          %get3A_268 = arith.constant 48 : index
          %get3A_269 = tpu.vector_load %arg16[%get3A_267, %get3A_268] {strides = array<i32>} : memref<64x128xf32, #tpu.memory_space<vmem>>, vector<16xf32>,
          %mul3A_270 = arith.mulf %get3A_269, %gather3A_245 : vector<16xf32>
          %swap3A_271 = arith.index_cast %add3A_239 : i32 to index
          %swap3A_272 = arith.constant 48 : index
          %swap3A_273 = tpu.vector_load %arg16[%swap3A_271, %swap3A_272] {strides = array<i32>} : memref<64x128xf32, #tpu.memory_space<vmem>>, vector<16xf32>,
          tpu.vector_store %arg16[%swap3A_271, %swap3A_272], %mul3A_270 {strides = array<i32>} : memref<64x128xf32, #tpu.memory_space<vmem>>, vector<16xf32>,
          %get3A_274 = arith.index_cast %add3A_239 : i32 to index
          %get3A_275 = arith.constant 64 : index
          %get3A_276 = tpu.vector_load %arg16[%get3A_274, %get3A_275] {strides = array<i32>} : memref<64x128xf32, #tpu.memory_space<vmem>>, vector<16xf32>,
          %mul3A_277 = arith.mulf %get3A_276, %gather3A_245 : vector<16xf32>
          %swap3A_278 = arith.index_cast %add3A_239 : i32 to index
          %swap3A_279 = arith.constant 64 : index
          %swap3A_280 = tpu.vector_load %arg16[%swap3A_278, %swap3A_279] {strides = array<i32>} : memref<64x128xf32, #tpu.memory_space<vmem>>, vector<16xf32>,
          tpu.vector_store %arg16[%swap3A_278, %swap3A_279], %mul3A_277 {strides = array<i32>} : memref<64x128xf32, #tpu.memory_space<vmem>>, vector<16xf32>,
          %get3A_281 = arith.index_cast %add3A_239 : i32 to index
          %get3A_282 = arith.constant 80 : index
          %get3A_283 = tpu.vector_load %arg16[%get3A_281, %get3A_282] {strides = array<i32>} : memref<64x128xf32, #tpu.memory_space<vmem>>, vector<16xf32>,
          %mul3A_284 = arith.mulf %get3A_283, %gather3A_245 : vector<16xf32>
          %swap3A_285 = arith.index_cast %add3A_239 : i32 to index
          %swap3A_286 = arith.constant 80 : index
          %swap3A_287 = tpu.vector_load %arg16[%swap3A_285, %swap3A_286] {strides = array<i32>} : memref<64x128xf32, #tpu.memory_space<vmem>>, vector<16xf32>,
          tpu.vector_store %arg16[%swap3A_285, %swap3A_286], %mul3A_284 {strides = array<i32>} : memref<64x128xf32, #tpu.memory_space<vmem>>, vector<16xf32>,
          %get3A_288 = arith.index_cast %add3A_239 : i32 to index
          %get3A_289 = arith.constant 96 : index
          %get3A_290 = tpu.vector_load %arg16[%get3A_288, %get3A_289] {strides = array<i32>} : memref<64x128xf32, #tpu.memory_space<vmem>>, vector<16xf32>,
          %mul3A_291 = arith.mulf %get3A_290, %gather3A_245 : vector<16xf32>
          %swap3A_292 = arith.index_cast %add3A_239 : i32 to index
          %swap3A_293 = arith.constant 96 : index
          %swap3A_294 = tpu.vector_load %arg16[%swap3A_292, %swap3A_293] {strides = array<i32>} : memref<64x128xf32, #tpu.memory_space<vmem>>, vector<16xf32>,
          tpu.vector_store %arg16[%swap3A_292, %swap3A_293], %mul3A_291 {strides = array<i32>} : memref<64x128xf32, #tpu.memory_space<vmem>>, vector<16xf32>,
          %get3A_295 = arith.index_cast %add3A_239 : i32 to index
          %get3A_296 = arith.constant 112 : index
          %get3A_297 = tpu.vector_load %arg16[%get3A_295, %get3A_296] {strides = array<i32>} : memref<64x128xf32, #tpu.memory_space<vmem>>, vector<16xf32>,
          %mul3A_298 = arith.mulf %get3A_297, %gather3A_245 : vector<16xf32>
          %swap3A_299 = arith.index_cast %add3A_239 : i32 to index
          %swap3A_300 = arith.constant 112 : index
          %swap3A_301 = tpu.vector_load %arg16[%swap3A_299, %swap3A_300] {strides = array<i32>} : memref<64x128xf32, #tpu.memory_space<vmem>>, vector<16xf32>,
          tpu.vector_store %arg16[%swap3A_299, %swap3A_300], %mul3A_298 {strides = array<i32>} : memref<64x128xf32, #tpu.memory_space<vmem>>, vector<16xf32>,
        }
        %scan3A_228 = arith.constant 64 : i32
        %dma_start3A = arith.constant 1 : i32
        %dma_start3A_229 = arith.constant 0 : i32
        %dma_start3A_230 = tpu.memref_slice %arg14[%rem3A_43, %dma_start3A, %dma_start3A_229] : memref<3x2x64xi32, #tpu.memory_space<vmem>> -> memref<1x1x64xi32, #tpu.memory_space<vmem>>
        %dma_start3A_231 = tpu.memref_squeeze %dma_start3A_230 : memref<1x1x64xi32, #tpu.memory_space<vmem>> -> memref<64xi32, #tpu.memory_space<vmem>>
        %dma_start3A_232 = arith.constant 0 : i32
        %dma_start3A_233 = arith.constant 0 : i32
        %dma_start3A_234 = tpu.memref_slice %arg19[%dma_start3A_232, %dma_start3A_233] : memref<10016x128xf32, #tpu.memory_space<vmem_shared>> -> memref<10016x128xf32, #tpu.memory_space<vmem_shared>>
        tpu.enqueue_indirect_dma source(%arg16 : memref<64x128xf32, #tpu.memory_space<vmem>>) target(%dma_start3A_234 : memref<10016x128xf32, #tpu.memory_space<vmem_shared>>) offsets(%dma_start3A_231 : memref<64xi32, #tpu.memory_space<vmem>>) semaphore(%arg23 : memref<!tpu.dma_semaphore, #tpu.memory_space<semaphore_mem>>)
      } else {
      }
      %add3A_74 = arith.constant 2 : i32
      %add3A_75 = arith.addi %sub3A_40, %add3A_74 : i32
      %ge3A_76 = arith.constant 0 : i32
      %ge3A_77 = arith.cmpi sge, %add3A_75, %ge3A_76 : i32
      %add3A_78 = arith.constant 2 : i32
      %add3A_79 = arith.addi %sub3A_40, %add3A_78 : i32
      %le3A_80 = arith.constant 156 : i32
      %le3A_81 = arith.cmpi sle, %add3A_79, %le3A_80 : i32
      %and3A_82 = arith.andi %ge3A_77, %le3A_81 : i1
      %convert_element_type3A_83 = arith.extui %and3A_82 : i1 to i32
      %cond3A_84 = arith.constant 0 : i32
      %cond3A_85 = arith.cmpi ne, %convert_element_type3A_83, %cond3A_84 : i32
      scf.if %cond3A_85 {
        %add3A_137 = arith.constant 2 : i32
        %add3A_138 = arith.addi %sub3A_40, %add3A_137 : i32
        %dma_start3A = arith.constant 0 : i32
        %dma_start3A_139 = arith.constant 0 : i32
        %dma_start3A_140 = tpu.memref_slice %arg14[%rem3A_51, %dma_start3A, %dma_start3A_139] : memref<3x2x64xi32, #tpu.memory_space<vmem>> -> memref<1x2x64xi32, #tpu.memory_space<vmem>>
        %dma_start3A_141 = tpu.memref_squeeze %dma_start3A_140 : memref<1x2x64xi32, #tpu.memory_space<vmem>> -> memref<2x64xi32, #tpu.memory_space<vmem>>
        %dma_start3A_142 = arith.constant 0 : i32
        %dma_start3A_143 = arith.constant 0 : i32
        %dma_start3A_144 = tpu.memref_slice %arg6[%add3A, %add3A_138, %dma_start3A_142, %dma_start3A_143] : memref<32x157x2x64xi32, #tpu.memory_space<hbm>> -> memref<1x1x2x64xi32, #tpu.memory_space<hbm>>
        %dma_start3A_145 = tpu.memref_squeeze %dma_start3A_144 : memref<1x1x2x64xi32, #tpu.memory_space<hbm>> -> memref<2x64xi32, #tpu.memory_space<hbm>>
        %dma_start3A_146 = arith.constant 0 : i32
        %dma_start3A_147 = arith.constant 0 : i32
        %dma_start3A_148 = tpu.memref_slice %arg14[%rem3A_51, %dma_start3A_146, %dma_start3A_147] : memref<3x2x64xi32, #tpu.memory_space<vmem>> -> memref<1x2x64xi32, #tpu.memory_space<vmem>>
        %dma_start3A_149 = tpu.memref_squeeze %dma_start3A_148 : memref<1x2x64xi32, #tpu.memory_space<vmem>> -> memref<2x64xi32, #tpu.memory_space<vmem>>
        %dma_start3A_150 = arith.constant 0 : i32
        %dma_start3A_151 = arith.constant 0 : i32
        %dma_start3A_152 = tpu.memref_slice %arg6[%add3A, %add3A_138, %dma_start3A_150, %dma_start3A_151] : memref<32x157x2x64xi32, #tpu.memory_space<hbm>> -> memref<1x1x2x64xi32, #tpu.memory_space<hbm>>
        %dma_start3A_153 = tpu.memref_squeeze %dma_start3A_152 : memref<1x1x2x64xi32, #tpu.memory_space<hbm>> -> memref<2x64xi32, #tpu.memory_space<hbm>>
        tpu.enqueue_dma source(%dma_start3A_153 : memref<2x64xi32, #tpu.memory_space<hbm>>) target(%dma_start3A_149 : memref<2x64xi32, #tpu.memory_space<vmem>>) target_semaphore(%arg20 : memref<!tpu.dma_semaphore, #tpu.memory_space<semaphore_mem>>)
      } else {
      }
      %add3A_86 = arith.constant 1 : i32
      %add3A_87 = arith.addi %sub3A_40, %add3A_86 : i32
      %add3A_88 = arith.constant 3000 : i32
      %add3A_89 = arith.addi %add3A_87, %add3A_88 : i32
      %rem3A_90 = arith.constant 3 : i32
      %rem3A_91 = arith.remsi %add3A_89, %rem3A_90 : i32
      %add3A_92 = arith.constant 3001 : i32
      %add3A_93 = arith.addi %add3A_87, %add3A_92 : i32
      %rem3A_94 = arith.constant 3 : i32
      %rem3A_95 = arith.remsi %add3A_93, %rem3A_94 : i32
      %add3A_96 = arith.constant 3002 : i32
      %add3A_97 = arith.addi %add3A_87, %add3A_96 : i32
      %rem3A_98 = arith.constant 3 : i32
      %rem3A_99 = arith.remsi %add3A_97, %rem3A_98 : i32
      %ge3A_100 = arith.constant 1 : i32
      %ge3A_101 = arith.cmpi sge, %add3A_87, %ge3A_100 : i32
      %convert_element_type3A_102 = arith.extui %ge3A_101 : i1 to i32
      %cond3A_103 = arith.constant 0 : i32
      %cond3A_104 = arith.cmpi ne, %convert_element_type3A_102, %cond3A_103 : i32
      scf.if %cond3A_104 {
        %dma_wait3A = arith.constant 1 : i32
        %dma_wait3A_137 = arith.constant 0 : i32
        %dma_wait3A_138 = tpu.memref_slice %arg14[%rem3A_99, %dma_wait3A, %dma_wait3A_137] : memref<3x2x64xi32, #tpu.memory_space<vmem>> -> memref<1x1x64xi32, #tpu.memory_space<vmem>>
        %dma_wait3A_139 = tpu.memref_squeeze %dma_wait3A_138 : memref<1x1x64xi32, #tpu.memory_space<vmem>> -> memref<64xi32, #tpu.memory_space<vmem>>
        %dma_wait3A_140 = arith.constant 0 : i32
        %dma_wait3A_141 = arith.constant 0 : i32
        %dma_wait3A_142 = tpu.memref_slice %arg19[%dma_wait3A_140, %dma_wait3A_141] : memref<10016x128xf32, #tpu.memory_space<vmem_shared>> -> memref<10016x128xf32, #tpu.memory_space<vmem_shared>>
        tpu.wait_indirect_dma semaphore(%arg23 : memref<!tpu.dma_semaphore, #tpu.memory_space<semaphore_mem>>) src(%arg16 : memref<64x128xf32, #tpu.memory_space<vmem>>) dst(%dma_wait3A_142 : memref<10016x128xf32, #tpu.memory_space<vmem_shared>>)
      } else {
      }
      %add3A_105 = arith.constant 1 : i32
      %add3A_106 = arith.addi %add3A_87, %add3A_105 : i32
      %ge3A_107 = arith.constant 0 : i32
      %ge3A_108 = arith.cmpi sge, %add3A_106, %ge3A_107 : i32
      %add3A_109 = arith.constant 1 : i32
      %add3A_110 = arith.addi %add3A_87, %add3A_109 : i32
      %le3A_111 = arith.constant 156 : i32
      %le3A_112 = arith.cmpi sle, %add3A_110, %le3A_111 : i32
      %and3A_113 = arith.andi %ge3A_108, %le3A_112 : i1
      %convert_element_type3A_114 = arith.extui %and3A_113 : i1 to i32
      %cond3A_115 = arith.constant 0 : i32
      %cond3A_116 = arith.cmpi ne, %convert_element_type3A_114, %cond3A_115 : i32
      scf.if %cond3A_116 {
        %add3A_137 = arith.constant 1 : i32
        %add3A_138 = arith.addi %add3A_87, %add3A_137 : i32
        %dma_wait3A = arith.constant 0 : i32
        %dma_wait3A_139 = arith.constant 0 : i32
        %dma_wait3A_140 = tpu.memref_slice %arg14[%rem3A_95, %dma_wait3A, %dma_wait3A_139] : memref<3x2x64xi32, #tpu.memory_space<vmem>> -> memref<1x2x64xi32, #tpu.memory_space<vmem>>
        %dma_wait3A_141 = tpu.memref_squeeze %dma_wait3A_140 : memref<1x2x64xi32, #tpu.memory_space<vmem>> -> memref<2x64xi32, #tpu.memory_space<vmem>>
        %dma_wait3A_142 = arith.constant 0 : i32
        %dma_wait3A_143 = arith.constant 0 : i32
        %dma_wait3A_144 = tpu.memref_slice %arg6[%add3A, %add3A_138, %dma_wait3A_142, %dma_wait3A_143] : memref<32x157x2x64xi32, #tpu.memory_space<hbm>> -> memref<1x1x2x64xi32, #tpu.memory_space<hbm>>
        %dma_wait3A_145 = tpu.memref_squeeze %dma_wait3A_144 : memref<1x1x2x64xi32, #tpu.memory_space<hbm>> -> memref<2x64xi32, #tpu.memory_space<hbm>>
        %dma_wait3A_146 = arith.constant 0 : i32
        %dma_wait3A_147 = arith.constant 0 : i32
        %dma_wait3A_148 = tpu.memref_slice %arg14[%rem3A_95, %dma_wait3A_146, %dma_wait3A_147] : memref<3x2x64xi32, #tpu.memory_space<vmem>> -> memref<1x2x64xi32, #tpu.memory_space<vmem>>
        %dma_wait3A_149 = tpu.memref_squeeze %dma_wait3A_148 : memref<1x2x64xi32, #tpu.memory_space<vmem>> -> memref<2x64xi32, #tpu.memory_space<vmem>>
        %dma_wait3A_150 = arith.constant 0 : i32
        %dma_wait3A_151 = arith.constant 0 : i32
        %dma_wait3A_152 = tpu.memref_slice %arg6[%add3A, %add3A_138, %dma_wait3A_150, %dma_wait3A_151] : memref<32x157x2x64xi32, #tpu.memory_space<hbm>> -> memref<1x1x2x64xi32, #tpu.memory_space<hbm>>
        %dma_wait3A_153 = tpu.memref_squeeze %dma_wait3A_152 : memref<1x1x2x64xi32, #tpu.memory_space<hbm>> -> memref<2x64xi32, #tpu.memory_space<hbm>>
        tpu.wait_dma2 semaphore(%arg20 : memref<!tpu.dma_semaphore, #tpu.memory_space<semaphore_mem>>) src(%dma_wait3A_153 : memref<2x64xi32, #tpu.memory_space<hbm>>) dst(%dma_wait3A_149 : memref<2x64xi32, #tpu.memory_space<vmem>>)
        %dma_start3A = arith.constant 0 : i32
        %dma_start3A_154 = arith.constant 0 : i32
        %dma_start3A_155 = tpu.memref_slice %arg14[%rem3A_95, %dma_start3A, %dma_start3A_154] : memref<3x2x64xi32, #tpu.memory_space<vmem>> -> memref<1x1x64xi32, #tpu.memory_space<vmem>>
        %dma_start3A_156 = tpu.memref_squeeze %dma_start3A_155 : memref<1x1x64xi32, #tpu.memory_space<vmem>> -> memref<64xi32, #tpu.memory_space<vmem>>
        %dma_start3A_157 = arith.constant 0 : i32
        %dma_start3A_158 = arith.constant 0 : i32
        %dma_start3A_159 = tpu.memref_slice %arg2[%dma_start3A_157, %dma_start3A_158] : memref<10000x128xf32, #tpu.memory_space<hbm>> -> memref<10000x128xf32, #tpu.memory_space<hbm>>
        tpu.enqueue_indirect_dma source(%dma_start3A_159 : memref<10000x128xf32, #tpu.memory_space<hbm>>) target(%arg16 : memref<64x128xf32, #tpu.memory_space<vmem>>) offsets(%dma_start3A_156 : memref<64xi32, #tpu.memory_space<vmem>>) semaphore(%arg21 : memref<!tpu.dma_semaphore, #tpu.memory_space<semaphore_mem>>)
      } else {
      }
      %ge3A_117 = arith.constant 0 : i32
      %ge3A_118 = arith.cmpi sge, %add3A_87, %ge3A_117 : i32
      %le3A_119 = arith.constant 156 : i32
      %le3A_120 = arith.cmpi sle, %add3A_87, %le3A_119 : i32
      %and3A_121 = arith.andi %ge3A_118, %le3A_120 : i1
      %convert_element_type3A_122 = arith.extui %and3A_121 : i1 to i32
      %cond3A_123 = arith.constant 0 : i32
      %cond3A_124 = arith.cmpi ne, %convert_element_type3A_122, %cond3A_123 : i32
      scf.if %cond3A_124 {
        %get3A_137 = arith.constant 0 : i32
        %get3A_138 = arith.index_cast %rem3A_91 : i32 to index
        %get3A_139 = arith.index_cast %get3A_137 : i32 to index
        %get3A_140 = arith.constant 0 : index
        %get3A_141 = tpu.vector_load %arg14[%get3A_138, %get3A_139, %get3A_140] {strides = array<i32>} : memref<3x2x64xi32, #tpu.memory_space<vmem>>, vector<16xi32>,
        %get3A_142 = arith.constant 1 : i32
        %get3A_143 = arith.index_cast %rem3A_91 : i32 to index
        %get3A_144 = arith.index_cast %get3A_142 : i32 to index
        %get3A_145 = arith.constant 0 : index
        %get3A_146 = tpu.vector_load %arg14[%get3A_143, %get3A_144, %get3A_145] {strides = array<i32>} : memref<3x2x64xi32, #tpu.memory_space<vmem>>, vector<16xi32>,
        %gather3A = tpu.vector_load_idx %arg11[%get3A_141] : memref<10016xf32, #tpu.memory_space<vmem>>[vector<16xi32>], vector<16xf32>,
        %gather3A_147 = tpu.vector_load_idx %arg12[%get3A_146] : memref<10016xf32, #tpu.memory_space<vmem>>[vector<16xi32>], vector<16xf32>,
        %add3A_148 = arith.addf %gather3A, %gather3A_147 : vector<16xf32>
        %mul3A_149 = arith.constant 2.000000e-01 : f32
        %mul3A_150 = vector.broadcast %mul3A_149 : f32 to vector<16xf32>
        %mul3A_151 = arith.mulf %mul3A_150, %add3A_148 : vector<16xf32>
        %max3A = arith.maximumf %add3A_148, %mul3A_151 : vector<16xf32>
        %sub3A_152 = arith.subf %max3A, %get3A_16 : vector<16xf32>
        %exp3A = math.exp %sub3A_152 : vector<16xf32>
        %swap3A_153 = arith.constant 0 : index
        %swap3A_154 = tpu.vector_load %arg15[%swap3A_153] {strides = array<i32>} : memref<64xf32, #tpu.memory_space<vmem>>, vector<16xf32>,
        tpu.vector_store %arg15[%swap3A_153], %exp3A {strides = array<i32>} : memref<64xf32, #tpu.memory_space<vmem>>, vector<16xf32>,
        tpu.vector_store_idx %arg18[%get3A_146], %exp3A {add = true} : memref<10016xf32, #tpu.memory_space<vmem>>[vector<16xi32>], vector<16xf32>,
        %get3A_155 = arith.constant 0 : i32
        %get3A_156 = arith.index_cast %rem3A_91 : i32 to index
        %get3A_157 = arith.index_cast %get3A_155 : i32 to index
        %get3A_158 = arith.constant 16 : index
        %get3A_159 = tpu.vector_load %arg14[%get3A_156, %get3A_157, %get3A_158] {strides = array<i32>} : memref<3x2x64xi32, #tpu.memory_space<vmem>>, vector<16xi32>,
        %get3A_160 = arith.constant 1 : i32
        %get3A_161 = arith.index_cast %rem3A_91 : i32 to index
        %get3A_162 = arith.index_cast %get3A_160 : i32 to index
        %get3A_163 = arith.constant 16 : index
        %get3A_164 = tpu.vector_load %arg14[%get3A_161, %get3A_162, %get3A_163] {strides = array<i32>} : memref<3x2x64xi32, #tpu.memory_space<vmem>>, vector<16xi32>,
        %gather3A_165 = tpu.vector_load_idx %arg11[%get3A_159] : memref<10016xf32, #tpu.memory_space<vmem>>[vector<16xi32>], vector<16xf32>,
        %gather3A_166 = tpu.vector_load_idx %arg12[%get3A_164] : memref<10016xf32, #tpu.memory_space<vmem>>[vector<16xi32>], vector<16xf32>,
        %add3A_167 = arith.addf %gather3A_165, %gather3A_166 : vector<16xf32>
        %mul3A_168 = arith.constant 2.000000e-01 : f32
        %mul3A_169 = vector.broadcast %mul3A_168 : f32 to vector<16xf32>
        %mul3A_170 = arith.mulf %mul3A_169, %add3A_167 : vector<16xf32>
        %max3A_171 = arith.maximumf %add3A_167, %mul3A_170 : vector<16xf32>
        %sub3A_172 = arith.subf %max3A_171, %get3A_16 : vector<16xf32>
        %exp3A_173 = math.exp %sub3A_172 : vector<16xf32>
        %swap3A_174 = arith.constant 16 : index
        %swap3A_175 = tpu.vector_load %arg15[%swap3A_174] {strides = array<i32>} : memref<64xf32, #tpu.memory_space<vmem>>, vector<16xf32>,
        tpu.vector_store %arg15[%swap3A_174], %exp3A_173 {strides = array<i32>} : memref<64xf32, #tpu.memory_space<vmem>>, vector<16xf32>,
        tpu.vector_store_idx %arg18[%get3A_164], %exp3A_173 {add = true} : memref<10016xf32, #tpu.memory_space<vmem>>[vector<16xi32>], vector<16xf32>,
        %get3A_176 = arith.constant 0 : i32
        %get3A_177 = arith.index_cast %rem3A_91 : i32 to index
        %get3A_178 = arith.index_cast %get3A_176 : i32 to index
        %get3A_179 = arith.constant 32 : index
        %get3A_180 = tpu.vector_load %arg14[%get3A_177, %get3A_178, %get3A_179] {strides = array<i32>} : memref<3x2x64xi32, #tpu.memory_space<vmem>>, vector<16xi32>,
        %get3A_181 = arith.constant 1 : i32
        %get3A_182 = arith.index_cast %rem3A_91 : i32 to index
        %get3A_183 = arith.index_cast %get3A_181 : i32 to index
        %get3A_184 = arith.constant 32 : index
        %get3A_185 = tpu.vector_load %arg14[%get3A_182, %get3A_183, %get3A_184] {strides = array<i32>} : memref<3x2x64xi32, #tpu.memory_space<vmem>>, vector<16xi32>,
        %gather3A_186 = tpu.vector_load_idx %arg11[%get3A_180] : memref<10016xf32, #tpu.memory_space<vmem>>[vector<16xi32>], vector<16xf32>,
        %gather3A_187 = tpu.vector_load_idx %arg12[%get3A_185] : memref<10016xf32, #tpu.memory_space<vmem>>[vector<16xi32>], vector<16xf32>,
        %add3A_188 = arith.addf %gather3A_186, %gather3A_187 : vector<16xf32>
        %mul3A_189 = arith.constant 2.000000e-01 : f32
        %mul3A_190 = vector.broadcast %mul3A_189 : f32 to vector<16xf32>
        %mul3A_191 = arith.mulf %mul3A_190, %add3A_188 : vector<16xf32>
        %max3A_192 = arith.maximumf %add3A_188, %mul3A_191 : vector<16xf32>
        %sub3A_193 = arith.subf %max3A_192, %get3A_16 : vector<16xf32>
        %exp3A_194 = math.exp %sub3A_193 : vector<16xf32>
        %swap3A_195 = arith.constant 32 : index
        %swap3A_196 = tpu.vector_load %arg15[%swap3A_195] {strides = array<i32>} : memref<64xf32, #tpu.memory_space<vmem>>, vector<16xf32>,
        tpu.vector_store %arg15[%swap3A_195], %exp3A_194 {strides = array<i32>} : memref<64xf32, #tpu.memory_space<vmem>>, vector<16xf32>,
        tpu.vector_store_idx %arg18[%get3A_185], %exp3A_194 {add = true} : memref<10016xf32, #tpu.memory_space<vmem>>[vector<16xi32>], vector<16xf32>,
        %get3A_197 = arith.constant 0 : i32
        %get3A_198 = arith.index_cast %rem3A_91 : i32 to index
        %get3A_199 = arith.index_cast %get3A_197 : i32 to index
        %get3A_200 = arith.constant 48 : index
        %get3A_201 = tpu.vector_load %arg14[%get3A_198, %get3A_199, %get3A_200] {strides = array<i32>} : memref<3x2x64xi32, #tpu.memory_space<vmem>>, vector<16xi32>,
        %get3A_202 = arith.constant 1 : i32
        %get3A_203 = arith.index_cast %rem3A_91 : i32 to index
        %get3A_204 = arith.index_cast %get3A_202 : i32 to index
        %get3A_205 = arith.constant 48 : index
        %get3A_206 = tpu.vector_load %arg14[%get3A_203, %get3A_204, %get3A_205] {strides = array<i32>} : memref<3x2x64xi32, #tpu.memory_space<vmem>>, vector<16xi32>,
        %gather3A_207 = tpu.vector_load_idx %arg11[%get3A_201] : memref<10016xf32, #tpu.memory_space<vmem>>[vector<16xi32>], vector<16xf32>,
        %gather3A_208 = tpu.vector_load_idx %arg12[%get3A_206] : memref<10016xf32, #tpu.memory_space<vmem>>[vector<16xi32>], vector<16xf32>,
        %add3A_209 = arith.addf %gather3A_207, %gather3A_208 : vector<16xf32>
        %mul3A_210 = arith.constant 2.000000e-01 : f32
        %mul3A_211 = vector.broadcast %mul3A_210 : f32 to vector<16xf32>
        %mul3A_212 = arith.mulf %mul3A_211, %add3A_209 : vector<16xf32>
        %max3A_213 = arith.maximumf %add3A_209, %mul3A_212 : vector<16xf32>
        %sub3A_214 = arith.subf %max3A_213, %get3A_16 : vector<16xf32>
        %exp3A_215 = math.exp %sub3A_214 : vector<16xf32>
        %swap3A_216 = arith.constant 48 : index
        %swap3A_217 = tpu.vector_load %arg15[%swap3A_216] {strides = array<i32>} : memref<64xf32, #tpu.memory_space<vmem>>, vector<16xf32>,
        tpu.vector_store %arg15[%swap3A_216], %exp3A_215 {strides = array<i32>} : memref<64xf32, #tpu.memory_space<vmem>>, vector<16xf32>,
        tpu.vector_store_idx %arg18[%get3A_206], %exp3A_215 {add = true} : memref<10016xf32, #tpu.memory_space<vmem>>[vector<16xi32>], vector<16xf32>,
        %dma_wait3A = arith.constant 0 : i32
        %dma_wait3A_218 = arith.constant 0 : i32
        %dma_wait3A_219 = tpu.memref_slice %arg14[%rem3A_91, %dma_wait3A, %dma_wait3A_218] : memref<3x2x64xi32, #tpu.memory_space<vmem>> -> memref<1x1x64xi32, #tpu.memory_space<vmem>>
        %dma_wait3A_220 = tpu.memref_squeeze %dma_wait3A_219 : memref<1x1x64xi32, #tpu.memory_space<vmem>> -> memref<64xi32, #tpu.memory_space<vmem>>
        %dma_wait3A_221 = arith.constant 0 : i32
        %dma_wait3A_222 = arith.constant 0 : i32
        %dma_wait3A_223 = tpu.memref_slice %arg2[%dma_wait3A_221, %dma_wait3A_222] : memref<10000x128xf32, #tpu.memory_space<hbm>> -> memref<10000x128xf32, #tpu.memory_space<hbm>>
        tpu.wait_indirect_dma semaphore(%arg22 : memref<!tpu.dma_semaphore, #tpu.memory_space<semaphore_mem>>) src(%dma_wait3A_223 : memref<10000x128xf32, #tpu.memory_space<hbm>>) dst(%arg17 : memref<64x128xf32, #tpu.memory_space<vmem>>)
        %iota3A = tpu.iota {dimensions = array<i32: 0>} : vector<16xi32>
        %scan3A_224 = arith.constant 0 : i32
        %scan3A_225 = arith.constant 64 : i32
        %scan3A_226 = arith.addi %scan3A_224, %scan3A_225 : i32
        %scan3A_227 = arith.constant 1 : i32
        scf.for %scan3A_235 = %scan3A_224 to %scan3A_226 step %scan3A_227  : i32 {
          %mul3A_236 = arith.constant 1 : i32
          %mul3A_237 = arith.muli %scan3A_235, %mul3A_236 : i32
          %add3A_238 = arith.constant 0 : i32
          %add3A_239 = arith.addi %add3A_238, %mul3A_237 : i32
          %mul3A_240 = arith.constant 0 : i32
          %mul3A_241 = vector.broadcast %mul3A_240 : i32 to vector<16xi32>
          %mul3A_242 = arith.muli %iota3A, %mul3A_241 : vector<16xi32>
          %add3A_243 = vector.broadcast %add3A_239 : i32 to vector<16xi32>
          %add3A_244 = arith.addi %mul3A_242, %add3A_243 : vector<16xi32>
          %gather3A_245 = tpu.vector_load_idx %arg15[%add3A_244] : memref<64xf32, #tpu.memory_space<vmem>>[vector<16xi32>], vector<16xf32>,
          %get3A_246 = arith.index_cast %add3A_239 : i32 to index
          %get3A_247 = arith.constant 0 : index
          %get3A_248 = tpu.vector_load %arg17[%get3A_246, %get3A_247] {strides = array<i32>} : memref<64x128xf32, #tpu.memory_space<vmem>>, vector<16xf32>,
          %mul3A_249 = arith.mulf %get3A_248, %gather3A_245 : vector<16xf32>
          %swap3A_250 = arith.index_cast %add3A_239 : i32 to index
          %swap3A_251 = arith.constant 0 : index
          %swap3A_252 = tpu.vector_load %arg17[%swap3A_250, %swap3A_251] {strides = array<i32>} : memref<64x128xf32, #tpu.memory_space<vmem>>, vector<16xf32>,
          tpu.vector_store %arg17[%swap3A_250, %swap3A_251], %mul3A_249 {strides = array<i32>} : memref<64x128xf32, #tpu.memory_space<vmem>>, vector<16xf32>,
          %get3A_253 = arith.index_cast %add3A_239 : i32 to index
          %get3A_254 = arith.constant 16 : index
          %get3A_255 = tpu.vector_load %arg17[%get3A_253, %get3A_254] {strides = array<i32>} : memref<64x128xf32, #tpu.memory_space<vmem>>, vector<16xf32>,
          %mul3A_256 = arith.mulf %get3A_255, %gather3A_245 : vector<16xf32>
          %swap3A_257 = arith.index_cast %add3A_239 : i32 to index
          %swap3A_258 = arith.constant 16 : index
          %swap3A_259 = tpu.vector_load %arg17[%swap3A_257, %swap3A_258] {strides = array<i32>} : memref<64x128xf32, #tpu.memory_space<vmem>>, vector<16xf32>,
          tpu.vector_store %arg17[%swap3A_257, %swap3A_258], %mul3A_256 {strides = array<i32>} : memref<64x128xf32, #tpu.memory_space<vmem>>, vector<16xf32>,
          %get3A_260 = arith.index_cast %add3A_239 : i32 to index
          %get3A_261 = arith.constant 32 : index
          %get3A_262 = tpu.vector_load %arg17[%get3A_260, %get3A_261] {strides = array<i32>} : memref<64x128xf32, #tpu.memory_space<vmem>>, vector<16xf32>,
          %mul3A_263 = arith.mulf %get3A_262, %gather3A_245 : vector<16xf32>
          %swap3A_264 = arith.index_cast %add3A_239 : i32 to index
          %swap3A_265 = arith.constant 32 : index
          %swap3A_266 = tpu.vector_load %arg17[%swap3A_264, %swap3A_265] {strides = array<i32>} : memref<64x128xf32, #tpu.memory_space<vmem>>, vector<16xf32>,
          tpu.vector_store %arg17[%swap3A_264, %swap3A_265], %mul3A_263 {strides = array<i32>} : memref<64x128xf32, #tpu.memory_space<vmem>>, vector<16xf32>,
          %get3A_267 = arith.index_cast %add3A_239 : i32 to index
          %get3A_268 = arith.constant 48 : index
          %get3A_269 = tpu.vector_load %arg17[%get3A_267, %get3A_268] {strides = array<i32>} : memref<64x128xf32, #tpu.memory_space<vmem>>, vector<16xf32>,
          %mul3A_270 = arith.mulf %get3A_269, %gather3A_245 : vector<16xf32>
          %swap3A_271 = arith.index_cast %add3A_239 : i32 to index
          %swap3A_272 = arith.constant 48 : index
          %swap3A_273 = tpu.vector_load %arg17[%swap3A_271, %swap3A_272] {strides = array<i32>} : memref<64x128xf32, #tpu.memory_space<vmem>>, vector<16xf32>,
          tpu.vector_store %arg17[%swap3A_271, %swap3A_272], %mul3A_270 {strides = array<i32>} : memref<64x128xf32, #tpu.memory_space<vmem>>, vector<16xf32>,
          %get3A_274 = arith.index_cast %add3A_239 : i32 to index
          %get3A_275 = arith.constant 64 : index
          %get3A_276 = tpu.vector_load %arg17[%get3A_274, %get3A_275] {strides = array<i32>} : memref<64x128xf32, #tpu.memory_space<vmem>>, vector<16xf32>,
          %mul3A_277 = arith.mulf %get3A_276, %gather3A_245 : vector<16xf32>
          %swap3A_278 = arith.index_cast %add3A_239 : i32 to index
          %swap3A_279 = arith.constant 64 : index
          %swap3A_280 = tpu.vector_load %arg17[%swap3A_278, %swap3A_279] {strides = array<i32>} : memref<64x128xf32, #tpu.memory_space<vmem>>, vector<16xf32>,
          tpu.vector_store %arg17[%swap3A_278, %swap3A_279], %mul3A_277 {strides = array<i32>} : memref<64x128xf32, #tpu.memory_space<vmem>>, vector<16xf32>,
          %get3A_281 = arith.index_cast %add3A_239 : i32 to index
          %get3A_282 = arith.constant 80 : index
          %get3A_283 = tpu.vector_load %arg17[%get3A_281, %get3A_282] {strides = array<i32>} : memref<64x128xf32, #tpu.memory_space<vmem>>, vector<16xf32>,
          %mul3A_284 = arith.mulf %get3A_283, %gather3A_245 : vector<16xf32>
          %swap3A_285 = arith.index_cast %add3A_239 : i32 to index
          %swap3A_286 = arith.constant 80 : index
          %swap3A_287 = tpu.vector_load %arg17[%swap3A_285, %swap3A_286] {strides = array<i32>} : memref<64x128xf32, #tpu.memory_space<vmem>>, vector<16xf32>,
          tpu.vector_store %arg17[%swap3A_285, %swap3A_286], %mul3A_284 {strides = array<i32>} : memref<64x128xf32, #tpu.memory_space<vmem>>, vector<16xf32>,
          %get3A_288 = arith.index_cast %add3A_239 : i32 to index
          %get3A_289 = arith.constant 96 : index
          %get3A_290 = tpu.vector_load %arg17[%get3A_288, %get3A_289] {strides = array<i32>} : memref<64x128xf32, #tpu.memory_space<vmem>>, vector<16xf32>,
          %mul3A_291 = arith.mulf %get3A_290, %gather3A_245 : vector<16xf32>
          %swap3A_292 = arith.index_cast %add3A_239 : i32 to index
          %swap3A_293 = arith.constant 96 : index
          %swap3A_294 = tpu.vector_load %arg17[%swap3A_292, %swap3A_293] {strides = array<i32>} : memref<64x128xf32, #tpu.memory_space<vmem>>, vector<16xf32>,
          tpu.vector_store %arg17[%swap3A_292, %swap3A_293], %mul3A_291 {strides = array<i32>} : memref<64x128xf32, #tpu.memory_space<vmem>>, vector<16xf32>,
          %get3A_295 = arith.index_cast %add3A_239 : i32 to index
          %get3A_296 = arith.constant 112 : index
          %get3A_297 = tpu.vector_load %arg17[%get3A_295, %get3A_296] {strides = array<i32>} : memref<64x128xf32, #tpu.memory_space<vmem>>, vector<16xf32>,
          %mul3A_298 = arith.mulf %get3A_297, %gather3A_245 : vector<16xf32>
          %swap3A_299 = arith.index_cast %add3A_239 : i32 to index
          %swap3A_300 = arith.constant 112 : index
          %swap3A_301 = tpu.vector_load %arg17[%swap3A_299, %swap3A_300] {strides = array<i32>} : memref<64x128xf32, #tpu.memory_space<vmem>>, vector<16xf32>,
          tpu.vector_store %arg17[%swap3A_299, %swap3A_300], %mul3A_298 {strides = array<i32>} : memref<64x128xf32, #tpu.memory_space<vmem>>, vector<16xf32>,
        }
        %scan3A_228 = arith.constant 64 : i32
        %dma_start3A = arith.constant 1 : i32
        %dma_start3A_229 = arith.constant 0 : i32
        %dma_start3A_230 = tpu.memref_slice %arg14[%rem3A_91, %dma_start3A, %dma_start3A_229] : memref<3x2x64xi32, #tpu.memory_space<vmem>> -> memref<1x1x64xi32, #tpu.memory_space<vmem>>
        %dma_start3A_231 = tpu.memref_squeeze %dma_start3A_230 : memref<1x1x64xi32, #tpu.memory_space<vmem>> -> memref<64xi32, #tpu.memory_space<vmem>>
        %dma_start3A_232 = arith.constant 0 : i32
        %dma_start3A_233 = arith.constant 0 : i32
        %dma_start3A_234 = tpu.memref_slice %arg19[%dma_start3A_232, %dma_start3A_233] : memref<10016x128xf32, #tpu.memory_space<vmem_shared>> -> memref<10016x128xf32, #tpu.memory_space<vmem_shared>>
        tpu.enqueue_indirect_dma source(%arg17 : memref<64x128xf32, #tpu.memory_space<vmem>>) target(%dma_start3A_234 : memref<10016x128xf32, #tpu.memory_space<vmem_shared>>) offsets(%dma_start3A_231 : memref<64xi32, #tpu.memory_space<vmem>>) semaphore(%arg24 : memref<!tpu.dma_semaphore, #tpu.memory_space<semaphore_mem>>)
      } else {
      }
      %add3A_125 = arith.constant 2 : i32
      %add3A_126 = arith.addi %add3A_87, %add3A_125 : i32
      %ge3A_127 = arith.constant 0 : i32
      %ge3A_128 = arith.cmpi sge, %add3A_126, %ge3A_127 : i32
      %add3A_129 = arith.constant 2 : i32
      %add3A_130 = arith.addi %add3A_87, %add3A_129 : i32
      %le3A_131 = arith.constant 156 : i32
      %le3A_132 = arith.cmpi sle, %add3A_130, %le3A_131 : i32
      %and3A_133 = arith.andi %ge3A_128, %le3A_132 : i1
      %convert_element_type3A_134 = arith.extui %and3A_133 : i1 to i32
      %cond3A_135 = arith.constant 0 : i32
      %cond3A_136 = arith.cmpi ne, %convert_element_type3A_134, %cond3A_135 : i32
      scf.if %cond3A_136 {
        %add3A_137 = arith.constant 2 : i32
        %add3A_138 = arith.addi %add3A_87, %add3A_137 : i32
        %dma_start3A = arith.constant 0 : i32
        %dma_start3A_139 = arith.constant 0 : i32
        %dma_start3A_140 = tpu.memref_slice %arg14[%rem3A_99, %dma_start3A, %dma_start3A_139] : memref<3x2x64xi32, #tpu.memory_space<vmem>> -> memref<1x2x64xi32, #tpu.memory_space<vmem>>
        %dma_start3A_141 = tpu.memref_squeeze %dma_start3A_140 : memref<1x2x64xi32, #tpu.memory_space<vmem>> -> memref<2x64xi32, #tpu.memory_space<vmem>>
        %dma_start3A_142 = arith.constant 0 : i32
        %dma_start3A_143 = arith.constant 0 : i32
        %dma_start3A_144 = tpu.memref_slice %arg6[%add3A, %add3A_138, %dma_start3A_142, %dma_start3A_143] : memref<32x157x2x64xi32, #tpu.memory_space<hbm>> -> memref<1x1x2x64xi32, #tpu.memory_space<hbm>>
        %dma_start3A_145 = tpu.memref_squeeze %dma_start3A_144 : memref<1x1x2x64xi32, #tpu.memory_space<hbm>> -> memref<2x64xi32, #tpu.memory_space<hbm>>
        %dma_start3A_146 = arith.constant 0 : i32
        %dma_start3A_147 = arith.constant 0 : i32
        %dma_start3A_148 = tpu.memref_slice %arg14[%rem3A_99, %dma_start3A_146, %dma_start3A_147] : memref<3x2x64xi32, #tpu.memory_space<vmem>> -> memref<1x2x64xi32, #tpu.memory_space<vmem>>
        %dma_start3A_149 = tpu.memref_squeeze %dma_start3A_148 : memref<1x2x64xi32, #tpu.memory_space<vmem>> -> memref<2x64xi32, #tpu.memory_space<vmem>>
        %dma_start3A_150 = arith.constant 0 : i32
        %dma_start3A_151 = arith.constant 0 : i32
        %dma_start3A_152 = tpu.memref_slice %arg6[%add3A, %add3A_138, %dma_start3A_150, %dma_start3A_151] : memref<32x157x2x64xi32, #tpu.memory_space<hbm>> -> memref<1x1x2x64xi32, #tpu.memory_space<hbm>>
        %dma_start3A_153 = tpu.memref_squeeze %dma_start3A_152 : memref<1x1x2x64xi32, #tpu.memory_space<hbm>> -> memref<2x64xi32, #tpu.memory_space<hbm>>
        tpu.enqueue_dma source(%dma_start3A_153 : memref<2x64xi32, #tpu.memory_space<hbm>>) target(%dma_start3A_149 : memref<2x64xi32, #tpu.memory_space<vmem>>) target_semaphore(%arg20 : memref<!tpu.dma_semaphore, #tpu.memory_space<semaphore_mem>>)
      } else {
      }
    }
    %scan3A_21 = arith.constant 80 : i32
    %barrier3A_22 = arith.constant 0 : index
    tpu.barrier barrier_id(%barrier3A_22)
    %scan3A_23 = arith.constant 0 : i32
    %scan3A_24 = arith.constant 6 : i32
    %scan3A_25 = arith.addi %scan3A_23, %scan3A_24 : i32
    %scan3A_26 = arith.constant 1 : i32
    scf.for %scan3A_33 = %scan3A_23 to %scan3A_25 step %scan3A_26  : i32 {
      %mul3A_34 = arith.constant 104 : i32
      %mul3A_35 = arith.muli %scan3A_33, %mul3A_34 : i32
      %add3A_36 = arith.constant 0 : i32
      %add3A_37 = arith.addi %add3A_36, %mul3A_35 : i32
      %mul3A_38 = arith.constant 624 : i32
      %mul3A_39 = arith.muli %arg1, %mul3A_38 : i32
      %add3A_40 = arith.addi %mul3A_39, %add3A_37 : i32
      %mul3A_41 = arith.constant 10000 : i32
      %mul3A_42 = arith.muli %arg0, %mul3A_41 : i32
      %mul3A_43 = arith.constant 624 : i32
      %mul3A_44 = arith.muli %arg1, %mul3A_43 : i32
      %add3A_45 = arith.addi %mul3A_42, %mul3A_44 : i32
      %add3A_46 = arith.addi %add3A_45, %add3A_37 : i32
      "tpu.region"() ({
        %run_scoped3A = tpu.sem_alloc : memref<!tpu.dma_semaphore, #tpu.memory_space<semaphore_mem>>
        %dma_start3A = arith.constant 0 : i32
        %dma_start3A_47 = tpu.memref_slice %arg9[%add3A_46, %dma_start3A] : memref<20000x128xf32, #tpu.memory_space<hbm>> -> memref<104x128xf32, #tpu.memory_space<hbm>>
        %dma_start3A_48 = arith.constant 0 : i32
        %dma_start3A_49 = tpu.memref_slice %arg19[%add3A_40, %dma_start3A_48] : memref<10016x128xf32, #tpu.memory_space<vmem_shared>> -> memref<104x128xf32, #tpu.memory_space<vmem_shared>>
        tpu.enqueue_dma source(%dma_start3A_49 : memref<104x128xf32, #tpu.memory_space<vmem_shared>>) target(%dma_start3A_47 : memref<104x128xf32, #tpu.memory_space<hbm>>) target_semaphore(%run_scoped3A : memref<!tpu.dma_semaphore, #tpu.memory_space<semaphore_mem>>)
        %dma_wait3A = arith.constant 0 : i32
        %dma_wait3A_50 = tpu.memref_slice %arg9[%add3A_46, %dma_wait3A] : memref<20000x128xf32, #tpu.memory_space<hbm>> -> memref<104x128xf32, #tpu.memory_space<hbm>>
        %dma_wait3A_51 = arith.constant 0 : i32
        %dma_wait3A_52 = tpu.memref_slice %arg19[%add3A_40, %dma_wait3A_51] : memref<10016x128xf32, #tpu.memory_space<vmem_shared>> -> memref<104x128xf32, #tpu.memory_space<vmem_shared>>
        tpu.wait_dma2 semaphore(%run_scoped3A : memref<!tpu.dma_semaphore, #tpu.memory_space<semaphore_mem>>) src(%dma_wait3A_52 : memref<104x128xf32, #tpu.memory_space<vmem_shared>>) dst(%dma_wait3A_50 : memref<104x128xf32, #tpu.memory_space<hbm>>)
        tpu.yield
      }) : () -> ()
    }
    %scan3A_27 = arith.constant 6 : i32
    "tpu.region"() ({
      %run_scoped3A = tpu.sem_alloc : memref<!tpu.dma_semaphore, #tpu.memory_space<semaphore_mem>>
      %dma_start3A = arith.constant 0 : i32
      %dma_start3A_33 = tpu.memref_slice %arg10[%add3A, %dma_start3A] : memref<32x10016xf32, #tpu.memory_space<hbm>> -> memref<1x10016xf32, #tpu.memory_space<hbm>>
      %dma_start3A_34 = tpu.memref_squeeze %dma_start3A_33 : memref<1x10016xf32, #tpu.memory_space<hbm>> -> memref<10016xf32, #tpu.memory_space<hbm>>
      %dma_start3A_35 = arith.constant 0 : i32
      %dma_start3A_36 = tpu.memref_slice %arg10[%add3A, %dma_start3A_35] : memref<32x10016xf32, #tpu.memory_space<hbm>> -> memref<1x10016xf32, #tpu.memory_space<hbm>>
      %dma_start3A_37 = tpu.memref_squeeze %dma_start3A_36 : memref<1x10016xf32, #tpu.memory_space<hbm>> -> memref<10016xf32, #tpu.memory_space<hbm>>
      tpu.enqueue_dma source(%arg18 : memref<10016xf32, #tpu.memory_space<vmem>>) target(%dma_start3A_37 : memref<10016xf32, #tpu.memory_space<hbm>>) target_semaphore(%run_scoped3A : memref<!tpu.dma_semaphore, #tpu.memory_space<semaphore_mem>>)
      %dma_wait3A = arith.constant 0 : i32
      %dma_wait3A_38 = tpu.memref_slice %arg10[%add3A, %dma_wait3A] : memref<32x10016xf32, #tpu.memory_space<hbm>> -> memref<1x10016xf32, #tpu.memory_space<hbm>>
      %dma_wait3A_39 = tpu.memref_squeeze %dma_wait3A_38 : memref<1x10016xf32, #tpu.memory_space<hbm>> -> memref<10016xf32, #tpu.memory_space<hbm>>
      %dma_wait3A_40 = arith.constant 0 : i32
      %dma_wait3A_41 = tpu.memref_slice %arg10[%add3A, %dma_wait3A_40] : memref<32x10016xf32, #tpu.memory_space<hbm>> -> memref<1x10016xf32, #tpu.memory_space<hbm>>
      %dma_wait3A_42 = tpu.memref_squeeze %dma_wait3A_41 : memref<1x10016xf32, #tpu.memory_space<hbm>> -> memref<10016xf32, #tpu.memory_space<hbm>>
      tpu.wait_dma2 semaphore(%run_scoped3A : memref<!tpu.dma_semaphore, #tpu.memory_space<semaphore_mem>>) src(%arg18 : memref<10016xf32, #tpu.memory_space<vmem>>) dst(%dma_wait3A_42 : memref<10016xf32, #tpu.memory_space<hbm>>)
      tpu.yield
    }) : () -> ()
    %eq3A_28 = arith.constant 15 : i32
    %eq3A_29 = arith.cmpi eq, %arg1, %eq3A_28 : i32
    %convert_element_type3A_30 = arith.extui %eq3A_29 : i1 to i32
    %cond3A_31 = arith.constant 0 : i32
    %cond3A_32 = arith.cmpi ne, %convert_element_type3A_30, %cond3A_31 : i32
    scf.if %cond3A_32 {
      %mul3A_33 = arith.constant 10000 : i32
      %mul3A_34 = arith.muli %arg0, %mul3A_33 : i32
      %add3A_35 = arith.constant 9984 : i32
      %add3A_36 = arith.addi %mul3A_34, %add3A_35 : i32
      "tpu.region"() ({
        %run_scoped3A = tpu.sem_alloc : memref<!tpu.dma_semaphore, #tpu.memory_space<semaphore_mem>>
        %dma_start3A = arith.constant 0 : i32
        %dma_start3A_37 = tpu.memref_slice %arg9[%add3A_36, %dma_start3A] : memref<20000x128xf32, #tpu.memory_space<hbm>> -> memref<16x128xf32, #tpu.memory_space<hbm>>
        %dma_start3A_38 = arith.constant 9984 : i32
        %dma_start3A_39 = arith.constant 0 : i32
        %dma_start3A_40 = tpu.memref_slice %arg19[%dma_start3A_38, %dma_start3A_39] : memref<10016x128xf32, #tpu.memory_space<vmem_shared>> -> memref<16x128xf32, #tpu.memory_space<vmem_shared>>
        tpu.enqueue_dma source(%dma_start3A_40 : memref<16x128xf32, #tpu.memory_space<vmem_shared>>) target(%dma_start3A_37 : memref<16x128xf32, #tpu.memory_space<hbm>>) target_semaphore(%run_scoped3A : memref<!tpu.dma_semaphore, #tpu.memory_space<semaphore_mem>>)
        %dma_wait3A = arith.constant 0 : i32
        %dma_wait3A_41 = tpu.memref_slice %arg9[%add3A_36, %dma_wait3A] : memref<20000x128xf32, #tpu.memory_space<hbm>> -> memref<16x128xf32, #tpu.memory_space<hbm>>
        %dma_wait3A_42 = arith.constant 9984 : i32
        %dma_wait3A_43 = arith.constant 0 : i32
        %dma_wait3A_44 = tpu.memref_slice %arg19[%dma_wait3A_42, %dma_wait3A_43] : memref<10016x128xf32, #tpu.memory_space<vmem_shared>> -> memref<16x128xf32, #tpu.memory_space<vmem_shared>>
        tpu.wait_dma2 semaphore(%run_scoped3A : memref<!tpu.dma_semaphore, #tpu.memory_space<semaphore_mem>>) src(%dma_wait3A_44 : memref<16x128xf32, #tpu.memory_space<vmem_shared>>) dst(%dma_wait3A_41 : memref<16x128xf32, #tpu.memory_space<hbm>>)
        tpu.yield
      }) : () -> ()
    } else {
    }
    return
  }
}

#map = affine_map<(d0, d1) -> (0, 0)>
#map1 = affine_map<(d0, d1) -> (0)>
#map2 = affine_map<(d0, d1) -> (0, 0, 0, 0)>
module attributes {stable_mosaic.version = 14 : i64} {
  func.func @k(%arg0: i32, %arg1: i32, %arg2: memref<10000x128xf32, #tpu.memory_space<hbm>>, %arg3: memref<10000xf32, #tpu.memory_space<hbm>>, %arg4: memref<10000xf32, #tpu.memory_space<hbm>>, %arg5: memref<16xf32, #tpu.memory_space<hbm>>, %arg6: memref<32x157x2x64xi32, #tpu.memory_space<hbm>>, %arg7: memref<10000x128xf32, #tpu.memory_space<hbm>>, %arg8: memref<10000xf32, #tpu.memory_space<hbm>>, %arg9: memref<20000x128xf32, #tpu.memory_space<hbm>>, %arg10: memref<32x10016xf32, #tpu.memory_space<hbm>>, %arg11: memref<10016xf32, #tpu.memory_space<vmem>>, %arg12: memref<10016xf32, #tpu.memory_space<vmem>>, %arg13: memref<16xf32, #tpu.memory_space<vmem>>, %arg14: memref<3x2x64xi32, #tpu.memory_space<vmem>>, %arg15: memref<64xf32, #tpu.memory_space<vmem>>, %arg16: memref<64x128xf32, #tpu.memory_space<vmem>>, %arg17: memref<64x128xf32, #tpu.memory_space<vmem>>, %arg18: memref<10016xf32, #tpu.memory_space<vmem>>, %arg19: memref<10016x128xf32, #tpu.memory_space<vmem_shared>>, %arg20: memref<!tpu.dma_semaphore, #tpu.memory_space<semaphore_mem>>, %arg21: memref<!tpu.dma_semaphore, #tpu.memory_space<semaphore_mem>>, %arg22: memref<!tpu.dma_semaphore, #tpu.memory_space<semaphore_mem>>, %arg23: memref<!tpu.dma_semaphore, #tpu.memory_space<semaphore_mem>>, %arg24: memref<!tpu.dma_semaphore, #tpu.memory_space<semaphore_mem>>) attributes {dimension_semantics = [#tpu.dimension_semantics<core_parallel>, #tpu.dimension_semantics<subcore_parallel>], iteration_bounds = array<i64: 2, 16>, scalar_prefetch = 0 : i64, scratch_operands = 14 : i64, tpu.core_type = #tpu.core_type<sc_vector_subcore>, window_params = [{transform_indices = #map}, {transform_indices = #map1}, {transform_indices = #map1}, {transform_indices = #map1}, {transform_indices = #map2}, {transform_indices = #map}, {transform_indices = #map1}, {transform_indices = #map}, {transform_indices = #map}]} {
    %mul3A = arith.constant 2 : i32
    %mul3A_0 = arith.muli %arg1, %mul3A : i32
    %add3A = arith.addi %mul3A_0, %arg0 : i32
    "tpu.region"() ({
      %run_scoped3A = tpu.sem_alloc : memref<!tpu.dma_semaphore, #tpu.memory_space<semaphore_mem>>
      %dma_start3A = arith.constant 0 : i32
      %dma_start3A_33 = tpu.memref_slice %arg11[%dma_start3A] : memref<10016xf32, #tpu.memory_space<vmem>> -> memref<10000xf32, #tpu.memory_space<vmem>>
      %dma_start3A_34 = arith.constant 0 : i32
      %dma_start3A_35 = tpu.memref_slice %arg11[%dma_start3A_34] : memref<10016xf32, #tpu.memory_space<vmem>> -> memref<10000xf32, #tpu.memory_space<vmem>>
      tpu.enqueue_dma source(%arg3 : memref<10000xf32, #tpu.memory_space<hbm>>) target(%dma_start3A_35 : memref<10000xf32, #tpu.memory_space<vmem>>) target_semaphore(%run_scoped3A : memref<!tpu.dma_semaphore, #tpu.memory_space<semaphore_mem>>)
      %dma_wait3A = arith.constant 0 : i32
      %dma_wait3A_36 = tpu.memref_slice %arg11[%dma_wait3A] : memref<10016xf32, #tpu.memory_space<vmem>> -> memref<10000xf32, #tpu.memory_space<vmem>>
      %dma_wait3A_37 = arith.constant 0 : i32
      %dma_wait3A_38 = tpu.memref_slice %arg11[%dma_wait3A_37] : memref<10016xf32, #tpu.memory_space<vmem>> -> memref<10000xf32, #tpu.memory_space<vmem>>
      tpu.wait_dma2 semaphore(%run_scoped3A : memref<!tpu.dma_semaphore, #tpu.memory_space<semaphore_mem>>) src(%arg3 : memref<10000xf32, #tpu.memory_space<hbm>>) dst(%dma_wait3A_38 : memref<10000xf32, #tpu.memory_space<vmem>>)
      tpu.yield
    }) : () -> ()
    "tpu.region"() ({
      %run_scoped3A = tpu.sem_alloc : memref<!tpu.dma_semaphore, #tpu.memory_space<semaphore_mem>>
      %dma_start3A = arith.constant 0 : i32
      %dma_start3A_33 = tpu.memref_slice %arg12[%dma_start3A] : memref<10016xf32, #tpu.memory_space<vmem>> -> memref<10000xf32, #tpu.memory_space<vmem>>
      %dma_start3A_34 = arith.constant 0 : i32
      %dma_start3A_35 = tpu.memref_slice %arg12[%dma_start3A_34] : memref<10016xf32, #tpu.memory_space<vmem>> -> memref<10000xf32, #tpu.memory_space<vmem>>
      tpu.enqueue_dma source(%arg4 : memref<10000xf32, #tpu.memory_space<hbm>>) target(%dma_start3A_35 : memref<10000xf32, #tpu.memory_space<vmem>>) target_semaphore(%run_scoped3A : memref<!tpu.dma_semaphore, #tpu.memory_space<semaphore_mem>>)
      %dma_wait3A = arith.constant 0 : i32
      %dma_wait3A_36 = tpu.memref_slice %arg12[%dma_wait3A] : memref<10016xf32, #tpu.memory_space<vmem>> -> memref<10000xf32, #tpu.memory_space<vmem>>
      %dma_wait3A_37 = arith.constant 0 : i32
      %dma_wait3A_38 = tpu.memref_slice %arg12[%dma_wait3A_37] : memref<10016xf32, #tpu.memory_space<vmem>> -> memref<10000xf32, #tpu.memory_space<vmem>>
      tpu.wait_dma2 semaphore(%run_scoped3A : memref<!tpu.dma_semaphore, #tpu.memory_space<semaphore_mem>>) src(%arg4 : memref<10000xf32, #tpu.memory_space<hbm>>) dst(%dma_wait3A_38 : memref<10000xf32, #tpu.memory_space<vmem>>)
      tpu.yield
    }) : () -> ()
    "tpu.region"() ({
      %run_scoped3A = tpu.sem_alloc : memref<!tpu.dma_semaphore, #tpu.memory_space<semaphore_mem>>
      tpu.enqueue_dma source(%arg5 : memref<16xf32, #tpu.memory_space<hbm>>) target(%arg13 : memref<16xf32, #tpu.memory_space<vmem>>) target_semaphore(%run_scoped3A : memref<!tpu.dma_semaphore, #tpu.memory_space<semaphore_mem>>)
      tpu.wait_dma2 semaphore(%run_scoped3A : memref<!tpu.dma_semaphore, #tpu.memory_space<semaphore_mem>>) src(%arg5 : memref<16xf32, #tpu.memory_space<hbm>>) dst(%arg13 : memref<16xf32, #tpu.memory_space<vmem>>)
      tpu.yield
    }) : () -> ()
    %broadcast_in_dim3A = arith.constant 0.000000e+00 : f32
    %broadcast_in_dim3A_1 = vector.broadcast %broadcast_in_dim3A : f32 to vector<16xf32>
    %swap3A = arith.constant 10000 : index
    %swap3A_2 = tpu.vector_load %arg11[%swap3A] {strides = array<i32>} : memref<10016xf32, #tpu.memory_space<vmem>>, vector<16xf32>,
    tpu.vector_store %arg11[%swap3A], %broadcast_in_dim3A_1 {strides = array<i32>} : memref<10016xf32, #tpu.memory_space<vmem>>, vector<16xf32>,
    %swap3A_3 = arith.constant 10000 : index
    %swap3A_4 = tpu.vector_load %arg12[%swap3A_3] {strides = array<i32>} : memref<10016xf32, #tpu.memory_space<vmem>>, vector<16xf32>,
    tpu.vector_store %arg12[%swap3A_3], %broadcast_in_dim3A_1 {strides = array<i32>} : memref<10016xf32, #tpu.memory_space<vmem>>, vector<16xf32>,
    %scan3A = arith.constant 0 : i32
    %scan3A_5 = arith.constant 626 : i32
    %scan3A_6 = arith.addi %scan3A, %scan3A_5 : i32
    %scan3A_7 = arith.constant 1 : i32
    scf.for %scan3A_33 = %scan3A to %scan3A_6 step %scan3A_7  : i32 {
      %mul3A_34 = arith.constant 16 : i32
      %mul3A_35 = arith.muli %scan3A_33, %mul3A_34 : i32
      %add3A_36 = arith.constant 0 : i32
      %add3A_37 = arith.addi %add3A_36, %mul3A_35 : i32
      %swap3A_38 = arith.index_cast %add3A_37 : i32 to index
      %swap3A_39 = tpu.vector_load %arg18[%swap3A_38] {strides = array<i32>} : memref<10016xf32, #tpu.memory_space<vmem>>, vector<16xf32>,
      tpu.vector_store %arg18[%swap3A_38], %broadcast_in_dim3A_1 {strides = array<i32>} : memref<10016xf32, #tpu.memory_space<vmem>>, vector<16xf32>,
    }
    %scan3A_8 = arith.constant 626 : i32
    %scan3A_9 = arith.constant 0 : i32
    %scan3A_10 = arith.constant 6 : i32
    %scan3A_11 = arith.addi %scan3A_9, %scan3A_10 : i32
    %scan3A_12 = arith.constant 1 : i32
    scf.for %scan3A_33 = %scan3A_9 to %scan3A_11 step %scan3A_12  : i32 {
      %mul3A_34 = arith.constant 104 : i32
      %mul3A_35 = arith.muli %scan3A_33, %mul3A_34 : i32
      %add3A_36 = arith.constant 0 : i32
      %add3A_37 = arith.addi %add3A_36, %mul3A_35 : i32
      %mul3A_38 = arith.constant 624 : i32
      %mul3A_39 = arith.muli %arg1, %mul3A_38 : i32
      %add3A_40 = arith.addi %mul3A_39, %add3A_37 : i32
      %mul3A_41 = arith.constant 624 : i32
      %mul3A_42 = arith.muli %arg1, %mul3A_41 : i32
      %add3A_43 = arith.addi %mul3A_42, %add3A_37 : i32
      "tpu.region"() ({
        %run_scoped3A = tpu.sem_alloc : memref<!tpu.dma_semaphore, #tpu.memory_space<semaphore_mem>>
        %dma_start3A = arith.constant 0 : i32
        %dma_start3A_44 = tpu.memref_slice %arg19[%add3A_43, %dma_start3A] : memref<10016x128xf32, #tpu.memory_space<vmem_shared>> -> memref<104x128xf32, #tpu.memory_space<vmem_shared>>
        %dma_start3A_45 = arith.constant 0 : i32
        %dma_start3A_46 = tpu.memref_slice %arg7[%add3A_40, %dma_start3A_45] : memref<10000x128xf32, #tpu.memory_space<hbm>> -> memref<104x128xf32, #tpu.memory_space<hbm>>
        tpu.enqueue_dma source(%dma_start3A_46 : memref<104x128xf32, #tpu.memory_space<hbm>>) target(%dma_start3A_44 : memref<104x128xf32, #tpu.memory_space<vmem_shared>>) target_semaphore(%run_scoped3A : memref<!tpu.dma_semaphore, #tpu.memory_space<semaphore_mem>>)
        %dma_wait3A = arith.constant 0 : i32
        %dma_wait3A_47 = tpu.memref_slice %arg19[%add3A_43, %dma_wait3A] : memref<10016x128xf32, #tpu.memory_space<vmem_shared>> -> memref<104x128xf32, #tpu.memory_space<vmem_shared>>
        %dma_wait3A_48 = arith.constant 0 : i32
        %dma_wait3A_49 = tpu.memref_slice %arg7[%add3A_40, %dma_wait3A_48] : memref<10000x128xf32, #tpu.memory_space<hbm>> -> memref<104x128xf32, #tpu.memory_space<hbm>>
        tpu.wait_dma2 semaphore(%run_scoped3A : memref<!tpu.dma_semaphore, #tpu.memory_space<semaphore_mem>>) src(%dma_wait3A_49 : memref<104x128xf32, #tpu.memory_space<hbm>>) dst(%dma_wait3A_47 : memref<104x128xf32, #tpu.memory_space<vmem_shared>>)
        tpu.yield
      }) : () -> ()
    }
    %scan3A_13 = arith.constant 6 : i32
    %eq3A = arith.constant 15 : i32
    %eq3A_14 = arith.cmpi eq, %arg1, %eq3A : i32
    %convert_element_type3A = arith.extui %eq3A_14 : i1 to i32
    %cond3A = arith.constant 0 : i32
    %cond3A_15 = arith.cmpi ne, %convert_element_type3A, %cond3A : i32
    scf.if %cond3A_15 {
      "tpu.region"() ({
        %run_scoped3A = tpu.sem_alloc : memref<!tpu.dma_semaphore, #tpu.memory_space<semaphore_mem>>
        %dma_start3A = arith.constant 9984 : i32
        %dma_start3A_33 = arith.constant 0 : i32
        %dma_start3A_34 = tpu.memref_slice %arg19[%dma_start3A, %dma_start3A_33] : memref<10016x128xf32, #tpu.memory_space<vmem_shared>> -> memref<16x128xf32, #tpu.memory_space<vmem_shared>>
        %dma_start3A_35 = arith.constant 9984 : i32
        %dma_start3A_36 = arith.constant 0 : i32
        %dma_start3A_37 = tpu.memref_slice %arg7[%dma_start3A_35, %dma_start3A_36] : memref<10000x128xf32, #tpu.memory_space<hbm>> -> memref<16x128xf32, #tpu.memory_space<hbm>>
        tpu.enqueue_dma source(%dma_start3A_37 : memref<16x128xf32, #tpu.memory_space<hbm>>) target(%dma_start3A_34 : memref<16x128xf32, #tpu.memory_space<vmem_shared>>) target_semaphore(%run_scoped3A : memref<!tpu.dma_semaphore, #tpu.memory_space<semaphore_mem>>)
        %dma_wait3A = arith.constant 9984 : i32
        %dma_wait3A_38 = arith.constant 0 : i32
        %dma_wait3A_39 = tpu.memref_slice %arg19[%dma_wait3A, %dma_wait3A_38] : memref<10016x128xf32, #tpu.memory_space<vmem_shared>> -> memref<16x128xf32, #tpu.memory_space<vmem_shared>>
        %dma_wait3A_40 = arith.constant 9984 : i32
        %dma_wait3A_41 = arith.constant 0 : i32
        %dma_wait3A_42 = tpu.memref_slice %arg7[%dma_wait3A_40, %dma_wait3A_41] : memref<10000x128xf32, #tpu.memory_space<hbm>> -> memref<16x128xf32, #tpu.memory_space<hbm>>
        tpu.wait_dma2 semaphore(%run_scoped3A : memref<!tpu.dma_semaphore, #tpu.memory_space<semaphore_mem>>) src(%dma_wait3A_42 : memref<16x128xf32, #tpu.memory_space<hbm>>) dst(%dma_wait3A_39 : memref<16x128xf32, #tpu.memory_space<vmem_shared>>)
        tpu.yield
      }) : () -> ()
    } else {
    }
    %barrier3A = arith.constant 0 : index
    tpu.barrier barrier_id(%barrier3A)
    %get3A = arith.constant 0 : index
    %get3A_16 = tpu.vector_load %arg13[%get3A] {strides = array<i32>} : memref<16xf32, #tpu.memory_space<vmem>>, vector<16xf32>,
    %scan3A_17 = arith.constant 0 : i32
    %scan3A_18 = arith.constant 80 : i32
    %scan3A_19 = arith.addi %scan3A_17, %scan3A_18 : i32
    %scan3A_20 = arith.constant 1 : i32
    scf.for %scan3A_33 = %scan3A_17 to %scan3A_19 step %scan3A_20  : i32 {
      %mul3A_34 = arith.constant 1 : i32
      %mul3A_35 = arith.muli %scan3A_33, %mul3A_34 : i32
      %add3A_36 = arith.constant 0 : i32
      %add3A_37 = arith.addi %add3A_36, %mul3A_35 : i32
      %mul3A_38 = arith.constant 2 : i32
      %mul3A_39 = arith.muli %mul3A_38, %add3A_37 : i32
      %sub3A = arith.constant 2 : i32
      %sub3A_40 = arith.subi %mul3A_39, %sub3A : i32
      %add3A_41 = arith.constant 3000 : i32
      %add3A_42 = arith.addi %sub3A_40, %add3A_41 : i32
      %rem3A = arith.constant 3 : i32
      %rem3A_43 = arith.remsi %add3A_42, %rem3A : i32
      %add3A_44 = arith.constant 3001 : i32
      %add3A_45 = arith.addi %sub3A_40, %add3A_44 : i32
      %rem3A_46 = arith.constant 3 : i32
      %rem3A_47 = arith.remsi %add3A_45, %rem3A_46 : i32
      %add3A_48 = arith.constant 3002 : i32
      %add3A_49 = arith.addi %sub3A_40, %add3A_48 : i32
      %rem3A_50 = arith.constant 3 : i32
      %rem3A_51 = arith.remsi %add3A_49, %rem3A_50 : i32
      %ge3A = arith.constant 1 : i32
      %ge3A_52 = arith.cmpi sge, %sub3A_40, %ge3A : i32
      %convert_element_type3A_53 = arith.extui %ge3A_52 : i1 to i32
      %cond3A_54 = arith.constant 0 : i32
      %cond3A_55 = arith.cmpi ne, %convert_element_type3A_53, %cond3A_54 : i32
      scf.if %cond3A_55 {
        %dma_wait3A = arith.constant 1 : i32
        %dma_wait3A_137 = arith.constant 0 : i32
        %dma_wait3A_138 = tpu.memref_slice %arg14[%rem3A_51, %dma_wait3A, %dma_wait3A_137] : memref<3x2x64xi32, #tpu.memory_space<vmem>> -> memref<1x1x64xi32, #tpu.memory_space<vmem>>
        %dma_wait3A_139 = tpu.memref_squeeze %dma_wait3A_138 : memref<1x1x64xi32, #tpu.memory_space<vmem>> -> memref<64xi32, #tpu.memory_space<vmem>>
        %dma_wait3A_140 = arith.constant 0 : i32
        %dma_wait3A_141 = arith.constant 0 : i32
        %dma_wait3A_142 = tpu.memref_slice %arg19[%dma_wait3A_140, %dma_wait3A_141] : memref<10016x128xf32, #tpu.memory_space<vmem_shared>> -> memref<10016x128xf32, #tpu.memory_space<vmem_shared>>
        tpu.wait_indirect_dma semaphore(%arg24 : memref<!tpu.dma_semaphore, #tpu.memory_space<semaphore_mem>>) src(%arg17 : memref<64x128xf32, #tpu.memory_space<vmem>>) dst(%dma_wait3A_142 : memref<10016x128xf32, #tpu.memory_space<vmem_shared>>)
      } else {
      }
      %add3A_56 = arith.constant 1 : i32
      %add3A_57 = arith.addi %sub3A_40, %add3A_56 : i32
      %ge3A_58 = arith.constant 0 : i32
      %ge3A_59 = arith.cmpi sge, %add3A_57, %ge3A_58 : i32
      %add3A_60 = arith.constant 1 : i32
      %add3A_61 = arith.addi %sub3A_40, %add3A_60 : i32
      %le3A = arith.constant 156 : i32
      %le3A_62 = arith.cmpi sle, %add3A_61, %le3A : i32
      %and3A = arith.andi %ge3A_59, %le3A_62 : i1
      %convert_element_type3A_63 = arith.extui %and3A : i1 to i32
      %cond3A_64 = arith.constant 0 : i32
      %cond3A_65 = arith.cmpi ne, %convert_element_type3A_63, %cond3A_64 : i32
      scf.if %cond3A_65 {
        %add3A_137 = arith.constant 1 : i32
        %add3A_138 = arith.addi %sub3A_40, %add3A_137 : i32
        %dma_wait3A = arith.constant 0 : i32
        %dma_wait3A_139 = arith.constant 0 : i32
        %dma_wait3A_140 = tpu.memref_slice %arg14[%rem3A_47, %dma_wait3A, %dma_wait3A_139] : memref<3x2x64xi32, #tpu.memory_space<vmem>> -> memref<1x2x64xi32, #tpu.memory_space<vmem>>
        %dma_wait3A_141 = tpu.memref_squeeze %dma_wait3A_140 : memref<1x2x64xi32, #tpu.memory_space<vmem>> -> memref<2x64xi32, #tpu.memory_space<vmem>>
        %dma_wait3A_142 = arith.constant 0 : i32
        %dma_wait3A_143 = arith.constant 0 : i32
        %dma_wait3A_144 = tpu.memref_slice %arg6[%add3A, %add3A_138, %dma_wait3A_142, %dma_wait3A_143] : memref<32x157x2x64xi32, #tpu.memory_space<hbm>> -> memref<1x1x2x64xi32, #tpu.memory_space<hbm>>
        %dma_wait3A_145 = tpu.memref_squeeze %dma_wait3A_144 : memref<1x1x2x64xi32, #tpu.memory_space<hbm>> -> memref<2x64xi32, #tpu.memory_space<hbm>>
        %dma_wait3A_146 = arith.constant 0 : i32
        %dma_wait3A_147 = arith.constant 0 : i32
        %dma_wait3A_148 = tpu.memref_slice %arg14[%rem3A_47, %dma_wait3A_146, %dma_wait3A_147] : memref<3x2x64xi32, #tpu.memory_space<vmem>> -> memref<1x2x64xi32, #tpu.memory_space<vmem>>
        %dma_wait3A_149 = tpu.memref_squeeze %dma_wait3A_148 : memref<1x2x64xi32, #tpu.memory_space<vmem>> -> memref<2x64xi32, #tpu.memory_space<vmem>>
        %dma_wait3A_150 = arith.constant 0 : i32
        %dma_wait3A_151 = arith.constant 0 : i32
        %dma_wait3A_152 = tpu.memref_slice %arg6[%add3A, %add3A_138, %dma_wait3A_150, %dma_wait3A_151] : memref<32x157x2x64xi32, #tpu.memory_space<hbm>> -> memref<1x1x2x64xi32, #tpu.memory_space<hbm>>
        %dma_wait3A_153 = tpu.memref_squeeze %dma_wait3A_152 : memref<1x1x2x64xi32, #tpu.memory_space<hbm>> -> memref<2x64xi32, #tpu.memory_space<hbm>>
        tpu.wait_dma2 semaphore(%arg20 : memref<!tpu.dma_semaphore, #tpu.memory_space<semaphore_mem>>) src(%dma_wait3A_153 : memref<2x64xi32, #tpu.memory_space<hbm>>) dst(%dma_wait3A_149 : memref<2x64xi32, #tpu.memory_space<vmem>>)
        %dma_start3A = arith.constant 0 : i32
        %dma_start3A_154 = arith.constant 0 : i32
        %dma_start3A_155 = tpu.memref_slice %arg14[%rem3A_47, %dma_start3A, %dma_start3A_154] : memref<3x2x64xi32, #tpu.memory_space<vmem>> -> memref<1x1x64xi32, #tpu.memory_space<vmem>>
        %dma_start3A_156 = tpu.memref_squeeze %dma_start3A_155 : memref<1x1x64xi32, #tpu.memory_space<vmem>> -> memref<64xi32, #tpu.memory_space<vmem>>
        %dma_start3A_157 = arith.constant 0 : i32
        %dma_start3A_158 = arith.constant 0 : i32
        %dma_start3A_159 = tpu.memref_slice %arg2[%dma_start3A_157, %dma_start3A_158] : memref<10000x128xf32, #tpu.memory_space<hbm>> -> memref<10000x128xf32, #tpu.memory_space<hbm>>
        tpu.enqueue_indirect_dma source(%dma_start3A_159 : memref<10000x128xf32, #tpu.memory_space<hbm>>) target(%arg17 : memref<64x128xf32, #tpu.memory_space<vmem>>) offsets(%dma_start3A_156 : memref<64xi32, #tpu.memory_space<vmem>>) semaphore(%arg22 : memref<!tpu.dma_semaphore, #tpu.memory_space<semaphore_mem>>)
      } else {
      }
      %ge3A_66 = arith.constant 0 : i32
      %ge3A_67 = arith.cmpi sge, %sub3A_40, %ge3A_66 : i32
      %le3A_68 = arith.constant 156 : i32
      %le3A_69 = arith.cmpi sle, %sub3A_40, %le3A_68 : i32
      %and3A_70 = arith.andi %ge3A_67, %le3A_69 : i1
      %convert_element_type3A_71 = arith.extui %and3A_70 : i1 to i32
      %cond3A_72 = arith.constant 0 : i32
      %cond3A_73 = arith.cmpi ne, %convert_element_type3A_71, %cond3A_72 : i32
      scf.if %cond3A_73 {
        %get3A_137 = arith.constant 0 : i32
        %get3A_138 = arith.index_cast %rem3A_43 : i32 to index
        %get3A_139 = arith.index_cast %get3A_137 : i32 to index
        %get3A_140 = arith.constant 0 : index
        %get3A_141 = tpu.vector_load %arg14[%get3A_138, %get3A_139, %get3A_140] {strides = array<i32>} : memref<3x2x64xi32, #tpu.memory_space<vmem>>, vector<16xi32>,
        %get3A_142 = arith.constant 1 : i32
        %get3A_143 = arith.index_cast %rem3A_43 : i32 to index
        %get3A_144 = arith.index_cast %get3A_142 : i32 to index
        %get3A_145 = arith.constant 0 : index
        %get3A_146 = tpu.vector_load %arg14[%get3A_143, %get3A_144, %get3A_145] {strides = array<i32>} : memref<3x2x64xi32, #tpu.memory_space<vmem>>, vector<16xi32>,
        %gather3A = tpu.vector_load_idx %arg11[%get3A_141] : memref<10016xf32, #tpu.memory_space<vmem>>[vector<16xi32>], vector<16xf32>,
        %gather3A_147 = tpu.vector_load_idx %arg12[%get3A_146] : memref<10016xf32, #tpu.memory_space<vmem>>[vector<16xi32>], vector<16xf32>,
        %add3A_148 = arith.addf %gather3A, %gather3A_147 : vector<16xf32>
        %mul3A_149 = arith.constant 2.000000e-01 : f32
        %mul3A_150 = vector.broadcast %mul3A_149 : f32 to vector<16xf32>
        %mul3A_151 = arith.mulf %mul3A_150, %add3A_148 : vector<16xf32>
        %max3A = arith.maximumf %add3A_148, %mul3A_151 : vector<16xf32>
        %sub3A_152 = arith.subf %max3A, %get3A_16 : vector<16xf32>
        %exp3A = math.exp %sub3A_152 : vector<16xf32>
        %swap3A_153 = arith.constant 0 : index
        %swap3A_154 = tpu.vector_load %arg15[%swap3A_153] {strides = array<i32>} : memref<64xf32, #tpu.memory_space<vmem>>, vector<16xf32>,
        tpu.vector_store %arg15[%swap3A_153], %exp3A {strides = array<i32>} : memref<64xf32, #tpu.memory_space<vmem>>, vector<16xf32>,
        tpu.vector_store_idx %arg18[%get3A_146], %exp3A {add = true} : memref<10016xf32, #tpu.memory_space<vmem>>[vector<16xi32>], vector<16xf32>,
        %get3A_155 = arith.constant 0 : i32
        %get3A_156 = arith.index_cast %rem3A_43 : i32 to index
        %get3A_157 = arith.index_cast %get3A_155 : i32 to index
        %get3A_158 = arith.constant 16 : index
        %get3A_159 = tpu.vector_load %arg14[%get3A_156, %get3A_157, %get3A_158] {strides = array<i32>} : memref<3x2x64xi32, #tpu.memory_space<vmem>>, vector<16xi32>,
        %get3A_160 = arith.constant 1 : i32
        %get3A_161 = arith.index_cast %rem3A_43 : i32 to index
        %get3A_162 = arith.index_cast %get3A_160 : i32 to index
        %get3A_163 = arith.constant 16 : index
        %get3A_164 = tpu.vector_load %arg14[%get3A_161, %get3A_162, %get3A_163] {strides = array<i32>} : memref<3x2x64xi32, #tpu.memory_space<vmem>>, vector<16xi32>,
        %gather3A_165 = tpu.vector_load_idx %arg11[%get3A_159] : memref<10016xf32, #tpu.memory_space<vmem>>[vector<16xi32>], vector<16xf32>,
        %gather3A_166 = tpu.vector_load_idx %arg12[%get3A_164] : memref<10016xf32, #tpu.memory_space<vmem>>[vector<16xi32>], vector<16xf32>,
        %add3A_167 = arith.addf %gather3A_165, %gather3A_166 : vector<16xf32>
        %mul3A_168 = arith.constant 2.000000e-01 : f32
        %mul3A_169 = vector.broadcast %mul3A_168 : f32 to vector<16xf32>
        %mul3A_170 = arith.mulf %mul3A_169, %add3A_167 : vector<16xf32>
        %max3A_171 = arith.maximumf %add3A_167, %mul3A_170 : vector<16xf32>
        %sub3A_172 = arith.subf %max3A_171, %get3A_16 : vector<16xf32>
        %exp3A_173 = math.exp %sub3A_172 : vector<16xf32>
        %swap3A_174 = arith.constant 16 : index
        %swap3A_175 = tpu.vector_load %arg15[%swap3A_174] {strides = array<i32>} : memref<64xf32, #tpu.memory_space<vmem>>, vector<16xf32>,
        tpu.vector_store %arg15[%swap3A_174], %exp3A_173 {strides = array<i32>} : memref<64xf32, #tpu.memory_space<vmem>>, vector<16xf32>,
        tpu.vector_store_idx %arg18[%get3A_164], %exp3A_173 {add = true} : memref<10016xf32, #tpu.memory_space<vmem>>[vector<16xi32>], vector<16xf32>,
        %get3A_176 = arith.constant 0 : i32
        %get3A_177 = arith.index_cast %rem3A_43 : i32 to index
        %get3A_178 = arith.index_cast %get3A_176 : i32 to index
        %get3A_179 = arith.constant 32 : index
        %get3A_180 = tpu.vector_load %arg14[%get3A_177, %get3A_178, %get3A_179] {strides = array<i32>} : memref<3x2x64xi32, #tpu.memory_space<vmem>>, vector<16xi32>,
        %get3A_181 = arith.constant 1 : i32
        %get3A_182 = arith.index_cast %rem3A_43 : i32 to index
        %get3A_183 = arith.index_cast %get3A_181 : i32 to index
        %get3A_184 = arith.constant 32 : index
        %get3A_185 = tpu.vector_load %arg14[%get3A_182, %get3A_183, %get3A_184] {strides = array<i32>} : memref<3x2x64xi32, #tpu.memory_space<vmem>>, vector<16xi32>,
        %gather3A_186 = tpu.vector_load_idx %arg11[%get3A_180] : memref<10016xf32, #tpu.memory_space<vmem>>[vector<16xi32>], vector<16xf32>,
        %gather3A_187 = tpu.vector_load_idx %arg12[%get3A_185] : memref<10016xf32, #tpu.memory_space<vmem>>[vector<16xi32>], vector<16xf32>,
        %add3A_188 = arith.addf %gather3A_186, %gather3A_187 : vector<16xf32>
        %mul3A_189 = arith.constant 2.000000e-01 : f32
        %mul3A_190 = vector.broadcast %mul3A_189 : f32 to vector<16xf32>
        %mul3A_191 = arith.mulf %mul3A_190, %add3A_188 : vector<16xf32>
        %max3A_192 = arith.maximumf %add3A_188, %mul3A_191 : vector<16xf32>
        %sub3A_193 = arith.subf %max3A_192, %get3A_16 : vector<16xf32>
        %exp3A_194 = math.exp %sub3A_193 : vector<16xf32>
        %swap3A_195 = arith.constant 32 : index
        %swap3A_196 = tpu.vector_load %arg15[%swap3A_195] {strides = array<i32>} : memref<64xf32, #tpu.memory_space<vmem>>, vector<16xf32>,
        tpu.vector_store %arg15[%swap3A_195], %exp3A_194 {strides = array<i32>} : memref<64xf32, #tpu.memory_space<vmem>>, vector<16xf32>,
        tpu.vector_store_idx %arg18[%get3A_185], %exp3A_194 {add = true} : memref<10016xf32, #tpu.memory_space<vmem>>[vector<16xi32>], vector<16xf32>,
        %get3A_197 = arith.constant 0 : i32
        %get3A_198 = arith.index_cast %rem3A_43 : i32 to index
        %get3A_199 = arith.index_cast %get3A_197 : i32 to index
        %get3A_200 = arith.constant 48 : index
        %get3A_201 = tpu.vector_load %arg14[%get3A_198, %get3A_199, %get3A_200] {strides = array<i32>} : memref<3x2x64xi32, #tpu.memory_space<vmem>>, vector<16xi32>,
        %get3A_202 = arith.constant 1 : i32
        %get3A_203 = arith.index_cast %rem3A_43 : i32 to index
        %get3A_204 = arith.index_cast %get3A_202 : i32 to index
        %get3A_205 = arith.constant 48 : index
        %get3A_206 = tpu.vector_load %arg14[%get3A_203, %get3A_204, %get3A_205] {strides = array<i32>} : memref<3x2x64xi32, #tpu.memory_space<vmem>>, vector<16xi32>,
        %gather3A_207 = tpu.vector_load_idx %arg11[%get3A_201] : memref<10016xf32, #tpu.memory_space<vmem>>[vector<16xi32>], vector<16xf32>,
        %gather3A_208 = tpu.vector_load_idx %arg12[%get3A_206] : memref<10016xf32, #tpu.memory_space<vmem>>[vector<16xi32>], vector<16xf32>,
        %add3A_209 = arith.addf %gather3A_207, %gather3A_208 : vector<16xf32>
        %mul3A_210 = arith.constant 2.000000e-01 : f32
        %mul3A_211 = vector.broadcast %mul3A_210 : f32 to vector<16xf32>
        %mul3A_212 = arith.mulf %mul3A_211, %add3A_209 : vector<16xf32>
        %max3A_213 = arith.maximumf %add3A_209, %mul3A_212 : vector<16xf32>
        %sub3A_214 = arith.subf %max3A_213, %get3A_16 : vector<16xf32>
        %exp3A_215 = math.exp %sub3A_214 : vector<16xf32>
        %swap3A_216 = arith.constant 48 : index
        %swap3A_217 = tpu.vector_load %arg15[%swap3A_216] {strides = array<i32>} : memref<64xf32, #tpu.memory_space<vmem>>, vector<16xf32>,
        tpu.vector_store %arg15[%swap3A_216], %exp3A_215 {strides = array<i32>} : memref<64xf32, #tpu.memory_space<vmem>>, vector<16xf32>,
        tpu.vector_store_idx %arg18[%get3A_206], %exp3A_215 {add = true} : memref<10016xf32, #tpu.memory_space<vmem>>[vector<16xi32>], vector<16xf32>,
        %dma_wait3A = arith.constant 0 : i32
        %dma_wait3A_218 = arith.constant 0 : i32
        %dma_wait3A_219 = tpu.memref_slice %arg14[%rem3A_43, %dma_wait3A, %dma_wait3A_218] : memref<3x2x64xi32, #tpu.memory_space<vmem>> -> memref<1x1x64xi32, #tpu.memory_space<vmem>>
        %dma_wait3A_220 = tpu.memref_squeeze %dma_wait3A_219 : memref<1x1x64xi32, #tpu.memory_space<vmem>> -> memref<64xi32, #tpu.memory_space<vmem>>
        %dma_wait3A_221 = arith.constant 0 : i32
        %dma_wait3A_222 = arith.constant 0 : i32
        %dma_wait3A_223 = tpu.memref_slice %arg2[%dma_wait3A_221, %dma_wait3A_222] : memref<10000x128xf32, #tpu.memory_space<hbm>> -> memref<10000x128xf32, #tpu.memory_space<hbm>>
        tpu.wait_indirect_dma semaphore(%arg21 : memref<!tpu.dma_semaphore, #tpu.memory_space<semaphore_mem>>) src(%dma_wait3A_223 : memref<10000x128xf32, #tpu.memory_space<hbm>>) dst(%arg16 : memref<64x128xf32, #tpu.memory_space<vmem>>)
        %iota3A = tpu.iota {dimensions = array<i32: 0>} : vector<16xi32>
        %scan3A_224 = arith.constant 0 : i32
        %scan3A_225 = arith.constant 64 : i32
        %scan3A_226 = arith.addi %scan3A_224, %scan3A_225 : i32
        %scan3A_227 = arith.constant 1 : i32
        scf.for %scan3A_235 = %scan3A_224 to %scan3A_226 step %scan3A_227  : i32 {
          %mul3A_236 = arith.constant 1 : i32
          %mul3A_237 = arith.muli %scan3A_235, %mul3A_236 : i32
          %add3A_238 = arith.constant 0 : i32
          %add3A_239 = arith.addi %add3A_238, %mul3A_237 : i32
          %mul3A_240 = arith.constant 0 : i32
          %mul3A_241 = vector.broadcast %mul3A_240 : i32 to vector<16xi32>
          %mul3A_242 = arith.muli %iota3A, %mul3A_241 : vector<16xi32>
          %add3A_243 = vector.broadcast %add3A_239 : i32 to vector<16xi32>
          %add3A_244 = arith.addi %mul3A_242, %add3A_243 : vector<16xi32>
          %gather3A_245 = tpu.vector_load_idx %arg15[%add3A_244] : memref<64xf32, #tpu.memory_space<vmem>>[vector<16xi32>], vector<16xf32>,
          %get3A_246 = arith.index_cast %add3A_239 : i32 to index
          %get3A_247 = arith.constant 0 : index
          %get3A_248 = tpu.vector_load %arg16[%get3A_246, %get3A_247] {strides = array<i32>} : memref<64x128xf32, #tpu.memory_space<vmem>>, vector<16xf32>,
          %mul3A_249 = arith.mulf %get3A_248, %gather3A_245 : vector<16xf32>
          %swap3A_250 = arith.index_cast %add3A_239 : i32 to index
          %swap3A_251 = arith.constant 0 : index
          %swap3A_252 = tpu.vector_load %arg16[%swap3A_250, %swap3A_251] {strides = array<i32>} : memref<64x128xf32, #tpu.memory_space<vmem>>, vector<16xf32>,
          tpu.vector_store %arg16[%swap3A_250, %swap3A_251], %mul3A_249 {strides = array<i32>} : memref<64x128xf32, #tpu.memory_space<vmem>>, vector<16xf32>,
          %get3A_253 = arith.index_cast %add3A_239 : i32 to index
          %get3A_254 = arith.constant 16 : index
          %get3A_255 = tpu.vector_load %arg16[%get3A_253, %get3A_254] {strides = array<i32>} : memref<64x128xf32, #tpu.memory_space<vmem>>, vector<16xf32>,
          %mul3A_256 = arith.mulf %get3A_255, %gather3A_245 : vector<16xf32>
          %swap3A_257 = arith.index_cast %add3A_239 : i32 to index
          %swap3A_258 = arith.constant 16 : index
          %swap3A_259 = tpu.vector_load %arg16[%swap3A_257, %swap3A_258] {strides = array<i32>} : memref<64x128xf32, #tpu.memory_space<vmem>>, vector<16xf32>,
          tpu.vector_store %arg16[%swap3A_257, %swap3A_258], %mul3A_256 {strides = array<i32>} : memref<64x128xf32, #tpu.memory_space<vmem>>, vector<16xf32>,
          %get3A_260 = arith.index_cast %add3A_239 : i32 to index
          %get3A_261 = arith.constant 32 : index
          %get3A_262 = tpu.vector_load %arg16[%get3A_260, %get3A_261] {strides = array<i32>} : memref<64x128xf32, #tpu.memory_space<vmem>>, vector<16xf32>,
          %mul3A_263 = arith.mulf %get3A_262, %gather3A_245 : vector<16xf32>
          %swap3A_264 = arith.index_cast %add3A_239 : i32 to index
          %swap3A_265 = arith.constant 32 : index
          %swap3A_266 = tpu.vector_load %arg16[%swap3A_264, %swap3A_265] {strides = array<i32>} : memref<64x128xf32, #tpu.memory_space<vmem>>, vector<16xf32>,
          tpu.vector_store %arg16[%swap3A_264, %swap3A_265], %mul3A_263 {strides = array<i32>} : memref<64x128xf32, #tpu.memory_space<vmem>>, vector<16xf32>,
          %get3A_267 = arith.index_cast %add3A_239 : i32 to index
          %get3A_268 = arith.constant 48 : index
          %get3A_269 = tpu.vector_load %arg16[%get3A_267, %get3A_268] {strides = array<i32>} : memref<64x128xf32, #tpu.memory_space<vmem>>, vector<16xf32>,
          %mul3A_270 = arith.mulf %get3A_269, %gather3A_245 : vector<16xf32>
          %swap3A_271 = arith.index_cast %add3A_239 : i32 to index
          %swap3A_272 = arith.constant 48 : index
          %swap3A_273 = tpu.vector_load %arg16[%swap3A_271, %swap3A_272] {strides = array<i32>} : memref<64x128xf32, #tpu.memory_space<vmem>>, vector<16xf32>,
          tpu.vector_store %arg16[%swap3A_271, %swap3A_272], %mul3A_270 {strides = array<i32>} : memref<64x128xf32, #tpu.memory_space<vmem>>, vector<16xf32>,
          %get3A_274 = arith.index_cast %add3A_239 : i32 to index
          %get3A_275 = arith.constant 64 : index
          %get3A_276 = tpu.vector_load %arg16[%get3A_274, %get3A_275] {strides = array<i32>} : memref<64x128xf32, #tpu.memory_space<vmem>>, vector<16xf32>,
          %mul3A_277 = arith.mulf %get3A_276, %gather3A_245 : vector<16xf32>
          %swap3A_278 = arith.index_cast %add3A_239 : i32 to index
          %swap3A_279 = arith.constant 64 : index
          %swap3A_280 = tpu.vector_load %arg16[%swap3A_278, %swap3A_279] {strides = array<i32>} : memref<64x128xf32, #tpu.memory_space<vmem>>, vector<16xf32>,
          tpu.vector_store %arg16[%swap3A_278, %swap3A_279], %mul3A_277 {strides = array<i32>} : memref<64x128xf32, #tpu.memory_space<vmem>>, vector<16xf32>,
          %get3A_281 = arith.index_cast %add3A_239 : i32 to index
          %get3A_282 = arith.constant 80 : index
          %get3A_283 = tpu.vector_load %arg16[%get3A_281, %get3A_282] {strides = array<i32>} : memref<64x128xf32, #tpu.memory_space<vmem>>, vector<16xf32>,
          %mul3A_284 = arith.mulf %get3A_283, %gather3A_245 : vector<16xf32>
          %swap3A_285 = arith.index_cast %add3A_239 : i32 to index
          %swap3A_286 = arith.constant 80 : index
          %swap3A_287 = tpu.vector_load %arg16[%swap3A_285, %swap3A_286] {strides = array<i32>} : memref<64x128xf32, #tpu.memory_space<vmem>>, vector<16xf32>,
          tpu.vector_store %arg16[%swap3A_285, %swap3A_286], %mul3A_284 {strides = array<i32>} : memref<64x128xf32, #tpu.memory_space<vmem>>, vector<16xf32>,
          %get3A_288 = arith.index_cast %add3A_239 : i32 to index
          %get3A_289 = arith.constant 96 : index
          %get3A_290 = tpu.vector_load %arg16[%get3A_288, %get3A_289] {strides = array<i32>} : memref<64x128xf32, #tpu.memory_space<vmem>>, vector<16xf32>,
          %mul3A_291 = arith.mulf %get3A_290, %gather3A_245 : vector<16xf32>
          %swap3A_292 = arith.index_cast %add3A_239 : i32 to index
          %swap3A_293 = arith.constant 96 : index
          %swap3A_294 = tpu.vector_load %arg16[%swap3A_292, %swap3A_293] {strides = array<i32>} : memref<64x128xf32, #tpu.memory_space<vmem>>, vector<16xf32>,
          tpu.vector_store %arg16[%swap3A_292, %swap3A_293], %mul3A_291 {strides = array<i32>} : memref<64x128xf32, #tpu.memory_space<vmem>>, vector<16xf32>,
          %get3A_295 = arith.index_cast %add3A_239 : i32 to index
          %get3A_296 = arith.constant 112 : index
          %get3A_297 = tpu.vector_load %arg16[%get3A_295, %get3A_296] {strides = array<i32>} : memref<64x128xf32, #tpu.memory_space<vmem>>, vector<16xf32>,
          %mul3A_298 = arith.mulf %get3A_297, %gather3A_245 : vector<16xf32>
          %swap3A_299 = arith.index_cast %add3A_239 : i32 to index
          %swap3A_300 = arith.constant 112 : index
          %swap3A_301 = tpu.vector_load %arg16[%swap3A_299, %swap3A_300] {strides = array<i32>} : memref<64x128xf32, #tpu.memory_space<vmem>>, vector<16xf32>,
          tpu.vector_store %arg16[%swap3A_299, %swap3A_300], %mul3A_298 {strides = array<i32>} : memref<64x128xf32, #tpu.memory_space<vmem>>, vector<16xf32>,
        }
        %scan3A_228 = arith.constant 64 : i32
        %dma_start3A = arith.constant 1 : i32
        %dma_start3A_229 = arith.constant 0 : i32
        %dma_start3A_230 = tpu.memref_slice %arg14[%rem3A_43, %dma_start3A, %dma_start3A_229] : memref<3x2x64xi32, #tpu.memory_space<vmem>> -> memref<1x1x64xi32, #tpu.memory_space<vmem>>
        %dma_start3A_231 = tpu.memref_squeeze %dma_start3A_230 : memref<1x1x64xi32, #tpu.memory_space<vmem>> -> memref<64xi32, #tpu.memory_space<vmem>>
        %dma_start3A_232 = arith.constant 0 : i32
        %dma_start3A_233 = arith.constant 0 : i32
        %dma_start3A_234 = tpu.memref_slice %arg19[%dma_start3A_232, %dma_start3A_233] : memref<10016x128xf32, #tpu.memory_space<vmem_shared>> -> memref<10016x128xf32, #tpu.memory_space<vmem_shared>>
        tpu.enqueue_indirect_dma source(%arg16 : memref<64x128xf32, #tpu.memory_space<vmem>>) target(%dma_start3A_234 : memref<10016x128xf32, #tpu.memory_space<vmem_shared>>) offsets(%dma_start3A_231 : memref<64xi32, #tpu.memory_space<vmem>>) semaphore(%arg23 : memref<!tpu.dma_semaphore, #tpu.memory_space<semaphore_mem>>)
      } else {
      }
      %add3A_74 = arith.constant 2 : i32
      %add3A_75 = arith.addi %sub3A_40, %add3A_74 : i32
      %ge3A_76 = arith.constant 0 : i32
      %ge3A_77 = arith.cmpi sge, %add3A_75, %ge3A_76 : i32
      %add3A_78 = arith.constant 2 : i32
      %add3A_79 = arith.addi %sub3A_40, %add3A_78 : i32
      %le3A_80 = arith.constant 156 : i32
      %le3A_81 = arith.cmpi sle, %add3A_79, %le3A_80 : i32
      %and3A_82 = arith.andi %ge3A_77, %le3A_81 : i1
      %convert_element_type3A_83 = arith.extui %and3A_82 : i1 to i32
      %cond3A_84 = arith.constant 0 : i32
      %cond3A_85 = arith.cmpi ne, %convert_element_type3A_83, %cond3A_84 : i32
      scf.if %cond3A_85 {
        %add3A_137 = arith.constant 2 : i32
        %add3A_138 = arith.addi %sub3A_40, %add3A_137 : i32
        %dma_start3A = arith.constant 0 : i32
        %dma_start3A_139 = arith.constant 0 : i32
        %dma_start3A_140 = tpu.memref_slice %arg14[%rem3A_51, %dma_start3A, %dma_start3A_139] : memref<3x2x64xi32, #tpu.memory_space<vmem>> -> memref<1x2x64xi32, #tpu.memory_space<vmem>>
        %dma_start3A_141 = tpu.memref_squeeze %dma_start3A_140 : memref<1x2x64xi32, #tpu.memory_space<vmem>> -> memref<2x64xi32, #tpu.memory_space<vmem>>
        %dma_start3A_142 = arith.constant 0 : i32
        %dma_start3A_143 = arith.constant 0 : i32
        %dma_start3A_144 = tpu.memref_slice %arg6[%add3A, %add3A_138, %dma_start3A_142, %dma_start3A_143] : memref<32x157x2x64xi32, #tpu.memory_space<hbm>> -> memref<1x1x2x64xi32, #tpu.memory_space<hbm>>
        %dma_start3A_145 = tpu.memref_squeeze %dma_start3A_144 : memref<1x1x2x64xi32, #tpu.memory_space<hbm>> -> memref<2x64xi32, #tpu.memory_space<hbm>>
        %dma_start3A_146 = arith.constant 0 : i32
        %dma_start3A_147 = arith.constant 0 : i32
        %dma_start3A_148 = tpu.memref_slice %arg14[%rem3A_51, %dma_start3A_146, %dma_start3A_147] : memref<3x2x64xi32, #tpu.memory_space<vmem>> -> memref<1x2x64xi32, #tpu.memory_space<vmem>>
        %dma_start3A_149 = tpu.memref_squeeze %dma_start3A_148 : memref<1x2x64xi32, #tpu.memory_space<vmem>> -> memref<2x64xi32, #tpu.memory_space<vmem>>
        %dma_start3A_150 = arith.constant 0 : i32
        %dma_start3A_151 = arith.constant 0 : i32
        %dma_start3A_152 = tpu.memref_slice %arg6[%add3A, %add3A_138, %dma_start3A_150, %dma_start3A_151] : memref<32x157x2x64xi32, #tpu.memory_space<hbm>> -> memref<1x1x2x64xi32, #tpu.memory_space<hbm>>
        %dma_start3A_153 = tpu.memref_squeeze %dma_start3A_152 : memref<1x1x2x64xi32, #tpu.memory_space<hbm>> -> memref<2x64xi32, #tpu.memory_space<hbm>>
        tpu.enqueue_dma source(%dma_start3A_153 : memref<2x64xi32, #tpu.memory_space<hbm>>) target(%dma_start3A_149 : memref<2x64xi32, #tpu.memory_space<vmem>>) target_semaphore(%arg20 : memref<!tpu.dma_semaphore, #tpu.memory_space<semaphore_mem>>)
      } else {
      }
      %add3A_86 = arith.constant 1 : i32
      %add3A_87 = arith.addi %sub3A_40, %add3A_86 : i32
      %add3A_88 = arith.constant 3000 : i32
      %add3A_89 = arith.addi %add3A_87, %add3A_88 : i32
      %rem3A_90 = arith.constant 3 : i32
      %rem3A_91 = arith.remsi %add3A_89, %rem3A_90 : i32
      %add3A_92 = arith.constant 3001 : i32
      %add3A_93 = arith.addi %add3A_87, %add3A_92 : i32
      %rem3A_94 = arith.constant 3 : i32
      %rem3A_95 = arith.remsi %add3A_93, %rem3A_94 : i32
      %add3A_96 = arith.constant 3002 : i32
      %add3A_97 = arith.addi %add3A_87, %add3A_96 : i32
      %rem3A_98 = arith.constant 3 : i32
      %rem3A_99 = arith.remsi %add3A_97, %rem3A_98 : i32
      %ge3A_100 = arith.constant 1 : i32
      %ge3A_101 = arith.cmpi sge, %add3A_87, %ge3A_100 : i32
      %convert_element_type3A_102 = arith.extui %ge3A_101 : i1 to i32
      %cond3A_103 = arith.constant 0 : i32
      %cond3A_104 = arith.cmpi ne, %convert_element_type3A_102, %cond3A_103 : i32
      scf.if %cond3A_104 {
        %dma_wait3A = arith.constant 1 : i32
        %dma_wait3A_137 = arith.constant 0 : i32
        %dma_wait3A_138 = tpu.memref_slice %arg14[%rem3A_99, %dma_wait3A, %dma_wait3A_137] : memref<3x2x64xi32, #tpu.memory_space<vmem>> -> memref<1x1x64xi32, #tpu.memory_space<vmem>>
        %dma_wait3A_139 = tpu.memref_squeeze %dma_wait3A_138 : memref<1x1x64xi32, #tpu.memory_space<vmem>> -> memref<64xi32, #tpu.memory_space<vmem>>
        %dma_wait3A_140 = arith.constant 0 : i32
        %dma_wait3A_141 = arith.constant 0 : i32
        %dma_wait3A_142 = tpu.memref_slice %arg19[%dma_wait3A_140, %dma_wait3A_141] : memref<10016x128xf32, #tpu.memory_space<vmem_shared>> -> memref<10016x128xf32, #tpu.memory_space<vmem_shared>>
        tpu.wait_indirect_dma semaphore(%arg23 : memref<!tpu.dma_semaphore, #tpu.memory_space<semaphore_mem>>) src(%arg16 : memref<64x128xf32, #tpu.memory_space<vmem>>) dst(%dma_wait3A_142 : memref<10016x128xf32, #tpu.memory_space<vmem_shared>>)
      } else {
      }
      %add3A_105 = arith.constant 1 : i32
      %add3A_106 = arith.addi %add3A_87, %add3A_105 : i32
      %ge3A_107 = arith.constant 0 : i32
      %ge3A_108 = arith.cmpi sge, %add3A_106, %ge3A_107 : i32
      %add3A_109 = arith.constant 1 : i32
      %add3A_110 = arith.addi %add3A_87, %add3A_109 : i32
      %le3A_111 = arith.constant 156 : i32
      %le3A_112 = arith.cmpi sle, %add3A_110, %le3A_111 : i32
      %and3A_113 = arith.andi %ge3A_108, %le3A_112 : i1
      %convert_element_type3A_114 = arith.extui %and3A_113 : i1 to i32
      %cond3A_115 = arith.constant 0 : i32
      %cond3A_116 = arith.cmpi ne, %convert_element_type3A_114, %cond3A_115 : i32
      scf.if %cond3A_116 {
        %add3A_137 = arith.constant 1 : i32
        %add3A_138 = arith.addi %add3A_87, %add3A_137 : i32
        %dma_wait3A = arith.constant 0 : i32
        %dma_wait3A_139 = arith.constant 0 : i32
        %dma_wait3A_140 = tpu.memref_slice %arg14[%rem3A_95, %dma_wait3A, %dma_wait3A_139] : memref<3x2x64xi32, #tpu.memory_space<vmem>> -> memref<1x2x64xi32, #tpu.memory_space<vmem>>
        %dma_wait3A_141 = tpu.memref_squeeze %dma_wait3A_140 : memref<1x2x64xi32, #tpu.memory_space<vmem>> -> memref<2x64xi32, #tpu.memory_space<vmem>>
        %dma_wait3A_142 = arith.constant 0 : i32
        %dma_wait3A_143 = arith.constant 0 : i32
        %dma_wait3A_144 = tpu.memref_slice %arg6[%add3A, %add3A_138, %dma_wait3A_142, %dma_wait3A_143] : memref<32x157x2x64xi32, #tpu.memory_space<hbm>> -> memref<1x1x2x64xi32, #tpu.memory_space<hbm>>
        %dma_wait3A_145 = tpu.memref_squeeze %dma_wait3A_144 : memref<1x1x2x64xi32, #tpu.memory_space<hbm>> -> memref<2x64xi32, #tpu.memory_space<hbm>>
        %dma_wait3A_146 = arith.constant 0 : i32
        %dma_wait3A_147 = arith.constant 0 : i32
        %dma_wait3A_148 = tpu.memref_slice %arg14[%rem3A_95, %dma_wait3A_146, %dma_wait3A_147] : memref<3x2x64xi32, #tpu.memory_space<vmem>> -> memref<1x2x64xi32, #tpu.memory_space<vmem>>
        %dma_wait3A_149 = tpu.memref_squeeze %dma_wait3A_148 : memref<1x2x64xi32, #tpu.memory_space<vmem>> -> memref<2x64xi32, #tpu.memory_space<vmem>>
        %dma_wait3A_150 = arith.constant 0 : i32
        %dma_wait3A_151 = arith.constant 0 : i32
        %dma_wait3A_152 = tpu.memref_slice %arg6[%add3A, %add3A_138, %dma_wait3A_150, %dma_wait3A_151] : memref<32x157x2x64xi32, #tpu.memory_space<hbm>> -> memref<1x1x2x64xi32, #tpu.memory_space<hbm>>
        %dma_wait3A_153 = tpu.memref_squeeze %dma_wait3A_152 : memref<1x1x2x64xi32, #tpu.memory_space<hbm>> -> memref<2x64xi32, #tpu.memory_space<hbm>>
        tpu.wait_dma2 semaphore(%arg20 : memref<!tpu.dma_semaphore, #tpu.memory_space<semaphore_mem>>) src(%dma_wait3A_153 : memref<2x64xi32, #tpu.memory_space<hbm>>) dst(%dma_wait3A_149 : memref<2x64xi32, #tpu.memory_space<vmem>>)
        %dma_start3A = arith.constant 0 : i32
        %dma_start3A_154 = arith.constant 0 : i32
        %dma_start3A_155 = tpu.memref_slice %arg14[%rem3A_95, %dma_start3A, %dma_start3A_154] : memref<3x2x64xi32, #tpu.memory_space<vmem>> -> memref<1x1x64xi32, #tpu.memory_space<vmem>>
        %dma_start3A_156 = tpu.memref_squeeze %dma_start3A_155 : memref<1x1x64xi32, #tpu.memory_space<vmem>> -> memref<64xi32, #tpu.memory_space<vmem>>
        %dma_start3A_157 = arith.constant 0 : i32
        %dma_start3A_158 = arith.constant 0 : i32
        %dma_start3A_159 = tpu.memref_slice %arg2[%dma_start3A_157, %dma_start3A_158] : memref<10000x128xf32, #tpu.memory_space<hbm>> -> memref<10000x128xf32, #tpu.memory_space<hbm>>
        tpu.enqueue_indirect_dma source(%dma_start3A_159 : memref<10000x128xf32, #tpu.memory_space<hbm>>) target(%arg16 : memref<64x128xf32, #tpu.memory_space<vmem>>) offsets(%dma_start3A_156 : memref<64xi32, #tpu.memory_space<vmem>>) semaphore(%arg21 : memref<!tpu.dma_semaphore, #tpu.memory_space<semaphore_mem>>)
      } else {
      }
      %ge3A_117 = arith.constant 0 : i32
      %ge3A_118 = arith.cmpi sge, %add3A_87, %ge3A_117 : i32
      %le3A_119 = arith.constant 156 : i32
      %le3A_120 = arith.cmpi sle, %add3A_87, %le3A_119 : i32
      %and3A_121 = arith.andi %ge3A_118, %le3A_120 : i1
      %convert_element_type3A_122 = arith.extui %and3A_121 : i1 to i32
      %cond3A_123 = arith.constant 0 : i32
      %cond3A_124 = arith.cmpi ne, %convert_element_type3A_122, %cond3A_123 : i32
      scf.if %cond3A_124 {
        %get3A_137 = arith.constant 0 : i32
        %get3A_138 = arith.index_cast %rem3A_91 : i32 to index
        %get3A_139 = arith.index_cast %get3A_137 : i32 to index
        %get3A_140 = arith.constant 0 : index
        %get3A_141 = tpu.vector_load %arg14[%get3A_138, %get3A_139, %get3A_140] {strides = array<i32>} : memref<3x2x64xi32, #tpu.memory_space<vmem>>, vector<16xi32>,
        %get3A_142 = arith.constant 1 : i32
        %get3A_143 = arith.index_cast %rem3A_91 : i32 to index
        %get3A_144 = arith.index_cast %get3A_142 : i32 to index
        %get3A_145 = arith.constant 0 : index
        %get3A_146 = tpu.vector_load %arg14[%get3A_143, %get3A_144, %get3A_145] {strides = array<i32>} : memref<3x2x64xi32, #tpu.memory_space<vmem>>, vector<16xi32>,
        %gather3A = tpu.vector_load_idx %arg11[%get3A_141] : memref<10016xf32, #tpu.memory_space<vmem>>[vector<16xi32>], vector<16xf32>,
        %gather3A_147 = tpu.vector_load_idx %arg12[%get3A_146] : memref<10016xf32, #tpu.memory_space<vmem>>[vector<16xi32>], vector<16xf32>,
        %add3A_148 = arith.addf %gather3A, %gather3A_147 : vector<16xf32>
        %mul3A_149 = arith.constant 2.000000e-01 : f32
        %mul3A_150 = vector.broadcast %mul3A_149 : f32 to vector<16xf32>
        %mul3A_151 = arith.mulf %mul3A_150, %add3A_148 : vector<16xf32>
        %max3A = arith.maximumf %add3A_148, %mul3A_151 : vector<16xf32>
        %sub3A_152 = arith.subf %max3A, %get3A_16 : vector<16xf32>
        %exp3A = math.exp %sub3A_152 : vector<16xf32>
        %swap3A_153 = arith.constant 0 : index
        %swap3A_154 = tpu.vector_load %arg15[%swap3A_153] {strides = array<i32>} : memref<64xf32, #tpu.memory_space<vmem>>, vector<16xf32>,
        tpu.vector_store %arg15[%swap3A_153], %exp3A {strides = array<i32>} : memref<64xf32, #tpu.memory_space<vmem>>, vector<16xf32>,
        tpu.vector_store_idx %arg18[%get3A_146], %exp3A {add = true} : memref<10016xf32, #tpu.memory_space<vmem>>[vector<16xi32>], vector<16xf32>,
        %get3A_155 = arith.constant 0 : i32
        %get3A_156 = arith.index_cast %rem3A_91 : i32 to index
        %get3A_157 = arith.index_cast %get3A_155 : i32 to index
        %get3A_158 = arith.constant 16 : index
        %get3A_159 = tpu.vector_load %arg14[%get3A_156, %get3A_157, %get3A_158] {strides = array<i32>} : memref<3x2x64xi32, #tpu.memory_space<vmem>>, vector<16xi32>,
        %get3A_160 = arith.constant 1 : i32
        %get3A_161 = arith.index_cast %rem3A_91 : i32 to index
        %get3A_162 = arith.index_cast %get3A_160 : i32 to index
        %get3A_163 = arith.constant 16 : index
        %get3A_164 = tpu.vector_load %arg14[%get3A_161, %get3A_162, %get3A_163] {strides = array<i32>} : memref<3x2x64xi32, #tpu.memory_space<vmem>>, vector<16xi32>,
        %gather3A_165 = tpu.vector_load_idx %arg11[%get3A_159] : memref<10016xf32, #tpu.memory_space<vmem>>[vector<16xi32>], vector<16xf32>,
        %gather3A_166 = tpu.vector_load_idx %arg12[%get3A_164] : memref<10016xf32, #tpu.memory_space<vmem>>[vector<16xi32>], vector<16xf32>,
        %add3A_167 = arith.addf %gather3A_165, %gather3A_166 : vector<16xf32>
        %mul3A_168 = arith.constant 2.000000e-01 : f32
        %mul3A_169 = vector.broadcast %mul3A_168 : f32 to vector<16xf32>
        %mul3A_170 = arith.mulf %mul3A_169, %add3A_167 : vector<16xf32>
        %max3A_171 = arith.maximumf %add3A_167, %mul3A_170 : vector<16xf32>
        %sub3A_172 = arith.subf %max3A_171, %get3A_16 : vector<16xf32>
        %exp3A_173 = math.exp %sub3A_172 : vector<16xf32>
        %swap3A_174 = arith.constant 16 : index
        %swap3A_175 = tpu.vector_load %arg15[%swap3A_174] {strides = array<i32>} : memref<64xf32, #tpu.memory_space<vmem>>, vector<16xf32>,
        tpu.vector_store %arg15[%swap3A_174], %exp3A_173 {strides = array<i32>} : memref<64xf32, #tpu.memory_space<vmem>>, vector<16xf32>,
        tpu.vector_store_idx %arg18[%get3A_164], %exp3A_173 {add = true} : memref<10016xf32, #tpu.memory_space<vmem>>[vector<16xi32>], vector<16xf32>,
        %get3A_176 = arith.constant 0 : i32
        %get3A_177 = arith.index_cast %rem3A_91 : i32 to index
        %get3A_178 = arith.index_cast %get3A_176 : i32 to index
        %get3A_179 = arith.constant 32 : index
        %get3A_180 = tpu.vector_load %arg14[%get3A_177, %get3A_178, %get3A_179] {strides = array<i32>} : memref<3x2x64xi32, #tpu.memory_space<vmem>>, vector<16xi32>,
        %get3A_181 = arith.constant 1 : i32
        %get3A_182 = arith.index_cast %rem3A_91 : i32 to index
        %get3A_183 = arith.index_cast %get3A_181 : i32 to index
        %get3A_184 = arith.constant 32 : index
        %get3A_185 = tpu.vector_load %arg14[%get3A_182, %get3A_183, %get3A_184] {strides = array<i32>} : memref<3x2x64xi32, #tpu.memory_space<vmem>>, vector<16xi32>,
        %gather3A_186 = tpu.vector_load_idx %arg11[%get3A_180] : memref<10016xf32, #tpu.memory_space<vmem>>[vector<16xi32>], vector<16xf32>,
        %gather3A_187 = tpu.vector_load_idx %arg12[%get3A_185] : memref<10016xf32, #tpu.memory_space<vmem>>[vector<16xi32>], vector<16xf32>,
        %add3A_188 = arith.addf %gather3A_186, %gather3A_187 : vector<16xf32>
        %mul3A_189 = arith.constant 2.000000e-01 : f32
        %mul3A_190 = vector.broadcast %mul3A_189 : f32 to vector<16xf32>
        %mul3A_191 = arith.mulf %mul3A_190, %add3A_188 : vector<16xf32>
        %max3A_192 = arith.maximumf %add3A_188, %mul3A_191 : vector<16xf32>
        %sub3A_193 = arith.subf %max3A_192, %get3A_16 : vector<16xf32>
        %exp3A_194 = math.exp %sub3A_193 : vector<16xf32>
        %swap3A_195 = arith.constant 32 : index
        %swap3A_196 = tpu.vector_load %arg15[%swap3A_195] {strides = array<i32>} : memref<64xf32, #tpu.memory_space<vmem>>, vector<16xf32>,
        tpu.vector_store %arg15[%swap3A_195], %exp3A_194 {strides = array<i32>} : memref<64xf32, #tpu.memory_space<vmem>>, vector<16xf32>,
        tpu.vector_store_idx %arg18[%get3A_185], %exp3A_194 {add = true} : memref<10016xf32, #tpu.memory_space<vmem>>[vector<16xi32>], vector<16xf32>,
        %get3A_197 = arith.constant 0 : i32
        %get3A_198 = arith.index_cast %rem3A_91 : i32 to index
        %get3A_199 = arith.index_cast %get3A_197 : i32 to index
        %get3A_200 = arith.constant 48 : index
        %get3A_201 = tpu.vector_load %arg14[%get3A_198, %get3A_199, %get3A_200] {strides = array<i32>} : memref<3x2x64xi32, #tpu.memory_space<vmem>>, vector<16xi32>,
        %get3A_202 = arith.constant 1 : i32
        %get3A_203 = arith.index_cast %rem3A_91 : i32 to index
        %get3A_204 = arith.index_cast %get3A_202 : i32 to index
        %get3A_205 = arith.constant 48 : index
        %get3A_206 = tpu.vector_load %arg14[%get3A_203, %get3A_204, %get3A_205] {strides = array<i32>} : memref<3x2x64xi32, #tpu.memory_space<vmem>>, vector<16xi32>,
        %gather3A_207 = tpu.vector_load_idx %arg11[%get3A_201] : memref<10016xf32, #tpu.memory_space<vmem>>[vector<16xi32>], vector<16xf32>,
        %gather3A_208 = tpu.vector_load_idx %arg12[%get3A_206] : memref<10016xf32, #tpu.memory_space<vmem>>[vector<16xi32>], vector<16xf32>,
        %add3A_209 = arith.addf %gather3A_207, %gather3A_208 : vector<16xf32>
        %mul3A_210 = arith.constant 2.000000e-01 : f32
        %mul3A_211 = vector.broadcast %mul3A_210 : f32 to vector<16xf32>
        %mul3A_212 = arith.mulf %mul3A_211, %add3A_209 : vector<16xf32>
        %max3A_213 = arith.maximumf %add3A_209, %mul3A_212 : vector<16xf32>
        %sub3A_214 = arith.subf %max3A_213, %get3A_16 : vector<16xf32>
        %exp3A_215 = math.exp %sub3A_214 : vector<16xf32>
        %swap3A_216 = arith.constant 48 : index
        %swap3A_217 = tpu.vector_load %arg15[%swap3A_216] {strides = array<i32>} : memref<64xf32, #tpu.memory_space<vmem>>, vector<16xf32>,
        tpu.vector_store %arg15[%swap3A_216], %exp3A_215 {strides = array<i32>} : memref<64xf32, #tpu.memory_space<vmem>>, vector<16xf32>,
        tpu.vector_store_idx %arg18[%get3A_206], %exp3A_215 {add = true} : memref<10016xf32, #tpu.memory_space<vmem>>[vector<16xi32>], vector<16xf32>,
        %dma_wait3A = arith.constant 0 : i32
        %dma_wait3A_218 = arith.constant 0 : i32
        %dma_wait3A_219 = tpu.memref_slice %arg14[%rem3A_91, %dma_wait3A, %dma_wait3A_218] : memref<3x2x64xi32, #tpu.memory_space<vmem>> -> memref<1x1x64xi32, #tpu.memory_space<vmem>>
        %dma_wait3A_220 = tpu.memref_squeeze %dma_wait3A_219 : memref<1x1x64xi32, #tpu.memory_space<vmem>> -> memref<64xi32, #tpu.memory_space<vmem>>
        %dma_wait3A_221 = arith.constant 0 : i32
        %dma_wait3A_222 = arith.constant 0 : i32
        %dma_wait3A_223 = tpu.memref_slice %arg2[%dma_wait3A_221, %dma_wait3A_222] : memref<10000x128xf32, #tpu.memory_space<hbm>> -> memref<10000x128xf32, #tpu.memory_space<hbm>>
        tpu.wait_indirect_dma semaphore(%arg22 : memref<!tpu.dma_semaphore, #tpu.memory_space<semaphore_mem>>) src(%dma_wait3A_223 : memref<10000x128xf32, #tpu.memory_space<hbm>>) dst(%arg17 : memref<64x128xf32, #tpu.memory_space<vmem>>)
        %iota3A = tpu.iota {dimensions = array<i32: 0>} : vector<16xi32>
        %scan3A_224 = arith.constant 0 : i32
        %scan3A_225 = arith.constant 64 : i32
        %scan3A_226 = arith.addi %scan3A_224, %scan3A_225 : i32
        %scan3A_227 = arith.constant 1 : i32
        scf.for %scan3A_235 = %scan3A_224 to %scan3A_226 step %scan3A_227  : i32 {
          %mul3A_236 = arith.constant 1 : i32
          %mul3A_237 = arith.muli %scan3A_235, %mul3A_236 : i32
          %add3A_238 = arith.constant 0 : i32
          %add3A_239 = arith.addi %add3A_238, %mul3A_237 : i32
          %mul3A_240 = arith.constant 0 : i32
          %mul3A_241 = vector.broadcast %mul3A_240 : i32 to vector<16xi32>
          %mul3A_242 = arith.muli %iota3A, %mul3A_241 : vector<16xi32>
          %add3A_243 = vector.broadcast %add3A_239 : i32 to vector<16xi32>
          %add3A_244 = arith.addi %mul3A_242, %add3A_243 : vector<16xi32>
          %gather3A_245 = tpu.vector_load_idx %arg15[%add3A_244] : memref<64xf32, #tpu.memory_space<vmem>>[vector<16xi32>], vector<16xf32>,
          %get3A_246 = arith.index_cast %add3A_239 : i32 to index
          %get3A_247 = arith.constant 0 : index
          %get3A_248 = tpu.vector_load %arg17[%get3A_246, %get3A_247] {strides = array<i32>} : memref<64x128xf32, #tpu.memory_space<vmem>>, vector<16xf32>,
          %mul3A_249 = arith.mulf %get3A_248, %gather3A_245 : vector<16xf32>
          %swap3A_250 = arith.index_cast %add3A_239 : i32 to index
          %swap3A_251 = arith.constant 0 : index
          %swap3A_252 = tpu.vector_load %arg17[%swap3A_250, %swap3A_251] {strides = array<i32>} : memref<64x128xf32, #tpu.memory_space<vmem>>, vector<16xf32>,
          tpu.vector_store %arg17[%swap3A_250, %swap3A_251], %mul3A_249 {strides = array<i32>} : memref<64x128xf32, #tpu.memory_space<vmem>>, vector<16xf32>,
          %get3A_253 = arith.index_cast %add3A_239 : i32 to index
          %get3A_254 = arith.constant 16 : index
          %get3A_255 = tpu.vector_load %arg17[%get3A_253, %get3A_254] {strides = array<i32>} : memref<64x128xf32, #tpu.memory_space<vmem>>, vector<16xf32>,
          %mul3A_256 = arith.mulf %get3A_255, %gather3A_245 : vector<16xf32>
          %swap3A_257 = arith.index_cast %add3A_239 : i32 to index
          %swap3A_258 = arith.constant 16 : index
          %swap3A_259 = tpu.vector_load %arg17[%swap3A_257, %swap3A_258] {strides = array<i32>} : memref<64x128xf32, #tpu.memory_space<vmem>>, vector<16xf32>,
          tpu.vector_store %arg17[%swap3A_257, %swap3A_258], %mul3A_256 {strides = array<i32>} : memref<64x128xf32, #tpu.memory_space<vmem>>, vector<16xf32>,
          %get3A_260 = arith.index_cast %add3A_239 : i32 to index
          %get3A_261 = arith.constant 32 : index
          %get3A_262 = tpu.vector_load %arg17[%get3A_260, %get3A_261] {strides = array<i32>} : memref<64x128xf32, #tpu.memory_space<vmem>>, vector<16xf32>,
          %mul3A_263 = arith.mulf %get3A_262, %gather3A_245 : vector<16xf32>
          %swap3A_264 = arith.index_cast %add3A_239 : i32 to index
          %swap3A_265 = arith.constant 32 : index
          %swap3A_266 = tpu.vector_load %arg17[%swap3A_264, %swap3A_265] {strides = array<i32>} : memref<64x128xf32, #tpu.memory_space<vmem>>, vector<16xf32>,
          tpu.vector_store %arg17[%swap3A_264, %swap3A_265], %mul3A_263 {strides = array<i32>} : memref<64x128xf32, #tpu.memory_space<vmem>>, vector<16xf32>,
          %get3A_267 = arith.index_cast %add3A_239 : i32 to index
          %get3A_268 = arith.constant 48 : index
          %get3A_269 = tpu.vector_load %arg17[%get3A_267, %get3A_268] {strides = array<i32>} : memref<64x128xf32, #tpu.memory_space<vmem>>, vector<16xf32>,
          %mul3A_270 = arith.mulf %get3A_269, %gather3A_245 : vector<16xf32>
          %swap3A_271 = arith.index_cast %add3A_239 : i32 to index
          %swap3A_272 = arith.constant 48 : index
          %swap3A_273 = tpu.vector_load %arg17[%swap3A_271, %swap3A_272] {strides = array<i32>} : memref<64x128xf32, #tpu.memory_space<vmem>>, vector<16xf32>,
          tpu.vector_store %arg17[%swap3A_271, %swap3A_272], %mul3A_270 {strides = array<i32>} : memref<64x128xf32, #tpu.memory_space<vmem>>, vector<16xf32>,
          %get3A_274 = arith.index_cast %add3A_239 : i32 to index
          %get3A_275 = arith.constant 64 : index
          %get3A_276 = tpu.vector_load %arg17[%get3A_274, %get3A_275] {strides = array<i32>} : memref<64x128xf32, #tpu.memory_space<vmem>>, vector<16xf32>,
          %mul3A_277 = arith.mulf %get3A_276, %gather3A_245 : vector<16xf32>
          %swap3A_278 = arith.index_cast %add3A_239 : i32 to index
          %swap3A_279 = arith.constant 64 : index
          %swap3A_280 = tpu.vector_load %arg17[%swap3A_278, %swap3A_279] {strides = array<i32>} : memref<64x128xf32, #tpu.memory_space<vmem>>, vector<16xf32>,
          tpu.vector_store %arg17[%swap3A_278, %swap3A_279], %mul3A_277 {strides = array<i32>} : memref<64x128xf32, #tpu.memory_space<vmem>>, vector<16xf32>,
          %get3A_281 = arith.index_cast %add3A_239 : i32 to index
          %get3A_282 = arith.constant 80 : index
          %get3A_283 = tpu.vector_load %arg17[%get3A_281, %get3A_282] {strides = array<i32>} : memref<64x128xf32, #tpu.memory_space<vmem>>, vector<16xf32>,
          %mul3A_284 = arith.mulf %get3A_283, %gather3A_245 : vector<16xf32>
          %swap3A_285 = arith.index_cast %add3A_239 : i32 to index
          %swap3A_286 = arith.constant 80 : index
          %swap3A_287 = tpu.vector_load %arg17[%swap3A_285, %swap3A_286] {strides = array<i32>} : memref<64x128xf32, #tpu.memory_space<vmem>>, vector<16xf32>,
          tpu.vector_store %arg17[%swap3A_285, %swap3A_286], %mul3A_284 {strides = array<i32>} : memref<64x128xf32, #tpu.memory_space<vmem>>, vector<16xf32>,
          %get3A_288 = arith.index_cast %add3A_239 : i32 to index
          %get3A_289 = arith.constant 96 : index
          %get3A_290 = tpu.vector_load %arg17[%get3A_288, %get3A_289] {strides = array<i32>} : memref<64x128xf32, #tpu.memory_space<vmem>>, vector<16xf32>,
          %mul3A_291 = arith.mulf %get3A_290, %gather3A_245 : vector<16xf32>
          %swap3A_292 = arith.index_cast %add3A_239 : i32 to index
          %swap3A_293 = arith.constant 96 : index
          %swap3A_294 = tpu.vector_load %arg17[%swap3A_292, %swap3A_293] {strides = array<i32>} : memref<64x128xf32, #tpu.memory_space<vmem>>, vector<16xf32>,
          tpu.vector_store %arg17[%swap3A_292, %swap3A_293], %mul3A_291 {strides = array<i32>} : memref<64x128xf32, #tpu.memory_space<vmem>>, vector<16xf32>,
          %get3A_295 = arith.index_cast %add3A_239 : i32 to index
          %get3A_296 = arith.constant 112 : index
          %get3A_297 = tpu.vector_load %arg17[%get3A_295, %get3A_296] {strides = array<i32>} : memref<64x128xf32, #tpu.memory_space<vmem>>, vector<16xf32>,
          %mul3A_298 = arith.mulf %get3A_297, %gather3A_245 : vector<16xf32>
          %swap3A_299 = arith.index_cast %add3A_239 : i32 to index
          %swap3A_300 = arith.constant 112 : index
          %swap3A_301 = tpu.vector_load %arg17[%swap3A_299, %swap3A_300] {strides = array<i32>} : memref<64x128xf32, #tpu.memory_space<vmem>>, vector<16xf32>,
          tpu.vector_store %arg17[%swap3A_299, %swap3A_300], %mul3A_298 {strides = array<i32>} : memref<64x128xf32, #tpu.memory_space<vmem>>, vector<16xf32>,
        }
        %scan3A_228 = arith.constant 64 : i32
        %dma_start3A = arith.constant 1 : i32
        %dma_start3A_229 = arith.constant 0 : i32
        %dma_start3A_230 = tpu.memref_slice %arg14[%rem3A_91, %dma_start3A, %dma_start3A_229] : memref<3x2x64xi32, #tpu.memory_space<vmem>> -> memref<1x1x64xi32, #tpu.memory_space<vmem>>
        %dma_start3A_231 = tpu.memref_squeeze %dma_start3A_230 : memref<1x1x64xi32, #tpu.memory_space<vmem>> -> memref<64xi32, #tpu.memory_space<vmem>>
        %dma_start3A_232 = arith.constant 0 : i32
        %dma_start3A_233 = arith.constant 0 : i32
        %dma_start3A_234 = tpu.memref_slice %arg19[%dma_start3A_232, %dma_start3A_233] : memref<10016x128xf32, #tpu.memory_space<vmem_shared>> -> memref<10016x128xf32, #tpu.memory_space<vmem_shared>>
        tpu.enqueue_indirect_dma source(%arg17 : memref<64x128xf32, #tpu.memory_space<vmem>>) target(%dma_start3A_234 : memref<10016x128xf32, #tpu.memory_space<vmem_shared>>) offsets(%dma_start3A_231 : memref<64xi32, #tpu.memory_space<vmem>>) semaphore(%arg24 : memref<!tpu.dma_semaphore, #tpu.memory_space<semaphore_mem>>)
      } else {
      }
      %add3A_125 = arith.constant 2 : i32
      %add3A_126 = arith.addi %add3A_87, %add3A_125 : i32
      %ge3A_127 = arith.constant 0 : i32
      %ge3A_128 = arith.cmpi sge, %add3A_126, %ge3A_127 : i32
      %add3A_129 = arith.constant 2 : i32
      %add3A_130 = arith.addi %add3A_87, %add3A_129 : i32
      %le3A_131 = arith.constant 156 : i32
      %le3A_132 = arith.cmpi sle, %add3A_130, %le3A_131 : i32
      %and3A_133 = arith.andi %ge3A_128, %le3A_132 : i1
      %convert_element_type3A_134 = arith.extui %and3A_133 : i1 to i32
      %cond3A_135 = arith.constant 0 : i32
      %cond3A_136 = arith.cmpi ne, %convert_element_type3A_134, %cond3A_135 : i32
      scf.if %cond3A_136 {
        %add3A_137 = arith.constant 2 : i32
        %add3A_138 = arith.addi %add3A_87, %add3A_137 : i32
        %dma_start3A = arith.constant 0 : i32
        %dma_start3A_139 = arith.constant 0 : i32
        %dma_start3A_140 = tpu.memref_slice %arg14[%rem3A_99, %dma_start3A, %dma_start3A_139] : memref<3x2x64xi32, #tpu.memory_space<vmem>> -> memref<1x2x64xi32, #tpu.memory_space<vmem>>
        %dma_start3A_141 = tpu.memref_squeeze %dma_start3A_140 : memref<1x2x64xi32, #tpu.memory_space<vmem>> -> memref<2x64xi32, #tpu.memory_space<vmem>>
        %dma_start3A_142 = arith.constant 0 : i32
        %dma_start3A_143 = arith.constant 0 : i32
        %dma_start3A_144 = tpu.memref_slice %arg6[%add3A, %add3A_138, %dma_start3A_142, %dma_start3A_143] : memref<32x157x2x64xi32, #tpu.memory_space<hbm>> -> memref<1x1x2x64xi32, #tpu.memory_space<hbm>>
        %dma_start3A_145 = tpu.memref_squeeze %dma_start3A_144 : memref<1x1x2x64xi32, #tpu.memory_space<hbm>> -> memref<2x64xi32, #tpu.memory_space<hbm>>
        %dma_start3A_146 = arith.constant 0 : i32
        %dma_start3A_147 = arith.constant 0 : i32
        %dma_start3A_148 = tpu.memref_slice %arg14[%rem3A_99, %dma_start3A_146, %dma_start3A_147] : memref<3x2x64xi32, #tpu.memory_space<vmem>> -> memref<1x2x64xi32, #tpu.memory_space<vmem>>
        %dma_start3A_149 = tpu.memref_squeeze %dma_start3A_148 : memref<1x2x64xi32, #tpu.memory_space<vmem>> -> memref<2x64xi32, #tpu.memory_space<vmem>>
        %dma_start3A_150 = arith.constant 0 : i32
        %dma_start3A_151 = arith.constant 0 : i32
        %dma_start3A_152 = tpu.memref_slice %arg6[%add3A, %add3A_138, %dma_start3A_150, %dma_start3A_151] : memref<32x157x2x64xi32, #tpu.memory_space<hbm>> -> memref<1x1x2x64xi32, #tpu.memory_space<hbm>>
        %dma_start3A_153 = tpu.memref_squeeze %dma_start3A_152 : memref<1x1x2x64xi32, #tpu.memory_space<hbm>> -> memref<2x64xi32, #tpu.memory_space<hbm>>
        tpu.enqueue_dma source(%dma_start3A_153 : memref<2x64xi32, #tpu.memory_space<hbm>>) target(%dma_start3A_149 : memref<2x64xi32, #tpu.memory_space<vmem>>) target_semaphore(%arg20 : memref<!tpu.dma_semaphore, #tpu.memory_space<semaphore_mem>>)
      } else {
      }
    }
    %scan3A_21 = arith.constant 80 : i32
    %barrier3A_22 = arith.constant 0 : index
    tpu.barrier barrier_id(%barrier3A_22)
    %scan3A_23 = arith.constant 0 : i32
    %scan3A_24 = arith.constant 6 : i32
    %scan3A_25 = arith.addi %scan3A_23, %scan3A_24 : i32
    %scan3A_26 = arith.constant 1 : i32
    scf.for %scan3A_33 = %scan3A_23 to %scan3A_25 step %scan3A_26  : i32 {
      %mul3A_34 = arith.constant 104 : i32
      %mul3A_35 = arith.muli %scan3A_33, %mul3A_34 : i32
      %add3A_36 = arith.constant 0 : i32
      %add3A_37 = arith.addi %add3A_36, %mul3A_35 : i32
      %mul3A_38 = arith.constant 624 : i32
      %mul3A_39 = arith.muli %arg1, %mul3A_38 : i32
      %add3A_40 = arith.addi %mul3A_39, %add3A_37 : i32
      %mul3A_41 = arith.constant 10000 : i32
      %mul3A_42 = arith.muli %arg0, %mul3A_41 : i32
      %mul3A_43 = arith.constant 624 : i32
      %mul3A_44 = arith.muli %arg1, %mul3A_43 : i32
      %add3A_45 = arith.addi %mul3A_42, %mul3A_44 : i32
      %add3A_46 = arith.addi %add3A_45, %add3A_37 : i32
      "tpu.region"() ({
        %run_scoped3A = tpu.sem_alloc : memref<!tpu.dma_semaphore, #tpu.memory_space<semaphore_mem>>
        %dma_start3A = arith.constant 0 : i32
        %dma_start3A_47 = tpu.memref_slice %arg9[%add3A_46, %dma_start3A] : memref<20000x128xf32, #tpu.memory_space<hbm>> -> memref<104x128xf32, #tpu.memory_space<hbm>>
        %dma_start3A_48 = arith.constant 0 : i32
        %dma_start3A_49 = tpu.memref_slice %arg19[%add3A_40, %dma_start3A_48] : memref<10016x128xf32, #tpu.memory_space<vmem_shared>> -> memref<104x128xf32, #tpu.memory_space<vmem_shared>>
        tpu.enqueue_dma source(%dma_start3A_49 : memref<104x128xf32, #tpu.memory_space<vmem_shared>>) target(%dma_start3A_47 : memref<104x128xf32, #tpu.memory_space<hbm>>) target_semaphore(%run_scoped3A : memref<!tpu.dma_semaphore, #tpu.memory_space<semaphore_mem>>)
        %dma_wait3A = arith.constant 0 : i32
        %dma_wait3A_50 = tpu.memref_slice %arg9[%add3A_46, %dma_wait3A] : memref<20000x128xf32, #tpu.memory_space<hbm>> -> memref<104x128xf32, #tpu.memory_space<hbm>>
        %dma_wait3A_51 = arith.constant 0 : i32
        %dma_wait3A_52 = tpu.memref_slice %arg19[%add3A_40, %dma_wait3A_51] : memref<10016x128xf32, #tpu.memory_space<vmem_shared>> -> memref<104x128xf32, #tpu.memory_space<vmem_shared>>
        tpu.wait_dma2 semaphore(%run_scoped3A : memref<!tpu.dma_semaphore, #tpu.memory_space<semaphore_mem>>) src(%dma_wait3A_52 : memref<104x128xf32, #tpu.memory_space<vmem_shared>>) dst(%dma_wait3A_50 : memref<104x128xf32, #tpu.memory_space<hbm>>)
        tpu.yield
      }) : () -> ()
    }
    %scan3A_27 = arith.constant 6 : i32
    "tpu.region"() ({
      %run_scoped3A = tpu.sem_alloc : memref<!tpu.dma_semaphore, #tpu.memory_space<semaphore_mem>>
      %dma_start3A = arith.constant 0 : i32
      %dma_start3A_33 = tpu.memref_slice %arg10[%add3A, %dma_start3A] : memref<32x10016xf32, #tpu.memory_space<hbm>> -> memref<1x10016xf32, #tpu.memory_space<hbm>>
      %dma_start3A_34 = tpu.memref_squeeze %dma_start3A_33 : memref<1x10016xf32, #tpu.memory_space<hbm>> -> memref<10016xf32, #tpu.memory_space<hbm>>
      %dma_start3A_35 = arith.constant 0 : i32
      %dma_start3A_36 = tpu.memref_slice %arg10[%add3A, %dma_start3A_35] : memref<32x10016xf32, #tpu.memory_space<hbm>> -> memref<1x10016xf32, #tpu.memory_space<hbm>>
      %dma_start3A_37 = tpu.memref_squeeze %dma_start3A_36 : memref<1x10016xf32, #tpu.memory_space<hbm>> -> memref<10016xf32, #tpu.memory_space<hbm>>
      tpu.enqueue_dma source(%arg18 : memref<10016xf32, #tpu.memory_space<vmem>>) target(%dma_start3A_37 : memref<10016xf32, #tpu.memory_space<hbm>>) target_semaphore(%run_scoped3A : memref<!tpu.dma_semaphore, #tpu.memory_space<semaphore_mem>>)
      %dma_wait3A = arith.constant 0 : i32
      %dma_wait3A_38 = tpu.memref_slice %arg10[%add3A, %dma_wait3A] : memref<32x10016xf32, #tpu.memory_space<hbm>> -> memref<1x10016xf32, #tpu.memory_space<hbm>>
      %dma_wait3A_39 = tpu.memref_squeeze %dma_wait3A_38 : memref<1x10016xf32, #tpu.memory_space<hbm>> -> memref<10016xf32, #tpu.memory_space<hbm>>
      %dma_wait3A_40 = arith.constant 0 : i32
      %dma_wait3A_41 = tpu.memref_slice %arg10[%add3A, %dma_wait3A_40] : memref<32x10016xf32, #tpu.memory_space<hbm>> -> memref<1x10016xf32, #tpu.memory_space<hbm>>
      %dma_wait3A_42 = tpu.memref_squeeze %dma_wait3A_41 : memref<1x10016xf32, #tpu.memory_space<hbm>> -> memref<10016xf32, #tpu.memory_space<hbm>>
      tpu.wait_dma2 semaphore(%run_scoped3A : memref<!tpu.dma_semaphore, #tpu.memory_space<semaphore_mem>>) src(%arg18 : memref<10016xf32, #tpu.memory_space<vmem>>) dst(%dma_wait3A_42 : memref<10016xf32, #tpu.memory_space<hbm>>)
      tpu.yield
    }) : () -> ()
    %eq3A_28 = arith.constant 15 : i32
    %eq3A_29 = arith.cmpi eq, %arg1, %eq3A_28 : i32
    %convert_element_type3A_30 = arith.extui %eq3A_29 : i1 to i32
    %cond3A_31 = arith.constant 0 : i32
    %cond3A_32 = arith.cmpi ne, %convert_element_type3A_30, %cond3A_31 : i32
    scf.if %cond3A_32 {
      %mul3A_33 = arith.constant 10000 : i32
      %mul3A_34 = arith.muli %arg0, %mul3A_33 : i32
      %add3A_35 = arith.constant 9984 : i32
      %add3A_36 = arith.addi %mul3A_34, %add3A_35 : i32
      "tpu.region"() ({
        %run_scoped3A = tpu.sem_alloc : memref<!tpu.dma_semaphore, #tpu.memory_space<semaphore_mem>>
        %dma_start3A = arith.constant 0 : i32
        %dma_start3A_37 = tpu.memref_slice %arg9[%add3A_36, %dma_start3A] : memref<20000x128xf32, #tpu.memory_space<hbm>> -> memref<16x128xf32, #tpu.memory_space<hbm>>
        %dma_start3A_38 = arith.constant 9984 : i32
        %dma_start3A_39 = arith.constant 0 : i32
        %dma_start3A_40 = tpu.memref_slice %arg19[%dma_start3A_38, %dma_start3A_39] : memref<10016x128xf32, #tpu.memory_space<vmem_shared>> -> memref<16x128xf32, #tpu.memory_space<vmem_shared>>
        tpu.enqueue_dma source(%dma_start3A_40 : memref<16x128xf32, #tpu.memory_space<vmem_shared>>) target(%dma_start3A_37 : memref<16x128xf32, #tpu.memory_space<hbm>>) target_semaphore(%run_scoped3A : memref<!tpu.dma_semaphore, #tpu.memory_space<semaphore_mem>>)
        %dma_wait3A = arith.constant 0 : i32
        %dma_wait3A_41 = tpu.memref_slice %arg9[%add3A_36, %dma_wait3A] : memref<20000x128xf32, #tpu.memory_space<hbm>> -> memref<16x128xf32, #tpu.memory_space<hbm>>
        %dma_wait3A_42 = arith.constant 9984 : i32
        %dma_wait3A_43 = arith.constant 0 : i32
        %dma_wait3A_44 = tpu.memref_slice %arg19[%dma_wait3A_42, %dma_wait3A_43] : memref<10016x128xf32, #tpu.memory_space<vmem_shared>> -> memref<16x128xf32, #tpu.memory_space<vmem_shared>>
        tpu.wait_dma2 semaphore(%run_scoped3A : memref<!tpu.dma_semaphore, #tpu.memory_space<semaphore_mem>>) src(%dma_wait3A_44 : memref<16x128xf32, #tpu.memory_space<vmem_shared>>) dst(%dma_wait3A_41 : memref<16x128xf32, #tpu.memory_space<hbm>>)
        tpu.yield
      }) : () -> ()
    } else {
    }
    return
  }
}

module attributes {stable_mosaic.version = 14 : i64} {
  func.func @_pre_body(%arg0: i32, %arg1: memref<400x128xf32, #tpu.memory_space<vmem>>, %arg2: memref<128x128xf32, #tpu.memory_space<vmem>>, %arg3: memref<1x128xf32, #tpu.memory_space<vmem>>, %arg4: memref<1x128xf32, #tpu.memory_space<vmem>>, %arg5: memref<400x128xf32, #tpu.memory_space<vmem>>, %arg6: memref<400x1xf32, #tpu.memory_space<vmem>>, %arg7: memref<400x1xf32, #tpu.memory_space<vmem>>) attributes {dimension_semantics = [#tpu.dimension_semantics<arbitrary>], iteration_bounds = array<i64: 25>, scalar_prefetch = 0 : i64, scratch_operands = 0 : i64, tpu.core_type = #tpu.core_type<tc>, window_params = [{transform_indices = @transform_0, window_bounds = array<i64: 400, 128>}, {pipeline_mode = #tpu.pipeline_mode<synchronous>, transform_indices = @transform_1, window_bounds = array<i64: 128, 128>}, {pipeline_mode = #tpu.pipeline_mode<synchronous>, transform_indices = @transform_2, window_bounds = array<i64: 1, 128>}, {pipeline_mode = #tpu.pipeline_mode<synchronous>, transform_indices = @transform_3, window_bounds = array<i64: 1, 128>}, {transform_indices = @transform_4, window_bounds = array<i64: 400, 128>}, {transform_indices = @transform_5, window_bounds = array<i64: 400, 1>}, {transform_indices = @transform_6, window_bounds = array<i64: 400, 1>}]} {
    %get3A = arith.constant 0 : index
    %get3A_0 = arith.constant 0 : index
    %get3A_1 = vector.load %arg1[%get3A, %get3A_0] : memref<400x128xf32, #tpu.memory_space<vmem>>, vector<400x128xf32>
    %get3A_2 = arith.constant 0 : index
    %get3A_3 = arith.constant 0 : index
    %get3A_4 = vector.load %arg2[%get3A_2, %get3A_3] : memref<128x128xf32, #tpu.memory_space<vmem>>, vector<128x128xf32>
    %dot_general3A = arith.constant dense<0.000000e+00> : vector<400x128xf32>
    %dot_general3A_5 = tpu.matmul %get3A_1, %get3A_4, %dot_general3A {dimension_numbers = #tpu.dot_dimension_numbers<[1], [0], [0], [1], [0, 0, 1, 1], [], []>, transpose_lhs_hint = false} : vector<400x128xf32>, vector<128x128xf32>, vector<400x128xf32> -> vector<400x128xf32>
    %swap3A = arith.constant 0 : index
    %swap3A_6 = arith.constant 0 : index
    %swap3A_7 = vector.load %arg5[%swap3A, %swap3A_6] : memref<400x128xf32, #tpu.memory_space<vmem>>, vector<400x128xf32>
    tpu.vector_store %arg5[%swap3A, %swap3A_6], %dot_general3A_5 {strides = array<i32>} : memref<400x128xf32, #tpu.memory_space<vmem>>, vector<400x128xf32>,
    %get3A_8 = arith.constant 0 : index
    %get3A_9 = arith.constant 0 : index
    %get3A_10 = vector.load %arg3[%get3A_8, %get3A_9] : memref<1x128xf32, #tpu.memory_space<vmem>>, vector<1x128xf32>
    %mul3A = vector.broadcast %get3A_10 : vector<1x128xf32> to vector<400x128xf32>
    %mul3A_11 = arith.mulf %dot_general3A_5, %mul3A : vector<400x128xf32>
    %reduce_sum3A = arith.constant dense<0.000000e+00> : vector<400xf32>
    %reduce_sum3A_12 = vector.multi_reduction <add>, %mul3A_11, %reduce_sum3A [1] : vector<400x128xf32> to vector<400xf32>
    %broadcast_in_dim3A = vector.shape_cast %reduce_sum3A_12 : vector<400xf32> to vector<400x1xf32>
    %swap3A_13 = arith.constant 0 : index
    %swap3A_14 = arith.constant 0 : index
    %swap3A_15 = vector.load %arg6[%swap3A_13, %swap3A_14] : memref<400x1xf32, #tpu.memory_space<vmem>>, vector<400x1xf32>
    tpu.vector_store %arg6[%swap3A_13, %swap3A_14], %broadcast_in_dim3A {strides = array<i32>} : memref<400x1xf32, #tpu.memory_space<vmem>>, vector<400x1xf32>,
    %get3A_16 = arith.constant 0 : index
    %get3A_17 = arith.constant 0 : index
    %get3A_18 = vector.load %arg4[%get3A_16, %get3A_17] : memref<1x128xf32, #tpu.memory_space<vmem>>, vector<1x128xf32>
    %mul3A_19 = vector.broadcast %get3A_18 : vector<1x128xf32> to vector<400x128xf32>
    %mul3A_20 = arith.mulf %dot_general3A_5, %mul3A_19 : vector<400x128xf32>
    %reduce_sum3A_21 = arith.constant dense<0.000000e+00> : vector<400xf32>
    %reduce_sum3A_22 = vector.multi_reduction <add>, %mul3A_20, %reduce_sum3A_21 [1] : vector<400x128xf32> to vector<400xf32>
    %broadcast_in_dim3A_23 = vector.shape_cast %reduce_sum3A_22 : vector<400xf32> to vector<400x1xf32>
    %swap3A_24 = arith.constant 0 : index
    %swap3A_25 = arith.constant 0 : index
    %swap3A_26 = vector.load %arg7[%swap3A_24, %swap3A_25] : memref<400x1xf32, #tpu.memory_space<vmem>>, vector<400x1xf32>
    tpu.vector_store %arg7[%swap3A_24, %swap3A_25], %broadcast_in_dim3A_23 {strides = array<i32>} : memref<400x1xf32, #tpu.memory_space<vmem>>, vector<400x1xf32>,
    return
  }
  func.func @transform_0(%arg0: i32) -> (i32, i32) {
    %c0_i32 = arith.constant 0 : i32
    %c0_i32_0 = arith.constant 0 : i32
    return %arg0, %c0_i32 : i32, i32
  }
  func.func @transform_1(%arg0: i32) -> (i32, i32) {
    %c0_i32 = arith.constant 0 : i32
    %c0_i32_0 = arith.constant 0 : i32
    %c0_i32_1 = arith.constant 0 : i32
    return %c0_i32, %c0_i32_0 : i32, i32
  }
  func.func @transform_2(%arg0: i32) -> (i32, i32) {
    %c0_i32 = arith.constant 0 : i32
    %c0_i32_0 = arith.constant 0 : i32
    %c0_i32_1 = arith.constant 0 : i32
    return %c0_i32, %c0_i32_0 : i32, i32
  }
  func.func @transform_3(%arg0: i32) -> (i32, i32) {
    %c0_i32 = arith.constant 0 : i32
    %c0_i32_0 = arith.constant 0 : i32
    %c0_i32_1 = arith.constant 0 : i32
    return %c0_i32, %c0_i32_0 : i32, i32
  }
  func.func @transform_4(%arg0: i32) -> (i32, i32) {
    %c0_i32 = arith.constant 0 : i32
    %c0_i32_0 = arith.constant 0 : i32
    return %arg0, %c0_i32 : i32, i32
  }
  func.func @transform_5(%arg0: i32) -> (i32, i32) {
    %c0_i32 = arith.constant 0 : i32
    %c0_i32_0 = arith.constant 0 : i32
    return %arg0, %c0_i32 : i32, i32
  }
  func.func @transform_6(%arg0: i32) -> (i32, i32) {
    %c0_i32 = arith.constant 0 : i32
    %c0_i32_0 = arith.constant 0 : i32
    return %arg0, %c0_i32 : i32, i32
  }
}

module attributes {stable_mosaic.version = 14 : i64} {
  func.func @_post_body(%arg0: i32, %arg1: memref<2x400x128xf32, #tpu.memory_space<vmem>>, %arg2: memref<400x1xf32, #tpu.memory_space<vmem>>, %arg3: memref<400x128xf32, #tpu.memory_space<vmem>>, %arg4: memref<400x1xf32, #tpu.memory_space<vmem>>, %arg5: memref<400x1xf32, #tpu.memory_space<vmem>>, %arg6: memref<1x1xf32, #tpu.memory_space<vmem>>, %arg7: memref<1x128xf32, #tpu.memory_space<vmem>>, %arg8: memref<128x128xf32, #tpu.memory_space<vmem>>, %arg9: memref<1x128xf32, #tpu.memory_space<vmem>>, %arg10: memref<400x128xf32, #tpu.memory_space<vmem>>) attributes {dimension_semantics = [#tpu.dimension_semantics<arbitrary>], iteration_bounds = array<i64: 25>, scalar_prefetch = 0 : i64, scratch_operands = 0 : i64, tpu.core_type = #tpu.core_type<tc>, window_params = [{transform_indices = @transform_0, window_bounds = array<i64: 2, 400, 128>}, {transform_indices = @transform_1, window_bounds = array<i64: 400, 1>}, {transform_indices = @transform_2, window_bounds = array<i64: 400, 128>}, {transform_indices = @transform_3, window_bounds = array<i64: 400, 1>}, {transform_indices = @transform_4, window_bounds = array<i64: 400, 1>}, {pipeline_mode = #tpu.pipeline_mode<synchronous>, transform_indices = @transform_5, window_bounds = array<i64: 1, 1>}, {pipeline_mode = #tpu.pipeline_mode<synchronous>, transform_indices = @transform_6, window_bounds = array<i64: 1, 128>}, {pipeline_mode = #tpu.pipeline_mode<synchronous>, transform_indices = @transform_7, window_bounds = array<i64: 128, 128>}, {pipeline_mode = #tpu.pipeline_mode<synchronous>, transform_indices = @transform_8, window_bounds = array<i64: 1, 128>}, {transform_indices = @transform_9, window_bounds = array<i64: 400, 128>}]} {
    %get3A = arith.constant 0 : index
    %get3A_0 = arith.constant 0 : index
    %get3A_1 = vector.load %arg4[%get3A, %get3A_0] : memref<400x1xf32, #tpu.memory_space<vmem>>, vector<400x1xf32>
    %get3A_2 = arith.constant 0 : index
    %get3A_3 = arith.constant 0 : index
    %get3A_4 = vector.load %arg5[%get3A_2, %get3A_3] : memref<400x1xf32, #tpu.memory_space<vmem>>, vector<400x1xf32>
    %add3A = arith.addf %get3A_1, %get3A_4 : vector<400x1xf32>
    %mul3A = arith.constant 2.000000e-01 : f32
    %mul3A_5 = vector.broadcast %mul3A : f32 to vector<400x1xf32>
    %mul3A_6 = arith.mulf %mul3A_5, %add3A : vector<400x1xf32>
    %max3A = arith.maximumf %add3A, %mul3A_6 : vector<400x1xf32>
    %get3A_7 = arith.constant 0 : index
    %get3A_8 = arith.constant 0 : index
    %get3A_9 = vector.load %arg6[%get3A_7, %get3A_8] : memref<1x1xf32, #tpu.memory_space<vmem>>, vector<1x1xf32>
    %get3A_10 = vector.extract %get3A_9[0, 0] : f32 from vector<1x1xf32>
    %sub3A = vector.broadcast %get3A_10 : f32 to vector<400x1xf32>
    %sub3A_11 = arith.subf %max3A, %sub3A : vector<400x1xf32>
    %exp3A = math.exp %sub3A_11 : vector<400x1xf32>
    %get3A_12 = arith.constant 0 : index
    %get3A_13 = arith.constant 0 : index
    %get3A_14 = arith.constant 0 : index
    %get3A_15 = vector.load %arg1[%get3A_12, %get3A_13, %get3A_14] : memref<2x400x128xf32, #tpu.memory_space<vmem>>, vector<1x400x128xf32>
    %get3A_16 = vector.shape_cast %get3A_15 : vector<1x400x128xf32> to vector<400x128xf32>
    %get3A_17 = arith.constant 1 : index
    %get3A_18 = arith.constant 0 : index
    %get3A_19 = arith.constant 0 : index
    %get3A_20 = vector.load %arg1[%get3A_17, %get3A_18, %get3A_19] : memref<2x400x128xf32, #tpu.memory_space<vmem>>, vector<1x400x128xf32>
    %get3A_21 = vector.shape_cast %get3A_20 : vector<1x400x128xf32> to vector<400x128xf32>
    %add3A_22 = arith.addf %get3A_16, %get3A_21 : vector<400x128xf32>
    %get3A_23 = arith.constant 0 : index
    %get3A_24 = arith.constant 0 : index
    %get3A_25 = vector.load %arg3[%get3A_23, %get3A_24] : memref<400x128xf32, #tpu.memory_space<vmem>>, vector<400x128xf32>
    %mul3A_26 = vector.broadcast %exp3A : vector<400x1xf32> to vector<400x128xf32>
    %mul3A_27 = arith.mulf %mul3A_26, %get3A_25 : vector<400x128xf32>
    %add3A_28 = arith.addf %add3A_22, %mul3A_27 : vector<400x128xf32>
    %get3A_29 = arith.constant 0 : index
    %get3A_30 = arith.constant 0 : index
    %get3A_31 = vector.load %arg2[%get3A_29, %get3A_30] : memref<400x1xf32, #tpu.memory_space<vmem>>, vector<400x1xf32>
    %add3A_32 = arith.addf %get3A_31, %exp3A : vector<400x1xf32>
    %add3A_33 = arith.constant 1.000000e-16 : f32
    %add3A_34 = vector.broadcast %add3A_33 : f32 to vector<400x1xf32>
    %add3A_35 = arith.addf %add3A_32, %add3A_34 : vector<400x1xf32>
    %div3A = vector.broadcast %add3A_35 : vector<400x1xf32> to vector<400x128xf32>
    %div3A_36 = arith.divf %add3A_28, %div3A : vector<400x128xf32>
    %get3A_37 = arith.constant 0 : index
    %get3A_38 = arith.constant 0 : index
    %get3A_39 = vector.load %arg7[%get3A_37, %get3A_38] : memref<1x128xf32, #tpu.memory_space<vmem>>, vector<1x128xf32>
    %add3A_40 = vector.broadcast %get3A_39 : vector<1x128xf32> to vector<400x128xf32>
    %add3A_41 = arith.addf %div3A_36, %add3A_40 : vector<400x128xf32>
    %gt3A = arith.constant 0.000000e+00 : f32
    %gt3A_42 = vector.broadcast %gt3A : f32 to vector<400x128xf32>
    %gt3A_43 = arith.cmpf ogt, %add3A_41, %gt3A_42 : vector<400x128xf32>
    %min3A = arith.constant 0.000000e+00 : f32
    %min3A_44 = vector.broadcast %min3A : f32 to vector<400x128xf32>
    %min3A_45 = arith.minimumf %add3A_41, %min3A_44 : vector<400x128xf32>
    %exp3A_46 = math.exp %min3A_45 : vector<400x128xf32>
    %sub3A_47 = arith.constant 1.000000e+00 : f32
    %sub3A_48 = vector.broadcast %sub3A_47 : f32 to vector<400x128xf32>
    %sub3A_49 = arith.subf %exp3A_46, %sub3A_48 : vector<400x128xf32>
    %select_n3A = arith.select %gt3A_43, %add3A_41, %sub3A_49 : vector<400x128xi1>, vector<400x128xf32>
    %get3A_50 = arith.constant 0 : index
    %get3A_51 = arith.constant 0 : index
    %get3A_52 = vector.load %arg8[%get3A_50, %get3A_51] : memref<128x128xf32, #tpu.memory_space<vmem>>, vector<128x128xf32>
    %dot_general3A = arith.constant dense<0.000000e+00> : vector<400x128xf32>
    %dot_general3A_53 = tpu.matmul %select_n3A, %get3A_52, %dot_general3A {dimension_numbers = #tpu.dot_dimension_numbers<[1], [0], [0], [1], [0, 0, 1, 1], [], []>, transpose_lhs_hint = false} : vector<400x128xf32>, vector<128x128xf32>, vector<400x128xf32> -> vector<400x128xf32>
    %get3A_54 = arith.constant 0 : index
    %get3A_55 = arith.constant 0 : index
    %get3A_56 = vector.load %arg9[%get3A_54, %get3A_55] : memref<1x128xf32, #tpu.memory_space<vmem>>, vector<1x128xf32>
    %add3A_57 = vector.broadcast %get3A_56 : vector<1x128xf32> to vector<400x128xf32>
    %add3A_58 = arith.addf %dot_general3A_53, %add3A_57 : vector<400x128xf32>
    %swap3A = arith.constant 0 : index
    %swap3A_59 = arith.constant 0 : index
    %swap3A_60 = vector.load %arg10[%swap3A, %swap3A_59] : memref<400x128xf32, #tpu.memory_space<vmem>>, vector<400x128xf32>
    tpu.vector_store %arg10[%swap3A, %swap3A_59], %add3A_58 {strides = array<i32>} : memref<400x128xf32, #tpu.memory_space<vmem>>, vector<400x128xf32>,
    return
  }
  func.func @transform_0(%arg0: i32) -> (i32, i32, i32) {
    %c0_i32 = arith.constant 0 : i32
    %c0_i32_0 = arith.constant 0 : i32
    %c0_i32_1 = arith.constant 0 : i32
    return %c0_i32, %arg0, %c0_i32_0 : i32, i32, i32
  }
  func.func @transform_1(%arg0: i32) -> (i32, i32) {
    %c0_i32 = arith.constant 0 : i32
    %c0_i32_0 = arith.constant 0 : i32
    return %arg0, %c0_i32 : i32, i32
  }
  func.func @transform_2(%arg0: i32) -> (i32, i32) {
    %c0_i32 = arith.constant 0 : i32
    %c0_i32_0 = arith.constant 0 : i32
    return %arg0, %c0_i32 : i32, i32
  }
  func.func @transform_3(%arg0: i32) -> (i32, i32) {
    %c0_i32 = arith.constant 0 : i32
    %c0_i32_0 = arith.constant 0 : i32
    return %arg0, %c0_i32 : i32, i32
  }
  func.func @transform_4(%arg0: i32) -> (i32, i32) {
    %c0_i32 = arith.constant 0 : i32
    %c0_i32_0 = arith.constant 0 : i32
    return %arg0, %c0_i32 : i32, i32
  }
  func.func @transform_5(%arg0: i32) -> (i32, i32) {
    %c0_i32 = arith.constant 0 : i32
    %c0_i32_0 = arith.constant 0 : i32
    %c0_i32_1 = arith.constant 0 : i32
    return %c0_i32, %c0_i32_0 : i32, i32
  }
  func.func @transform_6(%arg0: i32) -> (i32, i32) {
    %c0_i32 = arith.constant 0 : i32
    %c0_i32_0 = arith.constant 0 : i32
    %c0_i32_1 = arith.constant 0 : i32
    return %c0_i32, %c0_i32_0 : i32, i32
  }
  func.func @transform_7(%arg0: i32) -> (i32, i32) {
    %c0_i32 = arith.constant 0 : i32
    %c0_i32_0 = arith.constant 0 : i32
    %c0_i32_1 = arith.constant 0 : i32
    return %c0_i32, %c0_i32_0 : i32, i32
  }
  func.func @transform_8(%arg0: i32) -> (i32, i32) {
    %c0_i32 = arith.constant 0 : i32
    %c0_i32_0 = arith.constant 0 : i32
    %c0_i32_1 = arith.constant 0 : i32
    return %c0_i32, %c0_i32_0 : i32, i32
  }
  func.func @transform_9(%arg0: i32) -> (i32, i32) {
    %c0_i32 = arith.constant 0 : i32
    %c0_i32_0 = arith.constant 0 : i32
    return %arg0, %c0_i32 : i32, i32
  }
}

module attributes {stable_mosaic.version = 14 : i64} {
  func.func @_final_body(%arg0: i32, %arg1: memref<400x128xf32, #tpu.memory_space<vmem>>, %arg2: memref<128x128xf32, #tpu.memory_space<vmem>>, %arg3: memref<1x128xf32, #tpu.memory_space<vmem>>, %arg4: memref<400x128xf32, #tpu.memory_space<vmem>>, %arg5: memref<400x128xf32, #tpu.memory_space<vmem>>) attributes {dimension_semantics = [#tpu.dimension_semantics<arbitrary>], iteration_bounds = array<i64: 25>, scalar_prefetch = 0 : i64, scratch_operands = 0 : i64, tpu.core_type = #tpu.core_type<tc>, window_params = [{transform_indices = @transform_0, window_bounds = array<i64: 400, 128>}, {pipeline_mode = #tpu.pipeline_mode<synchronous>, transform_indices = @transform_1, window_bounds = array<i64: 128, 128>}, {pipeline_mode = #tpu.pipeline_mode<synchronous>, transform_indices = @transform_2, window_bounds = array<i64: 1, 128>}, {transform_indices = @transform_3, window_bounds = array<i64: 400, 128>}, {transform_indices = @transform_4, window_bounds = array<i64: 400, 128>}]} {
    %get3A = arith.constant 0 : index
    %get3A_0 = arith.constant 0 : index
    %get3A_1 = vector.load %arg1[%get3A, %get3A_0] : memref<400x128xf32, #tpu.memory_space<vmem>>, vector<400x128xf32>
    %get3A_2 = arith.constant 0 : index
    %get3A_3 = arith.constant 0 : index
    %get3A_4 = vector.load %arg2[%get3A_2, %get3A_3] : memref<128x128xf32, #tpu.memory_space<vmem>>, vector<128x128xf32>
    %dot_general3A = arith.constant dense<0.000000e+00> : vector<400x128xf32>
    %dot_general3A_5 = tpu.matmul %get3A_1, %get3A_4, %dot_general3A {dimension_numbers = #tpu.dot_dimension_numbers<[1], [0], [0], [1], [0, 0, 1, 1], [], []>, transpose_lhs_hint = false} : vector<400x128xf32>, vector<128x128xf32>, vector<400x128xf32> -> vector<400x128xf32>
    %get3A_6 = arith.constant 0 : index
    %get3A_7 = arith.constant 0 : index
    %get3A_8 = vector.load %arg3[%get3A_6, %get3A_7] : memref<1x128xf32, #tpu.memory_space<vmem>>, vector<1x128xf32>
    %add3A = vector.broadcast %get3A_8 : vector<1x128xf32> to vector<400x128xf32>
    %add3A_9 = arith.addf %dot_general3A_5, %add3A : vector<400x128xf32>
    %get3A_10 = arith.constant 0 : index
    %get3A_11 = arith.constant 0 : index
    %get3A_12 = vector.load %arg4[%get3A_10, %get3A_11] : memref<400x128xf32, #tpu.memory_space<vmem>>, vector<400x128xf32>
    %add3A_13 = arith.addf %add3A_9, %get3A_12 : vector<400x128xf32>
    %reduce_max3A = arith.constant dense<0xFF800000> : vector<400xf32>
    %reduce_max3A_14 = vector.multi_reduction <maximumf>, %add3A_13, %reduce_max3A [1] : vector<400x128xf32> to vector<400xf32>
    %broadcast_in_dim3A = vector.shape_cast %reduce_max3A_14 : vector<400xf32> to vector<400x1xf32>
    %sub3A = vector.broadcast %broadcast_in_dim3A : vector<400x1xf32> to vector<400x128xf32>
    %sub3A_15 = arith.subf %add3A_13, %sub3A : vector<400x128xf32>
    %exp3A = math.exp %sub3A_15 : vector<400x128xf32>
    %reduce_sum3A = arith.constant dense<0.000000e+00> : vector<400xf32>
    %reduce_sum3A_16 = vector.multi_reduction <add>, %exp3A, %reduce_sum3A [1] : vector<400x128xf32> to vector<400xf32>
    %broadcast_in_dim3A_17 = vector.shape_cast %reduce_sum3A_16 : vector<400xf32> to vector<400x1xf32>
    %div3A = vector.broadcast %broadcast_in_dim3A_17 : vector<400x1xf32> to vector<400x128xf32>
    %div3A_18 = arith.divf %exp3A, %div3A : vector<400x128xf32>
    %swap3A = arith.constant 0 : index
    %swap3A_19 = arith.constant 0 : index
    %swap3A_20 = vector.load %arg5[%swap3A, %swap3A_19] : memref<400x128xf32, #tpu.memory_space<vmem>>, vector<400x128xf32>
    tpu.vector_store %arg5[%swap3A, %swap3A_19], %div3A_18 {strides = array<i32>} : memref<400x128xf32, #tpu.memory_space<vmem>>, vector<400x128xf32>,
    return
  }
  func.func @transform_0(%arg0: i32) -> (i32, i32) {
    %c0_i32 = arith.constant 0 : i32
    %c0_i32_0 = arith.constant 0 : i32
    return %arg0, %c0_i32 : i32, i32
  }
  func.func @transform_1(%arg0: i32) -> (i32, i32) {
    %c0_i32 = arith.constant 0 : i32
    %c0_i32_0 = arith.constant 0 : i32
    %c0_i32_1 = arith.constant 0 : i32
    return %c0_i32, %c0_i32_0 : i32, i32
  }
  func.func @transform_2(%arg0: i32) -> (i32, i32) {
    %c0_i32 = arith.constant 0 : i32
    %c0_i32_0 = arith.constant 0 : i32
    %c0_i32_1 = arith.constant 0 : i32
    return %c0_i32, %c0_i32_0 : i32, i32
  }
  func.func @transform_3(%arg0: i32) -> (i32, i32) {
    %c0_i32 = arith.constant 0 : i32
    %c0_i32_0 = arith.constant 0 : i32
    return %arg0, %c0_i32 : i32, i32
  }
  func.func @transform_4(%arg0: i32) -> (i32, i32) {
    %c0_i32 = arith.constant 0 : i32
    %c0_i32_0 = arith.constant 0 : i32
    return %arg0, %c0_i32 : i32, i32
  }
}

</mosaic_0001>

<sc_bundles>
// kernel: kernel.12.cloned.1.call-start
scs
__scs_entry_jumppad:
0x0: {  	(pc) =	sbr.rel $0x88, $3  }
0x1: {  	(tag) =	ssettag $0x0;
	lr =	simm.s32 $0x1  }
0x2: {  	[smem:$0x3F91] =	sst lr;
	_ =	strace $0xD0000000  }
0x3: {  	_ = 	snop  }
0x4: {  	_ = 	snop  }
0x5: {  	_ = 	snop  }
0x6: {  	_ = 	snop  }
0x7: {  	_ = 	snop  }
__scs_overlays_trampoline_lowered:
0x8: {  	[smem:$0x3FA0] =	sst s0  }
0x9: {  	[smem:$0x3FA1] =	sst s1  }
0xa: {  	[smem:$0x3FA2] =	sst s2  }
0xb: {  	[smem:$0x3FA3] =	sst s3  }
0xc: {  	[smem:$0x3FA4] =	sst s4  }
0xd: {  	[smem:$0x3FA5] =	sst s5  }
0xe: {  	[smem:$0x3FA6] =	sst s6  }
0xf: {  	[smem:$0x3FA7] =	sst s7  }
0x10: {  	[smem:$0x3FA8] =	sst s8  }
0x11: {  	[smem:$0x3FA9] =	sst s9;
	s0 =	simm.s32 @!p0 $0x0  }
0x12: {  	s1 =	sld [smem:$0x3F8F];
	s0 =	simm.s32 @p0 $0x1  }
0x13: {  	[smem:$0x3FAA] =	sst s0;
	s0 =	simm.s32 @!p1 $0x0  }
0x14: {  	s2 =	sld [smem:$0x3F8E];
	s0 =	simm.s32 @p1 $0x1  }
0x15: {  	[smem:$0x3FAB] =	sst s0;
	s0 =	simm.s32 @!p2 $0x0  }
0x16: {  	s3 =	sld [smem:$0x3FDB];
	s0 =	simm.s32 @p2 $0x1  }
0x17: {  	s4 =	simm.s32 $0x1BF5;
	[smem:$0x3FAD] =	sst s0  }
0x18: {  	s0 =	sld [smem:$0x3F90];
	_ =	swait.ge [sflag:s4], $0x0  }
0x19: {  	s7 =	sld [smem:$0x3F91]  }
0x1a: {  	s8 =	sadd.s32 $0xFFFFE003, lr  }
0x1b: {  	s9 =	sadd.s32 $0xFFFFFEF7, lr;
	s5 =	simm.s32 $0xFFFFFFFF;
	p2 =	slt.u32 s8, $0xFFFFF086  }
0x1c: {  	p1 =	slt.u32 s9, $0xF7A;
	s5 =	simm.s32 @!p2 $0x0  }
0x1d: {  	s5 =	simm.s32 @p1 $0x1;
	p0 =	seq.s32 s7, s2  }
0x1e: {  	s7 =	smul.u32 @!p0 $0xF7A, s2;
	p2 =	seq.s32 @!p0 s5, $0x0  }
0x1f: {  	s9 =	smul.u32 $0xF7A, s1;
	s8 =	simm.s32 @!p0 $0x1BF5;
	p2 =	por !p2, p0  }
0x20: {  	[sflag:s8] =	ssyncset.s32 @!p0 $0xFFFFF086;
	s6 =	sadd.s32 @!p0 s3, s7;
	s7 =	simm.s32 @!p0 $0x108  }
0x21: {  	s3 =	sadd.s32 s3, s9;
	s6 =	sadd.s32 @!p0 $0x88, s6;
	s7 =	simm.s32 @p2 $0x1082  }
0x22: {  	[simem:s7], [sflag:s8] =	dma.local @!p0 [hbm:s6], $0xF7A  }
0x23: {  	s9 =	sor.u32 $0xD0000000, s2;
	s6 =	simm.s32 $0x108;
	_ =	swait.ge @!p0 [sflag:s8], $0x0  }
0x24: {  	s3 =	sadd.s32 $0x88, s3;
	s6 =	simm.s32 @!p1 $0x1082;
	[sflag:s4] =	ssyncset.s32 $0xFFFFF086  }
0x25: {  	[simem:s6], [sflag:s4] =	dma.local [hbm:s3], $0xF7A  }
0x26: {  	[smem:$0x3F91] =	sst s1;
	(tag) =	ssettag s2;
	_ =	strace s9  }
0x27: {  	s1 =	sld [smem:$0x3FA1]  }
0x28: {  	s2 =	sld [smem:$0x3FA2]  }
0x29: {  	s4 =	sld [smem:$0x3FA4]  }
0x2a: {  	p0 =	seq.s32 s5, $0x0;
	s5 =	sld [smem:$0x3FA5]  }
0x2b: {  	s6 =	sld [smem:$0x3FA6]  }
0x2c: {  	s7 =	sld [smem:$0x3FA7]  }
0x2d: {  	s3 =	simm.s32 $0x108;
	s8 =	sld [smem:$0x3FA8]  }
0x2e: {  	s3 =	simm.s32 @!p0 $0x1082;
	s9 =	sld [smem:$0x3FA9]  }
0x2f: {  	lr =	sadd.s32 s0, s3;
	s0 =	sld [smem:$0x3FA0]  }
0x30: {  	s3 =	sld [smem:$0x3FA3]  }
0x31: {  	[smem:$0x3FAC] =	sst s10  }
0x32: {  	s10 =	sld [smem:$0x3FAA];
	_ =	sdelay $0x3  }
0x33: {  	p0 =	seq.s32 s10, $0x1;
	s10 =	sld [smem:$0x3FAC];
	_ =	sdelay $0x3  }
0x34: {  	[smem:$0x3FAC] =	sst s10  }
0x35: {  	s10 =	sld [smem:$0x3FAB];
	_ =	sdelay $0x3  }
0x36: {  	p1 =	seq.s32 s10, $0x1;
	s10 =	sld [smem:$0x3FAC];
	_ =	sdelay $0x3  }
0x37: {  	[smem:$0x3FAC] =	sst s10  }
0x38: {  	s10 =	sld [smem:$0x3FAD]  }
0x39: {  	_ = 	snop;
	(pc) =	sbr.ind lr, $3  }
0x3a: {  	_ = 	snop  }
0x3b: {  	_ = 	snop  }
0x3c: {  	p2 =	seq.s32 s10, $0x1;
	s10 =	sld [smem:$0x3FAC]  }
0x3d: {  	_ =	shalt  }
0x3e: {  	_ =	shalt  }
0x3f: {  	_ =	shalt  }
0x40: {  	_ =	shalt  }
0x41: {  	_ =	shalt  }
0x42: {  	_ =	shalt  }
0x43: {  	_ =	shalt  }
0x44: {  	_ =	shalt  }
0x45: {  	_ =	shalt  }
0x46: {  	_ =	shalt  }
0x47: {  	_ =	shalt  }
0x48: {  	_ =	shalt  }
0x49: {  	_ =	shalt  }
0x4a: {  	_ =	shalt  }
0x4b: {  	_ =	shalt  }
0x4c: {  	_ =	shalt  }
0x4d: {  	_ =	shalt  }
0x4e: {  	_ =	shalt  }
0x4f: {  	_ =	shalt  }
0x50: {  	_ =	shalt  }
0x51: {  	_ =	shalt  }
0x52: {  	_ =	shalt  }
0x53: {  	_ =	shalt  }
0x54: {  	_ =	shalt  }
0x55: {  	_ =	shalt  }
0x56: {  	_ =	shalt  }
0x57: {  	_ =	shalt  }
0x58: {  	_ =	shalt  }
0x59: {  	_ =	shalt  }
0x5a: {  	_ =	shalt  }
0x5b: {  	_ =	shalt  }
0x5c: {  	_ =	shalt  }
0x5d: {  	_ =	shalt  }
0x5e: {  	_ =	shalt  }
0x5f: {  	_ =	shalt  }
0x60: {  	_ =	shalt  }
0x61: {  	_ =	shalt  }
0x62: {  	_ =	shalt  }
0x63: {  	_ =	shalt  }
0x64: {  	_ =	shalt  }
0x65: {  	_ =	shalt  }
0x66: {  	_ =	shalt  }
0x67: {  	_ =	shalt  }
0x68: {  	_ =	shalt  }
0x69: {  	_ =	shalt  }
0x6a: {  	_ =	shalt  }
0x6b: {  	_ =	shalt  }
0x6c: {  	_ =	shalt  }
0x6d: {  	_ =	shalt  }
0x6e: {  	_ =	shalt  }
0x6f: {  	_ =	shalt  }
0x70: {  	_ =	shalt  }
0x71: {  	_ =	shalt  }
0x72: {  	_ =	shalt  }
0x73: {  	_ =	shalt  }
0x74: {  	_ =	shalt  }
0x75: {  	_ =	shalt  }
0x76: {  	_ =	shalt  }
0x77: {  	_ =	shalt  }
0x78: {  	_ =	shalt  }
0x79: {  	_ =	shalt  }
0x7a: {  	_ =	shalt  }
0x7b: {  	_ =	shalt  }
0x7c: {  	_ =	shalt  }
0x7d: {  	_ =	shalt  }
0x7e: {  	_ =	shalt  }
0x7f: {  	_ =	shalt  }
0x80: {  	_ =	shalt  }
0x81: {  	_ =	shalt  }
0x82: {  	_ =	shalt  }
0x83: {  	_ =	shalt  }
0x84: {  	_ =	shalt  }
0x85: {  	_ =	shalt  }
0x86: {  	_ =	shalt  }
0x87: {  	_ =	shalt  }
.Lfunc_end0:
.L_simem_size_0:
called_computation.1_lowered:
.L_overlay_start_0:
0x88: {  	s2 =	sld [smem:$0x3FD9]  }
0x89: {  	s3 =	sld [smem:$0x3FFE];
	_ =	sdelay $0x1  }
0x8a: {  	s1 =	srdreg.scid  }
0x8b: {  	s0 =	sand.u32 $0x1, s1  }
0x8c: {  	s17 =	sshll.u32 s0, $0xA;
	s2 =	sadd.s32 s3, s2  }
0x8d: {  	s2 =	sadd.s32 s2, s17  }
0x8e: {  	[smem:$0x3FB8] =	sst s2  }
0x8f: {  	_ = 	snop  }
0x90: {  	s2 =	sld [smem:$0x3FD0];
	(tm) =	ssettm $0x1  }
0x91: {  	s18 =	sld [smem:$0x3FFB];
	_ =	sdelay $0x3  }
0x92: {  	_ =	strace s18  }
0x93: {  	s3 =	sld [smem:$0x3FFC];
	_ =	sdelay $0x3  }
0x94: {  	_ =	strace s3  }
0x95: {  	s3 =	sld [smem:$0x3FFD];
	_ =	sdelay $0x3  }
0x96: {  	_ =	strace s3  }
0x97: {  	_ =	strace $0x8FFFFFFF  }
0x98: {  	s19 =	sld [smem:$0x3FDB];
	_ =	sdelay $0x1  }
0x99: {  	s4 =	simm.s32 $_scs_section_size  }
0x9a: {  	s5 =	simm.s32 $_size__tile_overlayer_lowered;
	s6 =	simm.s32 $_tile_overlayer_lowered  }
0x9b: {  	s22 =	simm.s32 $0x1BFF;
	s21 =	sshll.u32 s6, $0x1;
	s3 =	sadd.s32 s4, s19  }
0x9c: {  	s7 =	simm.s32 $0x0;
	s20 =	sshll.u32 s5, $0x1;
	s5 =	sadd.s32 s21, s3  }
0x9d: {  	[timem:s7], [sflag:s22] =	dma.local [hbm:s5], s20  }
0x9e: {  	_ =	swait.ge [sflag:s22], s20  }
0x9f: {  	s4 =	ssub.s32 $0x0, s20;
	[sflag:s22] =	ssyncset.done $0x0  }
0xa0: {  	[sflag:s22] =	ssyncadd.s32 s4;
	_ =	sdelay $0x1  }
0xa1: {  	s23 =	simm.s32 $0x1B8B  }
0xa2: {  	_ =	swait.ge [sflag:s23], $0x1  }
0xa3: {  	[sflag:s23] =	ssyncset.done $0x0  }
0xa4: {  	s25 =	simm.s32 $0x1B8E;
	s24 =	sld [smem:$0x3FFE];
	[sflag:s23] =	ssyncadd.s32 $0xFFFFFFFF  }
0xa5: {  	s26 =	simm.s32 $execute0_lowered;
	[smem:$0x3FD2] =	sst s25  }
0xa6: {  	s5 =	sshll.u32 s26, $0x1;
	_ =	strace $0x80000049;
	[dreg:$0x1] =	wrdreg $0xFFFFFFFF  }
0xa7: {  	s28 =	simm.s32 $_size_execute0_lowered;
	s3 =	sadd.s32 s3, s5;
	[dreg:$0x0] =	wrdreg $0x0  }
0xa8: {  	s5 =	sshll.u32 s28, $0x1;
	[dreg:$0x2] =	wrdreg s3  }
0xa9: {  	[dreg:$0x3] =	wrdreg s5  }
0xaa: {  	[dreg:$0x4] =	wrdreg $0xC0  }
0xab: {  	_ =	task [dreg:s7], $0x5FFFF  }
0xac: {  	[dreg:$0x1] =	wrdreg $0xFFFFFFFF  }
0xad: {  	[dreg:$0x0] =	wrdreg $0x60  }
0xae: {  	[dreg:$0x2] =	wrdreg s2  }
0xaf: {  	[dreg:$0x3] =	wrdreg s24  }
0xb0: {  	[dreg:$0x4] =	wrdreg $0xBA800  }
0xb1: {  	[dreg:$0x5] =	wrdreg $0x9  }
0xb2: {  	_ =	task.clear_ibuf [dreg:s7], $0x6FFFF;
	_ =	strace $0x90000049  }
0xb3: {  	s29 =	simm.s32 $0x9;
	_ =	strace $0x8000004B  }
0xb4: {  	_ =	swait.ge [sflag:s29], $0x1  }
0xb5: {  	[sflag:s29] =	ssyncadd.s32 $0xFFFFFFFF  }
0xb6: {  	_ =	strace $0x9000004B  }
0xb7: {  	_ =	sfence  }
0xb8: {  	s30 =	sld [smem:$0x0];
	_ =	sdelay $0x2  }
0xb9: {  	s31 =	sshll.u32 s1, $0xD;
	s1 =	sshrl.u32 s1, $0x2  }
0xba: {  	s3 =	sand.u32 $0x4000, s31;
	s1 =	sadd.s32 s1, s30  }
0xbb: {  	s0 =	sor.u32 s3, s0;
	s1 =	sshll.u32 s1, $0x11  }
0xbc: {  	s0 =	sor.u32 s1, s0  }
0xbd: {  	s0 =	sadd.s32 $0x8F2B, s0  }
0xbe: {  	[sflag:s0] =	ssyncadd.remote.s32 $0x1  }
0xbf: {  	_ =	sfence.sel $0xFFFF  }
0xc0: {  	[dreg:$0x0] =	wrdreg $0xFFFFFFFF;
	(pc) =	sbr.abs _section_cstart, $3  }
0xc1: {  	[dreg:$0x1] =	wrdreg $0xFFFFFFFF  }
0xc2: {  	_ =	task.clear_ibuf [dreg:s7], $0x2FFFF;
	_ =	strace $0x9FFFFFFF  }
0xc3: {  	(tm) =	ssettm $0x7FFFFFFF  }
tec
execute0_lowered:
.L_overlay_start_1:
0x0: {  	(tag) =	ssettag $0x1  }
0x1: {  	s1 =	rddreg [dreg:$0x0]  }
0x2: {  	s0 =	rddreg [dreg:$0x1]  }
0x3: {  	s2 =	rddreg [dreg:$0x2]  }
0x4: {  	s3 =	simm.s32 $0x0;
	s30 =	srdreg.scid;
	s19 =	stileid.u32  }
0x5: {  	[smem:$0x7FF] =	sst s3;
	s4 =	sadd.s32 $0x28600, s0;
	s5 =	sshll.u32 s19, $0x1  }
0x6: {  	s6 =	sshrl.u32 s19, $0x2;
	s7 =	sadd.s32 $0x27E00, s0;
	s9 =	smul.u32 $0x270, s19  }
0x7: {  	s31 =	sadd.s32 $0x50000, s0;
	s12 =	sadd.s32 $0x81600, s0;
	s21 =	smul.u32 $0x2700, s19  }
0x8: {  	s29 =	sadd.s32 $0x28400, s0;
	_ =	strace $0x8000004A;
	[dreg:$0x4] =	wrdreg s4  }
0x9: {  	s4 =	sand.u32 $0x1, s30;
	[dreg:$0x5] =	wrdreg s7;
	s6 =	smul.u32 $0x13C00, s6  }
0xa: {  	p0 =	sne.s32 s19, $0xF;
	[dreg:$0xc] =	wrdreg s29;
	s11 =	smul.u32 $0x2710, s4  }
0xb: {  	s5 =	sor.u32 s4, s5;
	s10 =	ssub.s32 $0x2, s4;
	s4 =	smul.u32 $0x138800, s4  }
0xc: {  	s13 =	sadd.s32 $0x68, s9;
	s16 =	sadd.s32 $0xD0, s9;
	s24 =	sadd.s32 $0x138, s9  }
0xd: {  	s8 =	sshll.u32 s5, $0x7;
	s18 =	sshrl.u32 s10, $0x1;
	s14 =	sshll.u32 s13, $0x4  }
0xe: {  	s15 =	sshll.u32 s16, $0x4;
	s25 =	sshll.u32 s24, $0x4;
	s13 =	sshll.u32 s13, $0x7  }
0xf: {  	s8 =	sand.u32 $0x380, s8;
	s20 =	sadd.s32 s11, s9;
	s4 =	sshrl.u32 s4, $0x3  }
0x10: {  	s11 =	sadd.s32 s31, s21;
	s22 =	sadd.s32 s31, s14;
	s23 =	sadd.s32 s31, s15  }
0x11: {  	s14 =	sadd.s32 s31, s25;
	s15 =	sadd.s32 $0x28C00, s0;
	[dreg:$0x6] =	wrdreg s11  }
0x12: {  	s21 =	sshll.u32 s24, $0x7;
	s25 =	sadd.s32 $0x138000, s2;
	[dreg:$0x7] =	wrdreg s22  }
0x13: {  	s6 =	sor.u32 s6, s8;
	s8 =	ssub.s32 s10, s18;
	[dreg:$0x8] =	wrdreg s23  }
0x14: {  	s18 =	sadd.s32 $0x1A0, s9;
	s9 =	sadd.s32 $0x208, s9;
	[dreg:$0x9] =	wrdreg s14  }
0x15: {  	s4 =	sadd.s32 s12, s4;
	s30 =	sshll.u32 s20, $0x4;
	s14 =	sadd.s32 s13, s2  }
0x16: {  	s20 =	sshll.u32 s16, $0x7;
	[dreg:$0x18] =	wrdreg s25;
	s26 =	sshll.u32 s18, $0x4  }
0x17: {  	s17 =	sshll.u32 s9, $0x4;
	s4 =	sadd.s32 $0x27000, s4;
	[dreg:$0x13] =	wrdreg s14  }
0x18: {  	s6 =	sshrl.u32 s6, $0x3;
	s28 =	sadd.s32 s31, s26;
	[dreg:$0x10] =	wrdreg s4  }
0x19: {  	s22 =	sshll.u32 s18, $0x7;
	s7 =	sadd.s32 s31, s17;
	[dreg:$0xa] =	wrdreg s28  }
0x1a: {  	s6 =	sadd.s32 s6, s0;
	s0 =	sadd.s32 $0x77000, s0;
	[dreg:$0xb] =	wrdreg s7  }
0x1b: {  	s11 =	simm.s32 $0x5300;
	s23 =	sadd.s32 s22, s2;
	[dreg:$0xe] =	wrdreg s0  }
0x1c: {  	s13 =	simm.s32 $0x7300;
	s10 =	sadd.s32 $0x77800, s6;
	[dreg:$0x16] =	wrdreg s23  }
0x1d: {  	s7 =	sadd.s32 s12, s30;
	s12 =	smax.u32 s8, $0x1;
	[dreg:$0xf] =	wrdreg s10  }
0x1e: {  	s16 =	simm.s32 $0x0;
	s24 =	sshll.u32 s9, $0x7;
	[dreg:$0x11] =	wrdreg s12  }
0x1f: {  	s9 =	simm.s32 $0x5280;
	s26 =	sadd.s32 $0x680, s7;
	[dreg:$0xd] =	wrdreg s7  }
0x20: {  	s31 =	smul.u32 $0x4E000, s19;
	s28 =	sadd.s32 $0xD00, s7;
	[dreg:$0x19] =	wrdreg s26  }
0x21: {  	s17 =	smul.u32 $0x9D00, s5;
	s29 =	sadd.s32 $0x1380, s7;
	[dreg:$0x1a] =	wrdreg s28  }
0x22: {  	s5 =	simm.s32 $0x6;
	s30 =	sadd.s32 $0x1A00, s7;
	[dreg:$0x1b] =	wrdreg s29  }
0x23: {  	s0 =	sshrl.u32 s31, $0x2;
	s31 =	sadd.s32 $0x2080, s7;
	[dreg:$0x1c] =	wrdreg s30  }
.Ltmp0:
0x24: {  	s0 =	sadd.s32 s0, s2;
	[dreg:$0x1d] =	wrdreg s31;
	(pc) =	sbr.rel .LBB2_1-.Ltmp0, $4  }
0x25: {  	s6 =	simm.s32 $0x2780;
	[dreg:$0x12] =	wrdreg s0;
	s0 =	sadd.s32 s20, s2  }
0x26: {  	s8 =	simm.s32 $0x2;
	[dreg:$0x14] =	wrdreg s0;
	s0 =	sadd.s32 s21, s2  }
0x27: {  	s7 =	simm.s32 $0x9300;
	[dreg:$0x15] =	wrdreg s0;
	s0 =	sadd.s32 s24, s2  }
0x28: {  	v0 =	vimm.f32 $0.0e+00;
	s10 =	simm.s32 $0x40;
	s12 =	simm.s32 $0x3;
	[dreg:$0x17] =	wrdreg s0  }
.LBB2_13:
0x29: {  	[bflag:$0x0] =	sbarrier.arrive $0xFFFF  }
0x2a: {  	s0 =	rddreg [dreg:$0xd]  }
0x2b: {  	[hbm:s0], [sflag:s18] =	dma.local [spmem:s19], $0x680  }
0x2c: {  	_ =	swait.ge [sflag:s5], $0x680  }
0x2d: {  	[sflag:s5] =	ssyncset.done $0x0  }
0x2e: {  	s19 =	rddreg [dreg:$0x19];
	[sflag:s5] =	ssyncadd.s32 $0xFFFFF980  }
0x2f: {  	[hbm:s19], [sflag:s18] =	dma.local [spmem:s20], $0x680  }
0x30: {  	_ =	swait.ge [sflag:s5], $0x680  }
0x31: {  	[sflag:s5] =	ssyncset.done $0x0  }
0x32: {  	s20 =	rddreg [dreg:$0x1a];
	[sflag:s5] =	ssyncadd.s32 $0xFFFFF980  }
0x33: {  	[hbm:s20], [sflag:s18] =	dma.local [spmem:s22], $0x680  }
0x34: {  	_ =	swait.ge [sflag:s5], $0x680  }
0x35: {  	[sflag:s5] =	ssyncset.done $0x0  }
0x36: {  	s26 =	rddreg [dreg:$0x1b];
	[sflag:s5] =	ssyncadd.s32 $0xFFFFF980  }
0x37: {  	[hbm:s26], [sflag:s18] =	dma.local [spmem:s23], $0x680  }
0x38: {  	_ =	swait.ge [sflag:s5], $0x680  }
0x39: {  	[sflag:s5] =	ssyncset.done $0x0  }
0x3a: {  	s28 =	rddreg [dreg:$0x1c];
	[sflag:s5] =	ssyncadd.s32 $0xFFFFF980  }
0x3b: {  	[hbm:s28], [sflag:s18] =	dma.local [spmem:s24], $0x680  }
0x3c: {  	_ =	swait.ge [sflag:s5], $0x680  }
0x3d: {  	[sflag:s5] =	ssyncset.done $0x0  }
0x3e: {  	s29 =	rddreg [dreg:$0x1d];
	[sflag:s5] =	ssyncadd.s32 $0xFFFFF980  }
0x3f: {  	[hbm:s29], [sflag:s18] =	dma.local [spmem:s25], $0x680  }
0x40: {  	_ =	swait.ge [sflag:s5], $0x680  }
0x41: {  	s4 =	simm.s32 $0x80;
	[sflag:s5] =	ssyncset.done $0x0  }
0x42: {  	s14 =	simm.s32 $0x400;
	s30 =	rddreg [dreg:$0xf];
	[sflag:s5] =	ssyncadd.s32 $0xFFFFF980  }
0x43: {  	[hbm4b:s30+s4] =	stream.strided.scatter [tilespmem:s7], [sflag:$0x6], $0x2780, s14, s4, $0x38;
	[tilespmem:$0x1F380] =	vst v63  }
0x44: {  	_ =	swait.ge [sflag:s5], $0x2780  }
0x45: {  	[sflag:s5] =	ssyncset.done $0x0  }
0x46: {  	s0 =	simm.s32 @!p0 $0x1FC6;
	s4 =	rddreg [dreg:$0x10];
	[sflag:s5] =	ssyncadd.s32 $0xFFFFD880  }
0x47: {  	[hbm:s4], [sflag:s0] =	dma.local @!p0 [spmem:s21], $0x100  }
0x48: {  	s0 =	simm.s32 @!p0 $0x6  }
0x49: {  	_ =	swait.ge @!p0 [sflag:s0], $0x100  }
0x4a: {  	s16 =	sadd.s32 $0x1, s16;
	s31 =	rddreg [dreg:$0x11]  }
0x4b: {  	p1 =	sne.s32 s16, s31  }
.Ltmp1:
0x4c: {  	_ = 	snop;
	(pc) =	sbr.rel @!p1 .LBB2_14-.Ltmp1, $3  }
0x4d: {  	_ =	sdelay $0x1  }
0x4e: {  	[sflag:s0] =	ssyncset.done @!p0 $0x0  }
0x4f: {  	[sflag:s0] =	ssyncadd.s32 @!p0 $0xFFFFFF00  }
.LBB2_1:
0x50: {  	s0 =	rddreg [dreg:$0x4]  }
0x51: {  	[tilespmem:s3], [sflag:$0x6] =	stream.linear.gather [hbm4b:s0+s3], $0x2710, $0x38;
	[tilespmem:$0x1F380] =	vst v63  }
0x52: {  	_ =	swait.ge [sflag:s5], $0x2710  }
0x53: {  	[sflag:s5] =	ssyncset.done $0x0  }
0x54: {  	s30 =	rddreg [dreg:$0x5];
	[sflag:s5] =	ssyncadd.s32 $0xFFFFD8F0  }
0x55: {  	[tilespmem:s6], [sflag:$0x6] =	stream.linear.gather [hbm4b:s30+s3], $0x2710, $0x38;
	[tilespmem:$0x1F380] =	vst v63  }
0x56: {  	_ =	swait.ge [sflag:s5], $0x2710  }
0x57: {  	[sflag:s5] =	ssyncset.done $0x0  }
0x58: {  	s4 =	simm.s32 $0x4F00;
	s31 =	rddreg [dreg:$0xc];
	[sflag:s5] =	ssyncadd.s32 $0xFFFFD8F0  }
0x59: {  	[tilespmem:s4], [sflag:$0x6] =	stream.linear.gather [hbm4b:s31+s3], $0x80, $0x38;
	[tilespmem:$0x1F380] =	vst v63  }
0x5a: {  	_ =	swait.ge [sflag:s5], $0x80  }
0x5b: {  	[sflag:s5] =	ssyncset.done $0x0  }
0x5c: {  	[sflag:s5] =	ssyncadd.s32 $0xFFFFFF80  }
0x5d: {  	[tilespmem:$0x2710] =	vst v0  }
0x5e: {  	s0 =	simm.s32 $0x40;
	s4 =	simm.s32 $0x0;
	[tilespmem:$0x4E90] =	vst v0  }
.LBB2_2:
0x5f: {  	p1 =	sne.s32 s0, $0x9C40;
	[tilespmem:s4+$0x9300] =	vst v0;
	s4 =	smov.u32 s0;
	s0 =	sadd.s32 $0x40, s0  }
.Ltmp2:
0x60: {  	(pc) =	sbr.rel @p1 .LBB2_2-.Ltmp2, $2  }
0x61: {  	_ =	sdelay $0x2  }
0x62: {  	s4 =	sshra.s32 s4, $0x2  }
0x63: {  	s0 =	stileid.u32  }
0x64: {  	s19 =	rddreg [dreg:$0x12];
	s0 =	sshll.u32 s0, $0x6  }
0x65: {  	[tilespmem:s4+$0x9300] =	vst v0;
	s20 =	rddreg [dreg:$0x6];
	s19 =	sshrl.u32 s19, $0x3;
	s18 =	sor.u32 $0x1C06, s0  }
0x66: {  	[spmem:s19], [sflag:s18] =	dma.local [hbm:s20], $0x680  }
0x67: {  	_ =	swait.ge [sflag:s5], $0x680  }
0x68: {  	[sflag:s5] =	ssyncset.done $0x0;
	s21 =	rddreg [dreg:$0x13]  }
0x69: {  	s22 =	rddreg [dreg:$0x7];
	[sflag:s5] =	ssyncadd.s32 $0xFFFFF980;
	s20 =	sshrl.u32 s21, $0x3  }
0x6a: {  	[spmem:s20], [sflag:s18] =	dma.local [hbm:s22], $0x680  }
0x6b: {  	_ =	swait.ge [sflag:s5], $0x680  }
0x6c: {  	[sflag:s5] =	ssyncset.done $0x0;
	s23 =	rddreg [dreg:$0x14]  }
0x6d: {  	s24 =	rddreg [dreg:$0x8];
	[sflag:s5] =	ssyncadd.s32 $0xFFFFF980;
	s22 =	sshrl.u32 s23, $0x3  }
0x6e: {  	[spmem:s22], [sflag:s18] =	dma.local [hbm:s24], $0x680  }
0x6f: {  	_ =	swait.ge [sflag:s5], $0x680  }
0x70: {  	[sflag:s5] =	ssyncset.done $0x0;
	s25 =	rddreg [dreg:$0x15]  }
0x71: {  	s26 =	rddreg [dreg:$0x9];
	[sflag:s5] =	ssyncadd.s32 $0xFFFFF980;
	s23 =	sshrl.u32 s25, $0x3  }
0x72: {  	[spmem:s23], [sflag:s18] =	dma.local [hbm:s26], $0x680  }
0x73: {  	_ =	swait.ge [sflag:s5], $0x680  }
0x74: {  	[sflag:s5] =	ssyncset.done $0x0;
	s28 =	rddreg [dreg:$0x16]  }
0x75: {  	s29 =	rddreg [dreg:$0xa];
	[sflag:s5] =	ssyncadd.s32 $0xFFFFF980;
	s24 =	sshrl.u32 s28, $0x3  }
0x76: {  	[spmem:s24], [sflag:s18] =	dma.local [hbm:s29], $0x680  }
0x77: {  	_ =	swait.ge [sflag:s5], $0x680  }
0x78: {  	[sflag:s5] =	ssyncset.done $0x0;
	s30 =	rddreg [dreg:$0x17]  }
0x79: {  	s31 =	rddreg [dreg:$0xb];
	[sflag:s5] =	ssyncadd.s32 $0xFFFFF980;
	s25 =	sshrl.u32 s30, $0x3  }
0x7a: {  	[spmem:s25], [sflag:s18] =	dma.local [hbm:s31], $0x680  }
0x7b: {  	_ =	swait.ge [sflag:s5], $0x680  }
0x7c: {  	s0 =	rddreg [dreg:$0x18]  }
0x7d: {  	[sflag:s5] =	ssyncset.done $0x0;
	s4 =	rddreg [dreg:$0xe]  }
0x7e: {  	[sflag:s5] =	ssyncadd.s32 $0xFFFFF980;
	s21 =	sshrl.u32 @!p0 s0, $0x3;
	s0 =	simm.s32 @!p0 $0x1FC6  }
0x7f: {  	[spmem:s21], [sflag:s0] =	dma.local @!p0 [hbm:s4], $0x100  }
0x80: {  	s0 =	simm.s32 @!p0 $0x6  }
.Ltmp3:
0x81: {  	_ =	swait.ge @!p0 [sflag:s0], $0x100;
	(pc) =	sbr.rel .LBB2_4-.Ltmp3, $4  }
0x82: {  	[sflag:s0] =	ssyncset.done @!p0 $0x0  }
0x83: {  	[sflag:s0] =	ssyncadd.s32 @!p0 $0xFFFFFF00  }
0x84: {  	[bflag:$0x0] =	sbarrier.arrive $0xFFFF  }
0x85: {  	s26 =	simm.s32 $0x0;
	v1 =	vld [tilespmem:$0x4F00]  }
.LBB2_12:
0x86: {  	s0 =	sadd.s32 @p2 $0xBB9, s28  }
0x87: {  	s4 =	smulhi.u32 @p2 $0x55555556, s0;
	_ =	sdelay $0x1  }
0x88: {  	s4 =	smul.u32 @p2 $0x3, s4  }
0x89: {  	s14 =	sor.u32 $0x1, s28  }
0x8a: {  	p1 =	sgt.u32 s14, $0x9C;
	s0 =	ssub.s32 @p2 s0, s4  }
0x8b: {  	s4 =	sshll.u32 @!p1 s14, $0x8;
	s0 =	sshll.u32 @p2 s0, $0xA  }
0x8c: {  	s4 =	sadd.s32 @!p1 s17, s4;
	s0 =	simm.s32 @!p2 $0x0  }
0x8d: {  	s26 =	sadd.s32 $0x1, s26;
	s4 =	sshrl.u32 @!p1 s4, $0x3;
	s0 =	sshrl.u32 @!p1 s0, $0x2  }
0x8e: {  	s14 =	simm.s32 @!p1 $0x0;
	s4 =	sadd.s32 @!p1 s15, s4;
	s0 =	sadd.s32 @!p1 $0x4F80, s0  }
0x8f: {  	[tilespmem:s0], [sflag:$0x1] =	stream.linear.gather @!p1 [hbm4b:s4+s14], $0x100, $0x38;
	[tilespmem:$0x1F380] =	vst v63  }
0x90: {  	p1 =	sne.s32 s26, $0x50  }
.Ltmp4:
0x91: {  	_ = 	snop;
	(pc) =	sbr.rel @!p1 .LBB2_13-.Ltmp4, $1  }
0x92: {  	_ =	sdelay $0x3  }
.LBB2_4:
0x93: {  	s28 =	sshll.u32 s26, $0x1  }
0x94: {  	s0 =	sadd.s32 $0xBB7, s28  }
0x95: {  	s4 =	sand.u32 $0xFFFF, s0  }
0x96: {  	p2 =	slt.u32 s26, $0x2;
	s4 =	smul.u32 $0xAAAB, s4  }
0x97: {  	s29 =	simm.s32 @!p2 $0x5  }
0x98: {  	s30 =	sadd.s32 $0xFFFFFFFF, s28;
	_ =	swait.ge @!p2 [sflag:s29], $0x2000;
	s4 =	sshrl.u32 s4, $0x11  }
0x99: {  	s14 =	sadd.s32 $0xFFFFFFFE, s28;
	[sflag:s29] =	ssyncset.done @!p2 $0x0;
	s4 =	smul.u32 $0x3, s4  }
0x9a: {  	p1 =	sgt.u32 s30, $0x9C;
	[sflag:s29] =	ssyncadd.s32 @!p2 $0xFFFFE000;
	p2 =	sgt.u32 s14, $0x9C  }
.Ltmp5:
0x9b: {  	s30 =	simm.s32 @!p1 $0x1;
	s0 =	ssub.s32 s0, s4;
	(pc) =	sbr.rel @p2 .LBB2_8-.Ltmp5, $4  }
0x9c: {  	_ =	swait.ge @!p1 [sflag:s30], $0x100;
	s29 =	sand.u32 $0xFFFF, s0  }
0x9d: {  	s31 =	simm.s32 @!p1 $0x7300;
	[sflag:s30] =	ssyncset.done @!p1 $0x0;
	s4 =	sshll.u32 @!p1 s29, $0x8  }
0x9e: {  	[sflag:s30] =	ssyncadd.s32 @!p1 $0xFFFFFF00;
	s30 =	simm.s32 @!p1 $0x40;
	s4 =	sadd.s32 @!p1 $0x4F80, s4  }
0x9f: {  	[tilespmem:s31], [sflag:$0x3] =	stream.indirect.gather @!p1 [hbm4b:s1+s30], $0x80, s4, s30, $0xb8;
	[tilespmem:$0x1F380] =	vst v63  }
0xa0: {  	s0 =	sadd.s32 $0xBB6, s28  }
0xa1: {  	s4 =	sand.u32 $0xFFFE, s0  }
0xa2: {  	s4 =	smul.u32 $0xAAAB, s4;
	_ =	sdelay $0x1  }
0xa3: {  	s4 =	sshrl.u32 s4, $0x11  }
0xa4: {  	s4 =	smul.u32 $0x3, s4;
	_ =	sdelay $0x1  }
0xa5: {  	s0 =	ssub.s32 s0, s4  }
0xa6: {  	s0 =	sshll.u32 s0, $0x8  }
0xa7: {  	s31 =	sand.u32 $0xFF00, s0  }
0xa8: {  	v2 =	vld [tilespmem:s31+$0x4F80]  }
0xa9: {  	v3 =	vld [tilespmem:s31+$0x5000];
	_ =	sdelay $0x5  }
0xaa: {  	s14 =	simm.s32 $0x0  }
0xab: {  	v2 =	vld.idx.msk [tilespmem:v2+s14+$0x0], $0xffff  }
0xac: {  	v4 =	vld.idx.msk [tilespmem:v3+s6+$0x0], $0xffff;
	_ =	sdelay $0x4  }
0xad: {  	v2 =	vadd.f32 v4, v2;
	_ =	sdelay $0x1  }
0xae: {  	v4 =	vmul.f32 $2.000000030e-01, v2;
	_ =	sdelay $0x1  }
0xaf: {  	v2 =	vmax.f32 v2, v4  }
0xb0: {  	v2 =	vsub.f32 v2, v1;
	_ =	sdelay $0x1  }
0xb1: {  	v2 =	vmul.f32 $1.442695020e+00, v2;
	_ =	sdelay $0x1  }
0xb2: {  	(erf) = vpow2.f32 v2;
	_ =	sdelay $0x8  }
0xb3: {  	v2 =	vpop (erf)  }
0xb4: {  	[tilespmem:$0x5280] =	vst v2  }
0xb5: {  	[tilespmem:v3+s7+$0x0] =	vst.idx.add.f32.msk $0xffff, v2  }
0xb6: {  	v2 =	vld [tilespmem:s31+$0x4F90]  }
0xb7: {  	v3 =	vld [tilespmem:s31+$0x5010];
	_ =	sdelay $0x6  }
0xb8: {  	v2 =	vld.idx.msk [tilespmem:v2+s14+$0x0], $0xffff  }
0xb9: {  	v4 =	vld.idx.msk [tilespmem:v3+s6+$0x0], $0xffff;
	_ =	sdelay $0x4  }
0xba: {  	v2 =	vadd.f32 v4, v2;
	_ =	sdelay $0x1  }
0xbb: {  	v4 =	vmul.f32 $2.000000030e-01, v2;
	_ =	sdelay $0x1  }
0xbc: {  	v2 =	vmax.f32 v2, v4  }
0xbd: {  	v2 =	vsub.f32 v2, v1;
	_ =	sdelay $0x1  }
0xbe: {  	v2 =	vmul.f32 $1.442695020e+00, v2;
	_ =	sdelay $0x1  }
0xbf: {  	(erf) = vpow2.f32 v2;
	_ =	sdelay $0x8  }
0xc0: {  	v2 =	vpop (erf)  }
0xc1: {  	[tilespmem:$0x5290] =	vst v2  }
0xc2: {  	[tilespmem:v3+s7+$0x0] =	vst.idx.add.f32.msk $0xffff, v2  }
0xc3: {  	v2 =	vld [tilespmem:s31+$0x4FA0]  }
0xc4: {  	v3 =	vld [tilespmem:s31+$0x5020];
	_ =	sdelay $0x6  }
0xc5: {  	v2 =	vld.idx.msk [tilespmem:v2+s14+$0x0], $0xffff  }
0xc6: {  	v4 =	vld.idx.msk [tilespmem:v3+s6+$0x0], $0xffff;
	_ =	sdelay $0x4  }
0xc7: {  	v2 =	vadd.f32 v4, v2;
	_ =	sdelay $0x1  }
0xc8: {  	v4 =	vmul.f32 $2.000000030e-01, v2;
	_ =	sdelay $0x1  }
0xc9: {  	v2 =	vmax.f32 v2, v4  }
0xca: {  	v2 =	vsub.f32 v2, v1;
	_ =	sdelay $0x1  }
0xcb: {  	v2 =	vmul.f32 $1.442695020e+00, v2;
	_ =	sdelay $0x1  }
0xcc: {  	(erf) = vpow2.f32 v2;
	_ =	sdelay $0x8  }
0xcd: {  	v2 =	vpop (erf)  }
0xce: {  	[tilespmem:$0x52A0] =	vst v2  }
0xcf: {  	[tilespmem:v3+s7+$0x0] =	vst.idx.add.f32.msk $0xffff, v2  }
0xd0: {  	v2 =	vld [tilespmem:s31+$0x4FB0]  }
0xd1: {  	v3 =	vld [tilespmem:s31+$0x5030];
	_ =	sdelay $0x6  }
0xd2: {  	v2 =	vld.idx.msk [tilespmem:v2+s14+$0x0], $0xffff  }
0xd3: {  	v4 =	vld.idx.msk [tilespmem:v3+s6+$0x0], $0xffff;
	_ =	sdelay $0x4  }
0xd4: {  	v2 =	vadd.f32 v4, v2;
	_ =	sdelay $0x1  }
0xd5: {  	v4 =	vmul.f32 $2.000000030e-01, v2;
	_ =	sdelay $0x1  }
0xd6: {  	v2 =	vmax.f32 v2, v4  }
0xd7: {  	v2 =	vsub.f32 v2, v1;
	_ =	sdelay $0x1  }
0xd8: {  	v2 =	vmul.f32 $1.442695020e+00, v2;
	_ =	sdelay $0x1  }
0xd9: {  	(erf) = vpow2.f32 v2;
	_ =	sdelay $0x8  }
0xda: {  	v2 =	vpop (erf)  }
0xdb: {  	[tilespmem:$0x52B0] =	vst v2  }
0xdc: {  	[tilespmem:v3+s7+$0x0] =	vst.idx.add.f32.msk $0xffff, v2  }
0xdd: {  	_ =	swait.ge [sflag:s8], $0x2000  }
0xde: {  	v2 =	vmov s14;
	[sflag:s8] =	ssyncset.done $0x0  }
0xdf: {  	s30 =	simm.s32 $0x5340;
	[sflag:s8] =	ssyncadd.s32 $0xFFFFE000  }
0xe0: {  	v6 =	vld [tilespmem:s30+$0x30]  }
0xe1: {  	v9 =	vld [tilespmem:s30+$0x10]  }
0xe2: {  	v7 =	vld [tilespmem:s30+$0xFFFFFFC0]  }
0xe3: {  	v3 =	vld.idx.msk [tilespmem:v2+s9+$0x0], $0xffff  }
0xe4: {  	v11 =	vld [tilespmem:s30+$0xFFFFFFE0]  }
0xe5: {  	v4 =	vld [tilespmem:s30+$0x20]  }
0xe6: {  	v5 =	vld [tilespmem:s30+$0xFFFFFFD0]  }
0xe7: {  	v2 =	vld [tilespmem:s30+$0xFFFFFFF0]  }
0xe8: {  	v10 =	vmul.f32 v6, v3;
	v6 =	vld [tilespmem:s30+$0x0]  }
0xe9: {  	v8 =	vmul.f32 v7, v3  }
0xea: {  	s4 =	simm.s32 $0x5340;
	s0 =	simm.s32 $0x1;
	s31 =	sadd.s32 $0x5000, s31;
	v7 =	vmul.f32 v11, v3;
	v9 =	vmul.f32 v9, v3  }
.LBB2_6:
0xeb: {  	p2 =	sne.s32 s0, $0x3F  }
0xec: {  	v5 =	vmul.f32 v5, v3;
	v4 =	vmul.f32 v4, v3;
	[tilespmem:s30+$0x30] =	vst v10;
	s4 =	sadd.s32 $0x80, s4;
	s14 =	smov.u32 s0;
	s0 =	sadd.s32 $0x1, s0  }
0xed: {  	[tilespmem:s30+$0xFFFFFFC0] =	vst v8;
	v8 =	vmul.f32 v2, v3;
	v3 =	vmul.f32 v6, v3  }
0xee: {  	[tilespmem:s30+$0x10] =	vst v9  }
0xef: {  	v6 =	vmov s14;
	[tilespmem:s30+$0xFFFFFFE0] =	vst v7  }
0xf0: {  	v2 =	vld [tilespmem:s4+$0xFFFFFFF0];
	[tilespmem:s30+$0xFFFFFFF0] =	vst v8  }
0xf1: {  	v7 =	vld [tilespmem:s4+$0x30];
	[tilespmem:s30+$0x0] =	vst v3  }
0xf2: {  	v9 =	vld [tilespmem:s4+$0x10];
	[tilespmem:s30+$0x20] =	vst v4  }
0xf3: {  	v8 =	vld [tilespmem:s4+$0xFFFFFFC0];
	[tilespmem:s30+$0xFFFFFFD0] =	vst v5;
	s30 =	smov.u32 s4  }
0xf4: {  	v3 =	vld.idx.msk [tilespmem:v6+s9+$0x0], $0xffff  }
0xf5: {  	v11 =	vld [tilespmem:s4+$0xFFFFFFE0]  }
0xf6: {  	v4 =	vld [tilespmem:s4+$0x20]  }
.Ltmp6:
0xf7: {  	v5 =	vld [tilespmem:s4+$0xFFFFFFD0];
	(pc) =	sbr.rel @p2 .LBB2_6-.Ltmp6, $3  }
0xf8: {  	v6 =	vld [tilespmem:s4+$0x0];
	_ =	sdelay $0x1  }
0xf9: {  	v8 =	vmul.f32 v8, v3;
	v10 =	vmul.f32 v7, v3  }
0xfa: {  	v9 =	vmul.f32 v9, v3;
	v7 =	vmul.f32 v11, v3  }
0xfb: {  	[tilespmem:s30+$0x30] =	vst v10  }
0xfc: {  	[tilespmem:s30+$0xFFFFFFC0] =	vst v8  }
0xfd: {  	v2 =	vmul.f32 v2, v3;
	[tilespmem:s30+$0x10] =	vst v9  }
0xfe: {  	v4 =	vmul.f32 v4, v3;
	[tilespmem:s30+$0xFFFFFFE0] =	vst v7  }
0xff: {  	v6 =	vmul.f32 v6, v3;
	[tilespmem:s30+$0xFFFFFFF0] =	vst v2  }
0x100: {  	v2 =	vmul.f32 v5, v3;
	[tilespmem:s30+$0x20] =	vst v4  }
0x101: {  	[tilespmem:s30+$0x0] =	vst v6  }
0x102: {  	[tilespmem:s30+$0xFFFFFFD0] =	vst v2  }
0x103: {  	[spmem:s2] =	stream.indirect.scatter [tilespmem:s11], [sflag:$0x4], $0x80, s31, s10, $0xb8;
	[tilespmem:$0x1F380] =	vst v63  }
.LBB2_8:
0x104: {  	s0 =	sadd.s32 $0xBB8, s28  }
0x105: {  	s4 =	sand.u32 $0xFFFE, s0  }
0x106: {  	s4 =	smul.u32 $0xAAAB, s4;
	_ =	sdelay $0x1  }
0x107: {  	s4 =	sshrl.u32 s4, $0x11  }
0x108: {  	s4 =	smul.u32 $0x3, s4  }
0x109: {  	p2 =	sne.s32 s26, $0x4F  }
0x10a: {  	s0 =	ssub.s32 s0, s4;
	s4 =	sshll.u32 @p2 s26, $0x9  }
0x10b: {  	s14 =	simm.s32 @p2 $0x0;
	s4 =	sadd.s32 @p2 s17, s4;
	s0 =	sshll.u32 @p2 s0, $0x8  }
0x10c: {  	p3 =	seq.s32 @p2 s26, $0x0;
	s0 =	sand.u32 @p2 $0x3F00, s0;
	s4 =	sshrl.u32 @p2 s4, $0x3  }
0x10d: {  	p3 =	por p3, !p2;
	s0 =	sadd.s32 @p2 $0x4F80, s0;
	s4 =	sadd.s32 @p2 s15, s4  }
0x10e: {  	[tilespmem:s0], [sflag:$0x1] =	stream.linear.gather @p2 [hbm4b:s4+s14], $0x100, $0x38;
	[tilespmem:$0x1F380] =	vst v63  }
0x10f: {  	s4 =	simm.s32 @!p3 $0x4  }
0x110: {  	_ =	swait.ge @!p3 [sflag:s4], $0x2000  }
0x111: {  	[sflag:s4] =	ssyncset.done @!p3 $0x0  }
0x112: {  	[sflag:s4] =	ssyncadd.s32 @!p3 $0xFFFFE000;
	s4 =	simm.s32 @p2 $0x1  }
0x113: {  	_ =	swait.ge @p2 [sflag:s4], $0x100  }
0x114: {  	[sflag:s4] =	ssyncset.done @p2 $0x0  }
0x115: {  	s14 =	simm.s32 @p2 $0x5300;
	[sflag:s4] =	ssyncadd.s32 @p2 $0xFFFFFF00;
	s4 =	simm.s32 @p2 $0x40  }
0x116: {  	[tilespmem:s14], [sflag:$0x2] =	stream.indirect.gather @p2 [hbm4b:s1+s4], $0x80, s0, s4, $0xb8;
	[tilespmem:$0x1F380] =	vst v63  }
.Ltmp7:
0x117: {  	_ = 	snop;
	(pc) =	sbr.rel @p1 .LBB2_12-.Ltmp7, $4  }
0x118: {  	s0 =	simm.s32 @!p2 $0x4  }
0x119: {  	_ =	swait.ge @!p2 [sflag:s0], $0x2000  }
0x11a: {  	[sflag:s0] =	ssyncset.done @!p2 $0x0  }
0x11b: {  	[sflag:s0] =	ssyncadd.s32 @!p2 $0xFFFFE000  }
0x11c: {  	s30 =	sshll.u32 s29, $0x8  }
0x11d: {  	v2 =	vld [tilespmem:s30+$0x4F80]  }
0x11e: {  	v3 =	vld [tilespmem:s30+$0x5000];
	_ =	sdelay $0x5  }
0x11f: {  	s0 =	simm.s32 $0x0  }
0x120: {  	v2 =	vld.idx.msk [tilespmem:v2+s0+$0x0], $0xffff  }
0x121: {  	v4 =	vld.idx.msk [tilespmem:v3+s6+$0x0], $0xffff;
	_ =	sdelay $0x4  }
0x122: {  	v2 =	vadd.f32 v4, v2;
	_ =	sdelay $0x1  }
0x123: {  	v4 =	vmul.f32 $2.000000030e-01, v2;
	_ =	sdelay $0x1  }
0x124: {  	v2 =	vmax.f32 v2, v4  }
0x125: {  	v2 =	vsub.f32 v2, v1;
	_ =	sdelay $0x1  }
0x126: {  	v2 =	vmul.f32 $1.442695020e+00, v2;
	_ =	sdelay $0x1  }
0x127: {  	(erf) = vpow2.f32 v2;
	_ =	sdelay $0x8  }
0x128: {  	v2 =	vpop (erf)  }
0x129: {  	[tilespmem:$0x5280] =	vst v2  }
0x12a: {  	[tilespmem:v3+s7+$0x0] =	vst.idx.add.f32.msk $0xffff, v2  }
0x12b: {  	v2 =	vld [tilespmem:s30+$0x4F90]  }
0x12c: {  	v3 =	vld [tilespmem:s30+$0x5010];
	_ =	sdelay $0x6  }
0x12d: {  	v2 =	vld.idx.msk [tilespmem:v2+s0+$0x0], $0xffff  }
0x12e: {  	v4 =	vld.idx.msk [tilespmem:v3+s6+$0x0], $0xffff;
	_ =	sdelay $0x4  }
0x12f: {  	v2 =	vadd.f32 v4, v2;
	_ =	sdelay $0x1  }
0x130: {  	v4 =	vmul.f32 $2.000000030e-01, v2;
	_ =	sdelay $0x1  }
0x131: {  	v2 =	vmax.f32 v2, v4  }
0x132: {  	v2 =	vsub.f32 v2, v1;
	_ =	sdelay $0x1  }
0x133: {  	v2 =	vmul.f32 $1.442695020e+00, v2;
	_ =	sdelay $0x1  }
0x134: {  	(erf) = vpow2.f32 v2;
	_ =	sdelay $0x8  }
0x135: {  	v2 =	vpop (erf)  }
0x136: {  	[tilespmem:$0x5290] =	vst v2  }
0x137: {  	[tilespmem:v3+s7+$0x0] =	vst.idx.add.f32.msk $0xffff, v2  }
0x138: {  	v2 =	vld [tilespmem:s30+$0x4FA0]  }
0x139: {  	v3 =	vld [tilespmem:s30+$0x5020];
	_ =	sdelay $0x6  }
0x13a: {  	v2 =	vld.idx.msk [tilespmem:v2+s0+$0x0], $0xffff  }
0x13b: {  	v4 =	vld.idx.msk [tilespmem:v3+s6+$0x0], $0xffff;
	_ =	sdelay $0x4  }
0x13c: {  	v2 =	vadd.f32 v4, v2;
	_ =	sdelay $0x1  }
0x13d: {  	v4 =	vmul.f32 $2.000000030e-01, v2;
	_ =	sdelay $0x1  }
0x13e: {  	v2 =	vmax.f32 v2, v4  }
0x13f: {  	v2 =	vsub.f32 v2, v1;
	_ =	sdelay $0x1  }
0x140: {  	v2 =	vmul.f32 $1.442695020e+00, v2;
	_ =	sdelay $0x1  }
0x141: {  	(erf) = vpow2.f32 v2;
	_ =	sdelay $0x8  }
0x142: {  	v2 =	vpop (erf)  }
0x143: {  	[tilespmem:$0x52A0] =	vst v2  }
0x144: {  	[tilespmem:v3+s7+$0x0] =	vst.idx.add.f32.msk $0xffff, v2  }
0x145: {  	v2 =	vld [tilespmem:s30+$0x4FB0]  }
0x146: {  	v3 =	vld [tilespmem:s30+$0x5030];
	_ =	sdelay $0x6  }
0x147: {  	v2 =	vld.idx.msk [tilespmem:v2+s0+$0x0], $0xffff  }
0x148: {  	v4 =	vld.idx.msk [tilespmem:v3+s6+$0x0], $0xffff;
	_ =	sdelay $0x4  }
0x149: {  	v2 =	vadd.f32 v4, v2;
	_ =	sdelay $0x1  }
0x14a: {  	v4 =	vmul.f32 $2.000000030e-01, v2;
	_ =	sdelay $0x1  }
0x14b: {  	v2 =	vmax.f32 v2, v4  }
0x14c: {  	v2 =	vsub.f32 v2, v1;
	_ =	sdelay $0x1  }
0x14d: {  	v2 =	vmul.f32 $1.442695020e+00, v2;
	_ =	sdelay $0x1  }
0x14e: {  	(erf) = vpow2.f32 v2;
	_ =	sdelay $0x8  }
0x14f: {  	v2 =	vpop (erf)  }
0x150: {  	[tilespmem:$0x52B0] =	vst v2  }
0x151: {  	[tilespmem:v3+s7+$0x0] =	vst.idx.add.f32.msk $0xffff, v2  }
0x152: {  	_ =	swait.ge [sflag:s12], $0x2000  }
0x153: {  	v2 =	vmov s0;
	[sflag:s12] =	ssyncset.done $0x0  }
0x154: {  	s29 =	simm.s32 $0x7340;
	[sflag:s12] =	ssyncadd.s32 $0xFFFFE000  }
0x155: {  	v6 =	vld [tilespmem:s29+$0x30]  }
0x156: {  	v9 =	vld [tilespmem:s29+$0x10]  }
0x157: {  	v7 =	vld [tilespmem:s29+$0xFFFFFFC0]  }
0x158: {  	v3 =	vld.idx.msk [tilespmem:v2+s9+$0x0], $0xffff  }
0x159: {  	v11 =	vld [tilespmem:s29+$0xFFFFFFE0]  }
0x15a: {  	v4 =	vld [tilespmem:s29+$0x20]  }
0x15b: {  	v5 =	vld [tilespmem:s29+$0xFFFFFFD0]  }
0x15c: {  	v2 =	vld [tilespmem:s29+$0xFFFFFFF0]  }
0x15d: {  	v10 =	vmul.f32 v6, v3;
	v6 =	vld [tilespmem:s29+$0x0]  }
0x15e: {  	v8 =	vmul.f32 v7, v3  }
0x15f: {  	s4 =	simm.s32 $0x7340;
	s30 =	sadd.s32 $0x5000, s30;
	s0 =	simm.s32 $0x1;
	v7 =	vmul.f32 v11, v3;
	v9 =	vmul.f32 v9, v3  }
.LBB2_10:
0x160: {  	p1 =	sne.s32 s0, $0x3F  }
0x161: {  	v5 =	vmul.f32 v5, v3;
	v4 =	vmul.f32 v4, v3;
	[tilespmem:s29+$0x30] =	vst v10;
	s4 =	sadd.s32 $0x80, s4;
	s14 =	smov.u32 s0;
	s0 =	sadd.s32 $0x1, s0  }
0x162: {  	[tilespmem:s29+$0xFFFFFFC0] =	vst v8;
	v8 =	vmul.f32 v2, v3;
	v3 =	vmul.f32 v6, v3  }
0x163: {  	[tilespmem:s29+$0x10] =	vst v9  }
0x164: {  	v6 =	vmov s14;
	[tilespmem:s29+$0xFFFFFFE0] =	vst v7  }
0x165: {  	v2 =	vld [tilespmem:s4+$0xFFFFFFF0];
	[tilespmem:s29+$0xFFFFFFF0] =	vst v8  }
0x166: {  	v7 =	vld [tilespmem:s4+$0x30];
	[tilespmem:s29+$0x0] =	vst v3  }
0x167: {  	v9 =	vld [tilespmem:s4+$0x10];
	[tilespmem:s29+$0x20] =	vst v4  }
0x168: {  	v8 =	vld [tilespmem:s4+$0xFFFFFFC0];
	[tilespmem:s29+$0xFFFFFFD0] =	vst v5;
	s29 =	smov.u32 s4  }
0x169: {  	v3 =	vld.idx.msk [tilespmem:v6+s9+$0x0], $0xffff  }
0x16a: {  	v11 =	vld [tilespmem:s4+$0xFFFFFFE0]  }
0x16b: {  	v4 =	vld [tilespmem:s4+$0x20]  }
.Ltmp8:
0x16c: {  	v5 =	vld [tilespmem:s4+$0xFFFFFFD0];
	(pc) =	sbr.rel @p1 .LBB2_10-.Ltmp8, $3  }
0x16d: {  	v6 =	vld [tilespmem:s4+$0x0];
	_ =	sdelay $0x1  }
0x16e: {  	v8 =	vmul.f32 v8, v3;
	v10 =	vmul.f32 v7, v3  }
0x16f: {  	v9 =	vmul.f32 v9, v3;
	v7 =	vmul.f32 v11, v3  }
0x170: {  	[tilespmem:s29+$0x30] =	vst v10  }
0x171: {  	[tilespmem:s29+$0xFFFFFFC0] =	vst v8  }
0x172: {  	v2 =	vmul.f32 v2, v3;
	[tilespmem:s29+$0x10] =	vst v9  }
0x173: {  	v4 =	vmul.f32 v4, v3;
	[tilespmem:s29+$0xFFFFFFE0] =	vst v7  }
.Ltmp9:
0x174: {  	v6 =	vmul.f32 v6, v3;
	[tilespmem:s29+$0xFFFFFFF0] =	vst v2;
	(pc) =	sbr.rel .LBB2_12-.Ltmp9, $4  }
0x175: {  	v2 =	vmul.f32 v5, v3;
	[tilespmem:s29+$0x20] =	vst v4  }
0x176: {  	[tilespmem:s29+$0x0] =	vst v6  }
0x177: {  	[tilespmem:s29+$0xFFFFFFD0] =	vst v2  }
0x178: {  	[spmem:s2] =	stream.indirect.scatter [tilespmem:s13], [sflag:$0x5], $0x80, s30, s10, $0xb8;
	[tilespmem:$0x1F380] =	vst v63  }
.LBB2_14:
0x179: {  	_ =	sfence.sel $0x180000  }
0x17a: {  	[bflag:$0x0] =	sbarrier.arrive $0xFFFF  }
0x17b: {  	_ =	strace $0x9000004A  }
0x17c: {  	s0 =	stileid.u32;
	[bflag:$0x2] =	sbarrier.arrive $0xFFFF  }
0x17d: {  	p0 =	sne.s32 s0, $0x0;
	s0 =	rddreg [dreg:$0x3]  }
0x17e: {  	s0 =	sadd.s32 @!p0 $0x100000, s0  }
0x17f: {  	[sflag:s0] =	ssyncadd.tile.s32 @!p0 $0x1;
	_ =	shalt  }
.Lfunc_end2:
_tile_overlayer_lowered:
.L_overlay_start_2:
0x180: {  	(tag) =	ssettag $0x2  }
0x181: {  	s0 =	rddreg [dreg:$0x0];
	s2 =	stileid.u32  }
0x182: {  	s1 =	rddreg [dreg:$0x1];
	p0 =	sne.s32 s2, $0x0  }
0x183: {  	s3 =	rddreg [dreg:$0x2];
	[bflag:$0x3] =	sbarrier.arrive $0xFFFF;
	s2 =	simm.s32 @!p0 $0x1C06  }
0x184: {  	[timem:s3], [sflag:s2] =	dma.local @!p0 [hbm:s0], s1  }
0x185: {  	s0 =	simm.s32 @!p0 $0x6  }
0x186: {  	_ =	swait.ge @!p0 [sflag:s0], s1  }
0x187: {  	s1 =	ssub.s32 @!p0 $0x0, s1;
	[sflag:s0] =	ssyncset.done @!p0 $0x0  }
0x188: {  	[sflag:s0] =	ssyncadd.s32 @!p0 s1  }
0x189: {  	[bflag:$0x3] =	sbarrier.arrive $0xFFFF  }
0x18a: {  	_ =	shalt  }

// kernel: kernel.9.cloned.1.call-start
scs
__scs_entry_jumppad:
0x0: {  	(pc) =	sbr.rel $0x88, $3  }
0x1: {  	(tag) =	ssettag $0x0;
	lr =	simm.s32 $0x1  }
0x2: {  	[smem:$0x3F91] =	sst lr;
	_ =	strace $0xD0000000  }
0x3: {  	_ = 	snop  }
0x4: {  	_ = 	snop  }
0x5: {  	_ = 	snop  }
0x6: {  	_ = 	snop  }
0x7: {  	_ = 	snop  }
__scs_overlays_trampoline_lowered:
0x8: {  	[smem:$0x3FA0] =	sst s0  }
0x9: {  	[smem:$0x3FA1] =	sst s1  }
0xa: {  	[smem:$0x3FA2] =	sst s2  }
0xb: {  	[smem:$0x3FA3] =	sst s3  }
0xc: {  	[smem:$0x3FA4] =	sst s4  }
0xd: {  	[smem:$0x3FA5] =	sst s5  }
0xe: {  	[smem:$0x3FA6] =	sst s6  }
0xf: {  	[smem:$0x3FA7] =	sst s7  }
0x10: {  	[smem:$0x3FA8] =	sst s8  }
0x11: {  	[smem:$0x3FA9] =	sst s9;
	s0 =	simm.s32 @!p0 $0x0  }
0x12: {  	s1 =	sld [smem:$0x3F8F];
	s0 =	simm.s32 @p0 $0x1  }
0x13: {  	[smem:$0x3FAA] =	sst s0;
	s0 =	simm.s32 @!p1 $0x0  }
0x14: {  	s2 =	sld [smem:$0x3F8E];
	s0 =	simm.s32 @p1 $0x1  }
0x15: {  	[smem:$0x3FAB] =	sst s0;
	s0 =	simm.s32 @!p2 $0x0  }
0x16: {  	s3 =	sld [smem:$0x3FDB];
	s0 =	simm.s32 @p2 $0x1  }
0x17: {  	s4 =	simm.s32 $0x1BF5;
	[smem:$0x3FAD] =	sst s0  }
0x18: {  	s0 =	sld [smem:$0x3F90];
	_ =	swait.ge [sflag:s4], $0x0  }
0x19: {  	s7 =	sld [smem:$0x3F91]  }
0x1a: {  	s8 =	sadd.s32 $0xFFFFE003, lr  }
0x1b: {  	s9 =	sadd.s32 $0xFFFFFEF7, lr;
	s5 =	simm.s32 $0xFFFFFFFF;
	p2 =	slt.u32 s8, $0xFFFFF086  }
0x1c: {  	p1 =	slt.u32 s9, $0xF7A;
	s5 =	simm.s32 @!p2 $0x0  }
0x1d: {  	s5 =	simm.s32 @p1 $0x1;
	p0 =	seq.s32 s7, s2  }
0x1e: {  	s7 =	smul.u32 @!p0 $0xF7A, s2;
	p2 =	seq.s32 @!p0 s5, $0x0  }
0x1f: {  	s9 =	smul.u32 $0xF7A, s1;
	s8 =	simm.s32 @!p0 $0x1BF5;
	p2 =	por !p2, p0  }
0x20: {  	[sflag:s8] =	ssyncset.s32 @!p0 $0xFFFFF086;
	s6 =	sadd.s32 @!p0 s3, s7;
	s7 =	simm.s32 @!p0 $0x108  }
0x21: {  	s3 =	sadd.s32 s3, s9;
	s6 =	sadd.s32 @!p0 $0x88, s6;
	s7 =	simm.s32 @p2 $0x1082  }
0x22: {  	[simem:s7], [sflag:s8] =	dma.local @!p0 [hbm:s6], $0xF7A  }
0x23: {  	s9 =	sor.u32 $0xD0000000, s2;
	s6 =	simm.s32 $0x108;
	_ =	swait.ge @!p0 [sflag:s8], $0x0  }
0x24: {  	s3 =	sadd.s32 $0x88, s3;
	s6 =	simm.s32 @!p1 $0x1082;
	[sflag:s4] =	ssyncset.s32 $0xFFFFF086  }
0x25: {  	[simem:s6], [sflag:s4] =	dma.local [hbm:s3], $0xF7A  }
0x26: {  	[smem:$0x3F91] =	sst s1;
	(tag) =	ssettag s2;
	_ =	strace s9  }
0x27: {  	s1 =	sld [smem:$0x3FA1]  }
0x28: {  	s2 =	sld [smem:$0x3FA2]  }
0x29: {  	s4 =	sld [smem:$0x3FA4]  }
0x2a: {  	p0 =	seq.s32 s5, $0x0;
	s5 =	sld [smem:$0x3FA5]  }
0x2b: {  	s6 =	sld [smem:$0x3FA6]  }
0x2c: {  	s7 =	sld [smem:$0x3FA7]  }
0x2d: {  	s3 =	simm.s32 $0x108;
	s8 =	sld [smem:$0x3FA8]  }
0x2e: {  	s3 =	simm.s32 @!p0 $0x1082;
	s9 =	sld [smem:$0x3FA9]  }
0x2f: {  	lr =	sadd.s32 s0, s3;
	s0 =	sld [smem:$0x3FA0]  }
0x30: {  	s3 =	sld [smem:$0x3FA3]  }
0x31: {  	[smem:$0x3FAC] =	sst s10  }
0x32: {  	s10 =	sld [smem:$0x3FAA];
	_ =	sdelay $0x3  }
0x33: {  	p0 =	seq.s32 s10, $0x1;
	s10 =	sld [smem:$0x3FAC];
	_ =	sdelay $0x3  }
0x34: {  	[smem:$0x3FAC] =	sst s10  }
0x35: {  	s10 =	sld [smem:$0x3FAB];
	_ =	sdelay $0x3  }
0x36: {  	p1 =	seq.s32 s10, $0x1;
	s10 =	sld [smem:$0x3FAC];
	_ =	sdelay $0x3  }
0x37: {  	[smem:$0x3FAC] =	sst s10  }
0x38: {  	s10 =	sld [smem:$0x3FAD]  }
0x39: {  	_ = 	snop;
	(pc) =	sbr.ind lr, $3  }
0x3a: {  	_ = 	snop  }
0x3b: {  	_ = 	snop  }
0x3c: {  	p2 =	seq.s32 s10, $0x1;
	s10 =	sld [smem:$0x3FAC]  }
0x3d: {  	_ =	shalt  }
0x3e: {  	_ =	shalt  }
0x3f: {  	_ =	shalt  }
0x40: {  	_ =	shalt  }
0x41: {  	_ =	shalt  }
0x42: {  	_ =	shalt  }
0x43: {  	_ =	shalt  }
0x44: {  	_ =	shalt  }
0x45: {  	_ =	shalt  }
0x46: {  	_ =	shalt  }
0x47: {  	_ =	shalt  }
0x48: {  	_ =	shalt  }
0x49: {  	_ =	shalt  }
0x4a: {  	_ =	shalt  }
0x4b: {  	_ =	shalt  }
0x4c: {  	_ =	shalt  }
0x4d: {  	_ =	shalt  }
0x4e: {  	_ =	shalt  }
0x4f: {  	_ =	shalt  }
0x50: {  	_ =	shalt  }
0x51: {  	_ =	shalt  }
0x52: {  	_ =	shalt  }
0x53: {  	_ =	shalt  }
0x54: {  	_ =	shalt  }
0x55: {  	_ =	shalt  }
0x56: {  	_ =	shalt  }
0x57: {  	_ =	shalt  }
0x58: {  	_ =	shalt  }
0x59: {  	_ =	shalt  }
0x5a: {  	_ =	shalt  }
0x5b: {  	_ =	shalt  }
0x5c: {  	_ =	shalt  }
0x5d: {  	_ =	shalt  }
0x5e: {  	_ =	shalt  }
0x5f: {  	_ =	shalt  }
0x60: {  	_ =	shalt  }
0x61: {  	_ =	shalt  }
0x62: {  	_ =	shalt  }
0x63: {  	_ =	shalt  }
0x64: {  	_ =	shalt  }
0x65: {  	_ =	shalt  }
0x66: {  	_ =	shalt  }
0x67: {  	_ =	shalt  }
0x68: {  	_ =	shalt  }
0x69: {  	_ =	shalt  }
0x6a: {  	_ =	shalt  }
0x6b: {  	_ =	shalt  }
0x6c: {  	_ =	shalt  }
0x6d: {  	_ =	shalt  }
0x6e: {  	_ =	shalt  }
0x6f: {  	_ =	shalt  }
0x70: {  	_ =	shalt  }
0x71: {  	_ =	shalt  }
0x72: {  	_ =	shalt  }
0x73: {  	_ =	shalt  }
0x74: {  	_ =	shalt  }
0x75: {  	_ =	shalt  }
0x76: {  	_ =	shalt  }
0x77: {  	_ =	shalt  }
0x78: {  	_ =	shalt  }
0x79: {  	_ =	shalt  }
0x7a: {  	_ =	shalt  }
0x7b: {  	_ =	shalt  }
0x7c: {  	_ =	shalt  }
0x7d: {  	_ =	shalt  }
0x7e: {  	_ =	shalt  }
0x7f: {  	_ =	shalt  }
0x80: {  	_ =	shalt  }
0x81: {  	_ =	shalt  }
0x82: {  	_ =	shalt  }
0x83: {  	_ =	shalt  }
0x84: {  	_ =	shalt  }
0x85: {  	_ =	shalt  }
0x86: {  	_ =	shalt  }
0x87: {  	_ =	shalt  }
.Lfunc_end0:
.L_simem_size_0:
called_computation_lowered:
.L_overlay_start_0:
0x88: {  	s2 =	sld [smem:$0x3FD9]  }
0x89: {  	s3 =	sld [smem:$0x3FFE];
	_ =	sdelay $0x1  }
0x8a: {  	s1 =	srdreg.scid  }
0x8b: {  	s0 =	sand.u32 $0x1, s1  }
0x8c: {  	s17 =	sshll.u32 s0, $0xA;
	s2 =	sadd.s32 s3, s2  }
0x8d: {  	s2 =	sadd.s32 s2, s17  }
0x8e: {  	[smem:$0x3FB8] =	sst s2  }
0x8f: {  	_ = 	snop  }
0x90: {  	s2 =	sld [smem:$0x3FD0];
	(tm) =	ssettm $0x1  }
0x91: {  	s18 =	sld [smem:$0x3FFB];
	_ =	sdelay $0x3  }
0x92: {  	_ =	strace s18  }
0x93: {  	s3 =	sld [smem:$0x3FFC];
	_ =	sdelay $0x3  }
0x94: {  	_ =	strace s3  }
0x95: {  	s3 =	sld [smem:$0x3FFD];
	_ =	sdelay $0x3  }
0x96: {  	_ =	strace s3  }
0x97: {  	_ =	strace $0x8FFFFFFF  }
0x98: {  	s19 =	sld [smem:$0x3FDB];
	_ =	sdelay $0x1  }
0x99: {  	s4 =	simm.s32 $_scs_section_size  }
0x9a: {  	s5 =	simm.s32 $_size__tile_overlayer_lowered;
	s6 =	simm.s32 $_tile_overlayer_lowered  }
0x9b: {  	s22 =	simm.s32 $0x1BFF;
	s21 =	sshll.u32 s6, $0x1;
	s3 =	sadd.s32 s4, s19  }
0x9c: {  	s7 =	simm.s32 $0x0;
	s20 =	sshll.u32 s5, $0x1;
	s5 =	sadd.s32 s21, s3  }
0x9d: {  	[timem:s7], [sflag:s22] =	dma.local [hbm:s5], s20  }
0x9e: {  	_ =	swait.ge [sflag:s22], s20  }
0x9f: {  	s4 =	ssub.s32 $0x0, s20;
	[sflag:s22] =	ssyncset.done $0x0  }
0xa0: {  	[sflag:s22] =	ssyncadd.s32 s4;
	_ =	sdelay $0x1  }
0xa1: {  	s23 =	simm.s32 $0x1B8B  }
0xa2: {  	_ =	swait.ge [sflag:s23], $0x1  }
0xa3: {  	[sflag:s23] =	ssyncset.done $0x0  }
0xa4: {  	s25 =	simm.s32 $0x1B8E;
	s24 =	sld [smem:$0x3FFE];
	[sflag:s23] =	ssyncadd.s32 $0xFFFFFFFF  }
0xa5: {  	s26 =	simm.s32 $execute0_lowered;
	[smem:$0x3FD2] =	sst s25  }
0xa6: {  	s5 =	sshll.u32 s26, $0x1;
	_ =	strace $0x80000046;
	[dreg:$0x1] =	wrdreg $0xFFFFFFFF  }
0xa7: {  	s28 =	simm.s32 $_size_execute0_lowered;
	s3 =	sadd.s32 s3, s5;
	[dreg:$0x0] =	wrdreg $0x0  }
0xa8: {  	s5 =	sshll.u32 s28, $0x1;
	[dreg:$0x2] =	wrdreg s3  }
0xa9: {  	[dreg:$0x3] =	wrdreg s5  }
0xaa: {  	[dreg:$0x4] =	wrdreg $0xC0  }
0xab: {  	_ =	task [dreg:s7], $0x5FFFF  }
0xac: {  	[dreg:$0x1] =	wrdreg $0xFFFFFFFF  }
0xad: {  	[dreg:$0x0] =	wrdreg $0x60  }
0xae: {  	[dreg:$0x2] =	wrdreg s2  }
0xaf: {  	[dreg:$0x3] =	wrdreg s24  }
0xb0: {  	[dreg:$0x4] =	wrdreg $0xBA800  }
0xb1: {  	[dreg:$0x5] =	wrdreg $0x9  }
0xb2: {  	_ =	task.clear_ibuf [dreg:s7], $0x6FFFF;
	_ =	strace $0x90000046  }
0xb3: {  	s29 =	simm.s32 $0x9;
	_ =	strace $0x80000048  }
0xb4: {  	_ =	swait.ge [sflag:s29], $0x1  }
0xb5: {  	[sflag:s29] =	ssyncadd.s32 $0xFFFFFFFF  }
0xb6: {  	_ =	strace $0x90000048  }
0xb7: {  	_ =	sfence  }
0xb8: {  	s30 =	sld [smem:$0x0];
	_ =	sdelay $0x2  }
0xb9: {  	s31 =	sshll.u32 s1, $0xD;
	s1 =	sshrl.u32 s1, $0x2  }
0xba: {  	s3 =	sand.u32 $0x4000, s31;
	s1 =	sadd.s32 s1, s30  }
0xbb: {  	s0 =	sor.u32 s3, s0;
	s1 =	sshll.u32 s1, $0x11  }
0xbc: {  	s0 =	sor.u32 s1, s0  }
0xbd: {  	s0 =	sadd.s32 $0x8F2B, s0  }
0xbe: {  	[sflag:s0] =	ssyncadd.remote.s32 $0x1  }
0xbf: {  	_ =	sfence.sel $0xFFFF  }
0xc0: {  	[dreg:$0x0] =	wrdreg $0xFFFFFFFF;
	(pc) =	sbr.abs _section_cstart, $3  }
0xc1: {  	[dreg:$0x1] =	wrdreg $0xFFFFFFFF  }
0xc2: {  	_ =	task.clear_ibuf [dreg:s7], $0x2FFFF;
	_ =	strace $0x9FFFFFFF  }
0xc3: {  	(tm) =	ssettm $0x7FFFFFFF  }
tec
execute0_lowered:
.L_overlay_start_1:
0x0: {  	(tag) =	ssettag $0x1  }
0x1: {  	s1 =	rddreg [dreg:$0x0]  }
0x2: {  	s0 =	rddreg [dreg:$0x1]  }
0x3: {  	s2 =	rddreg [dreg:$0x2]  }
0x4: {  	s3 =	simm.s32 $0x0;
	s30 =	srdreg.scid;
	s19 =	stileid.u32  }
0x5: {  	[smem:$0x7FF] =	sst s3;
	s4 =	sadd.s32 $0x28600, s0;
	s5 =	sshll.u32 s19, $0x1  }
0x6: {  	s6 =	sshrl.u32 s19, $0x2;
	s7 =	sadd.s32 $0x28000, s0;
	s9 =	smul.u32 $0x270, s19  }
0x7: {  	s31 =	sadd.s32 $0x50000, s0;
	s12 =	sadd.s32 $0x81600, s0;
	s21 =	smul.u32 $0x2700, s19  }
0x8: {  	s29 =	sadd.s32 $0x27E00, s0;
	_ =	strace $0x80000047;
	[dreg:$0x4] =	wrdreg s4  }
0x9: {  	s4 =	sand.u32 $0x1, s30;
	[dreg:$0x5] =	wrdreg s7;
	s6 =	smul.u32 $0x13C00, s6  }
0xa: {  	p0 =	sne.s32 s19, $0xF;
	[dreg:$0xc] =	wrdreg s29;
	s11 =	smul.u32 $0x2710, s4  }
0xb: {  	s5 =	sor.u32 s4, s5;
	s10 =	ssub.s32 $0x2, s4;
	s4 =	smul.u32 $0x138800, s4  }
0xc: {  	s13 =	sadd.s32 $0x68, s9;
	s16 =	sadd.s32 $0xD0, s9;
	s24 =	sadd.s32 $0x138, s9  }
0xd: {  	s8 =	sshll.u32 s5, $0x7;
	s18 =	sshrl.u32 s10, $0x1;
	s14 =	sshll.u32 s13, $0x4  }
0xe: {  	s15 =	sshll.u32 s16, $0x4;
	s25 =	sshll.u32 s24, $0x4;
	s13 =	sshll.u32 s13, $0x7  }
0xf: {  	s8 =	sand.u32 $0x380, s8;
	s20 =	sadd.s32 s11, s9;
	s4 =	sshrl.u32 s4, $0x3  }
0x10: {  	s11 =	sadd.s32 s31, s21;
	s22 =	sadd.s32 s31, s14;
	s23 =	sadd.s32 s31, s15  }
0x11: {  	s14 =	sadd.s32 s31, s25;
	s15 =	sadd.s32 $0x28C00, s0;
	[dreg:$0x6] =	wrdreg s11  }
0x12: {  	s21 =	sshll.u32 s24, $0x7;
	s25 =	sadd.s32 $0x138000, s2;
	[dreg:$0x7] =	wrdreg s22  }
0x13: {  	s6 =	sor.u32 s6, s8;
	s8 =	ssub.s32 s10, s18;
	[dreg:$0x8] =	wrdreg s23  }
0x14: {  	s18 =	sadd.s32 $0x1A0, s9;
	s9 =	sadd.s32 $0x208, s9;
	[dreg:$0x9] =	wrdreg s14  }
0x15: {  	s4 =	sadd.s32 s12, s4;
	s30 =	sshll.u32 s20, $0x4;
	s14 =	sadd.s32 s13, s2  }
0x16: {  	s20 =	sshll.u32 s16, $0x7;
	[dreg:$0x18] =	wrdreg s25;
	s26 =	sshll.u32 s18, $0x4  }
0x17: {  	s17 =	sshll.u32 s9, $0x4;
	s4 =	sadd.s32 $0x27000, s4;
	[dreg:$0x13] =	wrdreg s14  }
0x18: {  	s6 =	sshrl.u32 s6, $0x3;
	s28 =	sadd.s32 s31, s26;
	[dreg:$0x10] =	wrdreg s4  }
0x19: {  	s22 =	sshll.u32 s18, $0x7;
	s7 =	sadd.s32 s31, s17;
	[dreg:$0xa] =	wrdreg s28  }
0x1a: {  	s6 =	sadd.s32 s6, s0;
	s0 =	sadd.s32 $0x77000, s0;
	[dreg:$0xb] =	wrdreg s7  }
0x1b: {  	s11 =	simm.s32 $0x5300;
	s23 =	sadd.s32 s22, s2;
	[dreg:$0xe] =	wrdreg s0  }
0x1c: {  	s13 =	simm.s32 $0x7300;
	s10 =	sadd.s32 $0x77800, s6;
	[dreg:$0x16] =	wrdreg s23  }
0x1d: {  	s7 =	sadd.s32 s12, s30;
	s12 =	smax.u32 s8, $0x1;
	[dreg:$0xf] =	wrdreg s10  }
0x1e: {  	s16 =	simm.s32 $0x0;
	s24 =	sshll.u32 s9, $0x7;
	[dreg:$0x11] =	wrdreg s12  }
0x1f: {  	s9 =	simm.s32 $0x5280;
	s26 =	sadd.s32 $0x680, s7;
	[dreg:$0xd] =	wrdreg s7  }
0x20: {  	s31 =	smul.u32 $0x4E000, s19;
	s28 =	sadd.s32 $0xD00, s7;
	[dreg:$0x19] =	wrdreg s26  }
0x21: {  	s17 =	smul.u32 $0x9D00, s5;
	s29 =	sadd.s32 $0x1380, s7;
	[dreg:$0x1a] =	wrdreg s28  }
0x22: {  	s5 =	simm.s32 $0x6;
	s30 =	sadd.s32 $0x1A00, s7;
	[dreg:$0x1b] =	wrdreg s29  }
0x23: {  	s0 =	sshrl.u32 s31, $0x2;
	s31 =	sadd.s32 $0x2080, s7;
	[dreg:$0x1c] =	wrdreg s30  }
.Ltmp0:
0x24: {  	s0 =	sadd.s32 s0, s2;
	[dreg:$0x1d] =	wrdreg s31;
	(pc) =	sbr.rel .LBB2_1-.Ltmp0, $4  }
0x25: {  	s6 =	simm.s32 $0x2780;
	[dreg:$0x12] =	wrdreg s0;
	s0 =	sadd.s32 s20, s2  }
0x26: {  	s8 =	simm.s32 $0x2;
	[dreg:$0x14] =	wrdreg s0;
	s0 =	sadd.s32 s21, s2  }
0x27: {  	s7 =	simm.s32 $0x9300;
	[dreg:$0x15] =	wrdreg s0;
	s0 =	sadd.s32 s24, s2  }
0x28: {  	v0 =	vimm.f32 $0.0e+00;
	s10 =	simm.s32 $0x40;
	s12 =	simm.s32 $0x3;
	[dreg:$0x17] =	wrdreg s0  }
.LBB2_13:
0x29: {  	[bflag:$0x0] =	sbarrier.arrive $0xFFFF  }
0x2a: {  	s0 =	rddreg [dreg:$0xd]  }
0x2b: {  	[hbm:s0], [sflag:s18] =	dma.local [spmem:s19], $0x680  }
0x2c: {  	_ =	swait.ge [sflag:s5], $0x680  }
0x2d: {  	[sflag:s5] =	ssyncset.done $0x0  }
0x2e: {  	s19 =	rddreg [dreg:$0x19];
	[sflag:s5] =	ssyncadd.s32 $0xFFFFF980  }
0x2f: {  	[hbm:s19], [sflag:s18] =	dma.local [spmem:s20], $0x680  }
0x30: {  	_ =	swait.ge [sflag:s5], $0x680  }
0x31: {  	[sflag:s5] =	ssyncset.done $0x0  }
0x32: {  	s20 =	rddreg [dreg:$0x1a];
	[sflag:s5] =	ssyncadd.s32 $0xFFFFF980  }
0x33: {  	[hbm:s20], [sflag:s18] =	dma.local [spmem:s22], $0x680  }
0x34: {  	_ =	swait.ge [sflag:s5], $0x680  }
0x35: {  	[sflag:s5] =	ssyncset.done $0x0  }
0x36: {  	s26 =	rddreg [dreg:$0x1b];
	[sflag:s5] =	ssyncadd.s32 $0xFFFFF980  }
0x37: {  	[hbm:s26], [sflag:s18] =	dma.local [spmem:s23], $0x680  }
0x38: {  	_ =	swait.ge [sflag:s5], $0x680  }
0x39: {  	[sflag:s5] =	ssyncset.done $0x0  }
0x3a: {  	s28 =	rddreg [dreg:$0x1c];
	[sflag:s5] =	ssyncadd.s32 $0xFFFFF980  }
0x3b: {  	[hbm:s28], [sflag:s18] =	dma.local [spmem:s24], $0x680  }
0x3c: {  	_ =	swait.ge [sflag:s5], $0x680  }
0x3d: {  	[sflag:s5] =	ssyncset.done $0x0  }
0x3e: {  	s29 =	rddreg [dreg:$0x1d];
	[sflag:s5] =	ssyncadd.s32 $0xFFFFF980  }
0x3f: {  	[hbm:s29], [sflag:s18] =	dma.local [spmem:s25], $0x680  }
0x40: {  	_ =	swait.ge [sflag:s5], $0x680  }
0x41: {  	s4 =	simm.s32 $0x80;
	[sflag:s5] =	ssyncset.done $0x0  }
0x42: {  	s14 =	simm.s32 $0x400;
	s30 =	rddreg [dreg:$0xf];
	[sflag:s5] =	ssyncadd.s32 $0xFFFFF980  }
0x43: {  	[hbm4b:s30+s4] =	stream.strided.scatter [tilespmem:s7], [sflag:$0x6], $0x2780, s14, s4, $0x38;
	[tilespmem:$0x1F380] =	vst v63  }
0x44: {  	_ =	swait.ge [sflag:s5], $0x2780  }
0x45: {  	[sflag:s5] =	ssyncset.done $0x0  }
0x46: {  	s0 =	simm.s32 @!p0 $0x1FC6;
	s4 =	rddreg [dreg:$0x10];
	[sflag:s5] =	ssyncadd.s32 $0xFFFFD880  }
0x47: {  	[hbm:s4], [sflag:s0] =	dma.local @!p0 [spmem:s21], $0x100  }
0x48: {  	s0 =	simm.s32 @!p0 $0x6  }
0x49: {  	_ =	swait.ge @!p0 [sflag:s0], $0x100  }
0x4a: {  	s16 =	sadd.s32 $0x1, s16;
	s31 =	rddreg [dreg:$0x11]  }
0x4b: {  	p1 =	sne.s32 s16, s31  }
.Ltmp1:
0x4c: {  	_ = 	snop;
	(pc) =	sbr.rel @!p1 .LBB2_14-.Ltmp1, $3  }
0x4d: {  	_ =	sdelay $0x1  }
0x4e: {  	[sflag:s0] =	ssyncset.done @!p0 $0x0  }
0x4f: {  	[sflag:s0] =	ssyncadd.s32 @!p0 $0xFFFFFF00  }
.LBB2_1:
0x50: {  	s0 =	rddreg [dreg:$0x4]  }
0x51: {  	[tilespmem:s3], [sflag:$0x6] =	stream.linear.gather [hbm4b:s0+s3], $0x2710, $0x38;
	[tilespmem:$0x1F380] =	vst v63  }
0x52: {  	_ =	swait.ge [sflag:s5], $0x2710  }
0x53: {  	[sflag:s5] =	ssyncset.done $0x0  }
0x54: {  	s30 =	rddreg [dreg:$0x5];
	[sflag:s5] =	ssyncadd.s32 $0xFFFFD8F0  }
0x55: {  	[tilespmem:s6], [sflag:$0x6] =	stream.linear.gather [hbm4b:s30+s3], $0x2710, $0x38;
	[tilespmem:$0x1F380] =	vst v63  }
0x56: {  	_ =	swait.ge [sflag:s5], $0x2710  }
0x57: {  	[sflag:s5] =	ssyncset.done $0x0  }
0x58: {  	s4 =	simm.s32 $0x4F00;
	s31 =	rddreg [dreg:$0xc];
	[sflag:s5] =	ssyncadd.s32 $0xFFFFD8F0  }
0x59: {  	[tilespmem:s4], [sflag:$0x6] =	stream.linear.gather [hbm4b:s31+s3], $0x80, $0x38;
	[tilespmem:$0x1F380] =	vst v63  }
0x5a: {  	_ =	swait.ge [sflag:s5], $0x80  }
0x5b: {  	[sflag:s5] =	ssyncset.done $0x0  }
0x5c: {  	[sflag:s5] =	ssyncadd.s32 $0xFFFFFF80  }
0x5d: {  	[tilespmem:$0x2710] =	vst v0  }
0x5e: {  	s0 =	simm.s32 $0x40;
	s4 =	simm.s32 $0x0;
	[tilespmem:$0x4E90] =	vst v0  }
.LBB2_2:
0x5f: {  	p1 =	sne.s32 s0, $0x9C40;
	[tilespmem:s4+$0x9300] =	vst v0;
	s4 =	smov.u32 s0;
	s0 =	sadd.s32 $0x40, s0  }
.Ltmp2:
0x60: {  	(pc) =	sbr.rel @p1 .LBB2_2-.Ltmp2, $2  }
0x61: {  	_ =	sdelay $0x2  }
0x62: {  	s4 =	sshra.s32 s4, $0x2  }
0x63: {  	s0 =	stileid.u32  }
0x64: {  	s19 =	rddreg [dreg:$0x12];
	s0 =	sshll.u32 s0, $0x6  }
0x65: {  	[tilespmem:s4+$0x9300] =	vst v0;
	s20 =	rddreg [dreg:$0x6];
	s19 =	sshrl.u32 s19, $0x3;
	s18 =	sor.u32 $0x1C06, s0  }
0x66: {  	[spmem:s19], [sflag:s18] =	dma.local [hbm:s20], $0x680  }
0x67: {  	_ =	swait.ge [sflag:s5], $0x680  }
0x68: {  	[sflag:s5] =	ssyncset.done $0x0;
	s21 =	rddreg [dreg:$0x13]  }
0x69: {  	s22 =	rddreg [dreg:$0x7];
	[sflag:s5] =	ssyncadd.s32 $0xFFFFF980;
	s20 =	sshrl.u32 s21, $0x3  }
0x6a: {  	[spmem:s20], [sflag:s18] =	dma.local [hbm:s22], $0x680  }
0x6b: {  	_ =	swait.ge [sflag:s5], $0x680  }
0x6c: {  	[sflag:s5] =	ssyncset.done $0x0;
	s23 =	rddreg [dreg:$0x14]  }
0x6d: {  	s24 =	rddreg [dreg:$0x8];
	[sflag:s5] =	ssyncadd.s32 $0xFFFFF980;
	s22 =	sshrl.u32 s23, $0x3  }
0x6e: {  	[spmem:s22], [sflag:s18] =	dma.local [hbm:s24], $0x680  }
0x6f: {  	_ =	swait.ge [sflag:s5], $0x680  }
0x70: {  	[sflag:s5] =	ssyncset.done $0x0;
	s25 =	rddreg [dreg:$0x15]  }
0x71: {  	s26 =	rddreg [dreg:$0x9];
	[sflag:s5] =	ssyncadd.s32 $0xFFFFF980;
	s23 =	sshrl.u32 s25, $0x3  }
0x72: {  	[spmem:s23], [sflag:s18] =	dma.local [hbm:s26], $0x680  }
0x73: {  	_ =	swait.ge [sflag:s5], $0x680  }
0x74: {  	[sflag:s5] =	ssyncset.done $0x0;
	s28 =	rddreg [dreg:$0x16]  }
0x75: {  	s29 =	rddreg [dreg:$0xa];
	[sflag:s5] =	ssyncadd.s32 $0xFFFFF980;
	s24 =	sshrl.u32 s28, $0x3  }
0x76: {  	[spmem:s24], [sflag:s18] =	dma.local [hbm:s29], $0x680  }
0x77: {  	_ =	swait.ge [sflag:s5], $0x680  }
0x78: {  	[sflag:s5] =	ssyncset.done $0x0;
	s30 =	rddreg [dreg:$0x17]  }
0x79: {  	s31 =	rddreg [dreg:$0xb];
	[sflag:s5] =	ssyncadd.s32 $0xFFFFF980;
	s25 =	sshrl.u32 s30, $0x3  }
0x7a: {  	[spmem:s25], [sflag:s18] =	dma.local [hbm:s31], $0x680  }
0x7b: {  	_ =	swait.ge [sflag:s5], $0x680  }
0x7c: {  	s0 =	rddreg [dreg:$0x18]  }
0x7d: {  	[sflag:s5] =	ssyncset.done $0x0;
	s4 =	rddreg [dreg:$0xe]  }
0x7e: {  	[sflag:s5] =	ssyncadd.s32 $0xFFFFF980;
	s21 =	sshrl.u32 @!p0 s0, $0x3;
	s0 =	simm.s32 @!p0 $0x1FC6  }
0x7f: {  	[spmem:s21], [sflag:s0] =	dma.local @!p0 [hbm:s4], $0x100  }
0x80: {  	s0 =	simm.s32 @!p0 $0x6  }
.Ltmp3:
0x81: {  	_ =	swait.ge @!p0 [sflag:s0], $0x100;
	(pc) =	sbr.rel .LBB2_4-.Ltmp3, $4  }
0x82: {  	[sflag:s0] =	ssyncset.done @!p0 $0x0  }
0x83: {  	[sflag:s0] =	ssyncadd.s32 @!p0 $0xFFFFFF00  }
0x84: {  	[bflag:$0x0] =	sbarrier.arrive $0xFFFF  }
0x85: {  	s26 =	simm.s32 $0x0;
	v1 =	vld [tilespmem:$0x4F00]  }
.LBB2_12:
0x86: {  	s0 =	sadd.s32 @p2 $0xBB9, s28  }
0x87: {  	s4 =	smulhi.u32 @p2 $0x55555556, s0;
	_ =	sdelay $0x1  }
0x88: {  	s4 =	smul.u32 @p2 $0x3, s4  }
0x89: {  	s14 =	sor.u32 $0x1, s28  }
0x8a: {  	p1 =	sgt.u32 s14, $0x9C;
	s0 =	ssub.s32 @p2 s0, s4  }
0x8b: {  	s4 =	sshll.u32 @!p1 s14, $0x8;
	s0 =	sshll.u32 @p2 s0, $0xA  }
0x8c: {  	s4 =	sadd.s32 @!p1 s17, s4;
	s0 =	simm.s32 @!p2 $0x0  }
0x8d: {  	s26 =	sadd.s32 $0x1, s26;
	s4 =	sshrl.u32 @!p1 s4, $0x3;
	s0 =	sshrl.u32 @!p1 s0, $0x2  }
0x8e: {  	s14 =	simm.s32 @!p1 $0x0;
	s4 =	sadd.s32 @!p1 s15, s4;
	s0 =	sadd.s32 @!p1 $0x4F80, s0  }
0x8f: {  	[tilespmem:s0], [sflag:$0x1] =	stream.linear.gather @!p1 [hbm4b:s4+s14], $0x100, $0x38;
	[tilespmem:$0x1F380] =	vst v63  }
0x90: {  	p1 =	sne.s32 s26, $0x50  }
.Ltmp4:
0x91: {  	_ = 	snop;
	(pc) =	sbr.rel @!p1 .LBB2_13-.Ltmp4, $1  }
0x92: {  	_ =	sdelay $0x3  }
.LBB2_4:
0x93: {  	s28 =	sshll.u32 s26, $0x1  }
0x94: {  	s0 =	sadd.s32 $0xBB7, s28  }
0x95: {  	s4 =	sand.u32 $0xFFFF, s0  }
0x96: {  	p2 =	slt.u32 s26, $0x2;
	s4 =	smul.u32 $0xAAAB, s4  }
0x97: {  	s29 =	simm.s32 @!p2 $0x5  }
0x98: {  	s30 =	sadd.s32 $0xFFFFFFFF, s28;
	_ =	swait.ge @!p2 [sflag:s29], $0x2000;
	s4 =	sshrl.u32 s4, $0x11  }
0x99: {  	s14 =	sadd.s32 $0xFFFFFFFE, s28;
	[sflag:s29] =	ssyncset.done @!p2 $0x0;
	s4 =	smul.u32 $0x3, s4  }
0x9a: {  	p1 =	sgt.u32 s30, $0x9C;
	[sflag:s29] =	ssyncadd.s32 @!p2 $0xFFFFE000;
	p2 =	sgt.u32 s14, $0x9C  }
.Ltmp5:
0x9b: {  	s30 =	simm.s32 @!p1 $0x1;
	s0 =	ssub.s32 s0, s4;
	(pc) =	sbr.rel @p2 .LBB2_8-.Ltmp5, $4  }
0x9c: {  	_ =	swait.ge @!p1 [sflag:s30], $0x100;
	s29 =	sand.u32 $0xFFFF, s0  }
0x9d: {  	s31 =	simm.s32 @!p1 $0x7300;
	[sflag:s30] =	ssyncset.done @!p1 $0x0;
	s4 =	sshll.u32 @!p1 s29, $0x8  }
0x9e: {  	[sflag:s30] =	ssyncadd.s32 @!p1 $0xFFFFFF00;
	s30 =	simm.s32 @!p1 $0x40;
	s4 =	sadd.s32 @!p1 $0x4F80, s4  }
0x9f: {  	[tilespmem:s31], [sflag:$0x3] =	stream.indirect.gather @!p1 [hbm4b:s1+s30], $0x80, s4, s30, $0xb8;
	[tilespmem:$0x1F380] =	vst v63  }
0xa0: {  	s0 =	sadd.s32 $0xBB6, s28  }
0xa1: {  	s4 =	sand.u32 $0xFFFE, s0  }
0xa2: {  	s4 =	smul.u32 $0xAAAB, s4;
	_ =	sdelay $0x1  }
0xa3: {  	s4 =	sshrl.u32 s4, $0x11  }
0xa4: {  	s4 =	smul.u32 $0x3, s4;
	_ =	sdelay $0x1  }
0xa5: {  	s0 =	ssub.s32 s0, s4  }
0xa6: {  	s0 =	sshll.u32 s0, $0x8  }
0xa7: {  	s31 =	sand.u32 $0xFF00, s0  }
0xa8: {  	v2 =	vld [tilespmem:s31+$0x4F80]  }
0xa9: {  	v3 =	vld [tilespmem:s31+$0x5000];
	_ =	sdelay $0x5  }
0xaa: {  	s14 =	simm.s32 $0x0  }
0xab: {  	v2 =	vld.idx.msk [tilespmem:v2+s14+$0x0], $0xffff  }
0xac: {  	v4 =	vld.idx.msk [tilespmem:v3+s6+$0x0], $0xffff;
	_ =	sdelay $0x4  }
0xad: {  	v2 =	vadd.f32 v4, v2;
	_ =	sdelay $0x1  }
0xae: {  	v4 =	vmul.f32 $2.000000030e-01, v2;
	_ =	sdelay $0x1  }
0xaf: {  	v2 =	vmax.f32 v2, v4  }
0xb0: {  	v2 =	vsub.f32 v2, v1;
	_ =	sdelay $0x1  }
0xb1: {  	v2 =	vmul.f32 $1.442695020e+00, v2;
	_ =	sdelay $0x1  }
0xb2: {  	(erf) = vpow2.f32 v2;
	_ =	sdelay $0x8  }
0xb3: {  	v2 =	vpop (erf)  }
0xb4: {  	[tilespmem:$0x5280] =	vst v2  }
0xb5: {  	[tilespmem:v3+s7+$0x0] =	vst.idx.add.f32.msk $0xffff, v2  }
0xb6: {  	v2 =	vld [tilespmem:s31+$0x4F90]  }
0xb7: {  	v3 =	vld [tilespmem:s31+$0x5010];
	_ =	sdelay $0x6  }
0xb8: {  	v2 =	vld.idx.msk [tilespmem:v2+s14+$0x0], $0xffff  }
0xb9: {  	v4 =	vld.idx.msk [tilespmem:v3+s6+$0x0], $0xffff;
	_ =	sdelay $0x4  }
0xba: {  	v2 =	vadd.f32 v4, v2;
	_ =	sdelay $0x1  }
0xbb: {  	v4 =	vmul.f32 $2.000000030e-01, v2;
	_ =	sdelay $0x1  }
0xbc: {  	v2 =	vmax.f32 v2, v4  }
0xbd: {  	v2 =	vsub.f32 v2, v1;
	_ =	sdelay $0x1  }
0xbe: {  	v2 =	vmul.f32 $1.442695020e+00, v2;
	_ =	sdelay $0x1  }
0xbf: {  	(erf) = vpow2.f32 v2;
	_ =	sdelay $0x8  }
0xc0: {  	v2 =	vpop (erf)  }
0xc1: {  	[tilespmem:$0x5290] =	vst v2  }
0xc2: {  	[tilespmem:v3+s7+$0x0] =	vst.idx.add.f32.msk $0xffff, v2  }
0xc3: {  	v2 =	vld [tilespmem:s31+$0x4FA0]  }
0xc4: {  	v3 =	vld [tilespmem:s31+$0x5020];
	_ =	sdelay $0x6  }
0xc5: {  	v2 =	vld.idx.msk [tilespmem:v2+s14+$0x0], $0xffff  }
0xc6: {  	v4 =	vld.idx.msk [tilespmem:v3+s6+$0x0], $0xffff;
	_ =	sdelay $0x4  }
0xc7: {  	v2 =	vadd.f32 v4, v2;
	_ =	sdelay $0x1  }
0xc8: {  	v4 =	vmul.f32 $2.000000030e-01, v2;
	_ =	sdelay $0x1  }
0xc9: {  	v2 =	vmax.f32 v2, v4  }
0xca: {  	v2 =	vsub.f32 v2, v1;
	_ =	sdelay $0x1  }
0xcb: {  	v2 =	vmul.f32 $1.442695020e+00, v2;
	_ =	sdelay $0x1  }
0xcc: {  	(erf) = vpow2.f32 v2;
	_ =	sdelay $0x8  }
0xcd: {  	v2 =	vpop (erf)  }
0xce: {  	[tilespmem:$0x52A0] =	vst v2  }
0xcf: {  	[tilespmem:v3+s7+$0x0] =	vst.idx.add.f32.msk $0xffff, v2  }
0xd0: {  	v2 =	vld [tilespmem:s31+$0x4FB0]  }
0xd1: {  	v3 =	vld [tilespmem:s31+$0x5030];
	_ =	sdelay $0x6  }
0xd2: {  	v2 =	vld.idx.msk [tilespmem:v2+s14+$0x0], $0xffff  }
0xd3: {  	v4 =	vld.idx.msk [tilespmem:v3+s6+$0x0], $0xffff;
	_ =	sdelay $0x4  }
0xd4: {  	v2 =	vadd.f32 v4, v2;
	_ =	sdelay $0x1  }
0xd5: {  	v4 =	vmul.f32 $2.000000030e-01, v2;
	_ =	sdelay $0x1  }
0xd6: {  	v2 =	vmax.f32 v2, v4  }
0xd7: {  	v2 =	vsub.f32 v2, v1;
	_ =	sdelay $0x1  }
0xd8: {  	v2 =	vmul.f32 $1.442695020e+00, v2;
	_ =	sdelay $0x1  }
0xd9: {  	(erf) = vpow2.f32 v2;
	_ =	sdelay $0x8  }
0xda: {  	v2 =	vpop (erf)  }
0xdb: {  	[tilespmem:$0x52B0] =	vst v2  }
0xdc: {  	[tilespmem:v3+s7+$0x0] =	vst.idx.add.f32.msk $0xffff, v2  }
0xdd: {  	_ =	swait.ge [sflag:s8], $0x2000  }
0xde: {  	v2 =	vmov s14;
	[sflag:s8] =	ssyncset.done $0x0  }
0xdf: {  	s30 =	simm.s32 $0x5340;
	[sflag:s8] =	ssyncadd.s32 $0xFFFFE000  }
0xe0: {  	v6 =	vld [tilespmem:s30+$0x30]  }
0xe1: {  	v9 =	vld [tilespmem:s30+$0x10]  }
0xe2: {  	v7 =	vld [tilespmem:s30+$0xFFFFFFC0]  }
0xe3: {  	v3 =	vld.idx.msk [tilespmem:v2+s9+$0x0], $0xffff  }
0xe4: {  	v11 =	vld [tilespmem:s30+$0xFFFFFFE0]  }
0xe5: {  	v4 =	vld [tilespmem:s30+$0x20]  }
0xe6: {  	v5 =	vld [tilespmem:s30+$0xFFFFFFD0]  }
0xe7: {  	v2 =	vld [tilespmem:s30+$0xFFFFFFF0]  }
0xe8: {  	v10 =	vmul.f32 v6, v3;
	v6 =	vld [tilespmem:s30+$0x0]  }
0xe9: {  	v8 =	vmul.f32 v7, v3  }
0xea: {  	s4 =	simm.s32 $0x5340;
	s0 =	simm.s32 $0x1;
	s31 =	sadd.s32 $0x5000, s31;
	v7 =	vmul.f32 v11, v3;
	v9 =	vmul.f32 v9, v3  }
.LBB2_6:
0xeb: {  	p2 =	sne.s32 s0, $0x3F  }
0xec: {  	v5 =	vmul.f32 v5, v3;
	v4 =	vmul.f32 v4, v3;
	[tilespmem:s30+$0x30] =	vst v10;
	s4 =	sadd.s32 $0x80, s4;
	s14 =	smov.u32 s0;
	s0 =	sadd.s32 $0x1, s0  }
0xed: {  	[tilespmem:s30+$0xFFFFFFC0] =	vst v8;
	v8 =	vmul.f32 v2, v3;
	v3 =	vmul.f32 v6, v3  }
0xee: {  	[tilespmem:s30+$0x10] =	vst v9  }
0xef: {  	v6 =	vmov s14;
	[tilespmem:s30+$0xFFFFFFE0] =	vst v7  }
0xf0: {  	v2 =	vld [tilespmem:s4+$0xFFFFFFF0];
	[tilespmem:s30+$0xFFFFFFF0] =	vst v8  }
0xf1: {  	v7 =	vld [tilespmem:s4+$0x30];
	[tilespmem:s30+$0x0] =	vst v3  }
0xf2: {  	v9 =	vld [tilespmem:s4+$0x10];
	[tilespmem:s30+$0x20] =	vst v4  }
0xf3: {  	v8 =	vld [tilespmem:s4+$0xFFFFFFC0];
	[tilespmem:s30+$0xFFFFFFD0] =	vst v5;
	s30 =	smov.u32 s4  }
0xf4: {  	v3 =	vld.idx.msk [tilespmem:v6+s9+$0x0], $0xffff  }
0xf5: {  	v11 =	vld [tilespmem:s4+$0xFFFFFFE0]  }
0xf6: {  	v4 =	vld [tilespmem:s4+$0x20]  }
.Ltmp6:
0xf7: {  	v5 =	vld [tilespmem:s4+$0xFFFFFFD0];
	(pc) =	sbr.rel @p2 .LBB2_6-.Ltmp6, $3  }
0xf8: {  	v6 =	vld [tilespmem:s4+$0x0];
	_ =	sdelay $0x1  }
0xf9: {  	v8 =	vmul.f32 v8, v3;
	v10 =	vmul.f32 v7, v3  }
0xfa: {  	v9 =	vmul.f32 v9, v3;
	v7 =	vmul.f32 v11, v3  }
0xfb: {  	[tilespmem:s30+$0x30] =	vst v10  }
0xfc: {  	[tilespmem:s30+$0xFFFFFFC0] =	vst v8  }
0xfd: {  	v2 =	vmul.f32 v2, v3;
	[tilespmem:s30+$0x10] =	vst v9  }
0xfe: {  	v4 =	vmul.f32 v4, v3;
	[tilespmem:s30+$0xFFFFFFE0] =	vst v7  }
0xff: {  	v6 =	vmul.f32 v6, v3;
	[tilespmem:s30+$0xFFFFFFF0] =	vst v2  }
0x100: {  	v2 =	vmul.f32 v5, v3;
	[tilespmem:s30+$0x20] =	vst v4  }
0x101: {  	[tilespmem:s30+$0x0] =	vst v6  }
0x102: {  	[tilespmem:s30+$0xFFFFFFD0] =	vst v2  }
0x103: {  	[spmem:s2] =	stream.indirect.scatter [tilespmem:s11], [sflag:$0x4], $0x80, s31, s10, $0xb8;
	[tilespmem:$0x1F380] =	vst v63  }
.LBB2_8:
0x104: {  	s0 =	sadd.s32 $0xBB8, s28  }
0x105: {  	s4 =	sand.u32 $0xFFFE, s0  }
0x106: {  	s4 =	smul.u32 $0xAAAB, s4;
	_ =	sdelay $0x1  }
0x107: {  	s4 =	sshrl.u32 s4, $0x11  }
0x108: {  	s4 =	smul.u32 $0x3, s4  }
0x109: {  	p2 =	sne.s32 s26, $0x4F  }
0x10a: {  	s0 =	ssub.s32 s0, s4;
	s4 =	sshll.u32 @p2 s26, $0x9  }
0x10b: {  	s14 =	simm.s32 @p2 $0x0;
	s4 =	sadd.s32 @p2 s17, s4;
	s0 =	sshll.u32 @p2 s0, $0x8  }
0x10c: {  	p3 =	seq.s32 @p2 s26, $0x0;
	s0 =	sand.u32 @p2 $0x3F00, s0;
	s4 =	sshrl.u32 @p2 s4, $0x3  }
0x10d: {  	p3 =	por p3, !p2;
	s0 =	sadd.s32 @p2 $0x4F80, s0;
	s4 =	sadd.s32 @p2 s15, s4  }
0x10e: {  	[tilespmem:s0], [sflag:$0x1] =	stream.linear.gather @p2 [hbm4b:s4+s14], $0x100, $0x38;
	[tilespmem:$0x1F380] =	vst v63  }
0x10f: {  	s4 =	simm.s32 @!p3 $0x4  }
0x110: {  	_ =	swait.ge @!p3 [sflag:s4], $0x2000  }
0x111: {  	[sflag:s4] =	ssyncset.done @!p3 $0x0  }
0x112: {  	[sflag:s4] =	ssyncadd.s32 @!p3 $0xFFFFE000;
	s4 =	simm.s32 @p2 $0x1  }
0x113: {  	_ =	swait.ge @p2 [sflag:s4], $0x100  }
0x114: {  	[sflag:s4] =	ssyncset.done @p2 $0x0  }
0x115: {  	s14 =	simm.s32 @p2 $0x5300;
	[sflag:s4] =	ssyncadd.s32 @p2 $0xFFFFFF00;
	s4 =	simm.s32 @p2 $0x40  }
0x116: {  	[tilespmem:s14], [sflag:$0x2] =	stream.indirect.gather @p2 [hbm4b:s1+s4], $0x80, s0, s4, $0xb8;
	[tilespmem:$0x1F380] =	vst v63  }
.Ltmp7:
0x117: {  	_ = 	snop;
	(pc) =	sbr.rel @p1 .LBB2_12-.Ltmp7, $4  }
0x118: {  	s0 =	simm.s32 @!p2 $0x4  }
0x119: {  	_ =	swait.ge @!p2 [sflag:s0], $0x2000  }
0x11a: {  	[sflag:s0] =	ssyncset.done @!p2 $0x0  }
0x11b: {  	[sflag:s0] =	ssyncadd.s32 @!p2 $0xFFFFE000  }
0x11c: {  	s30 =	sshll.u32 s29, $0x8  }
0x11d: {  	v2 =	vld [tilespmem:s30+$0x4F80]  }
0x11e: {  	v3 =	vld [tilespmem:s30+$0x5000];
	_ =	sdelay $0x5  }
0x11f: {  	s0 =	simm.s32 $0x0  }
0x120: {  	v2 =	vld.idx.msk [tilespmem:v2+s0+$0x0], $0xffff  }
0x121: {  	v4 =	vld.idx.msk [tilespmem:v3+s6+$0x0], $0xffff;
	_ =	sdelay $0x4  }
0x122: {  	v2 =	vadd.f32 v4, v2;
	_ =	sdelay $0x1  }
0x123: {  	v4 =	vmul.f32 $2.000000030e-01, v2;
	_ =	sdelay $0x1  }
0x124: {  	v2 =	vmax.f32 v2, v4  }
0x125: {  	v2 =	vsub.f32 v2, v1;
	_ =	sdelay $0x1  }
0x126: {  	v2 =	vmul.f32 $1.442695020e+00, v2;
	_ =	sdelay $0x1  }
0x127: {  	(erf) = vpow2.f32 v2;
	_ =	sdelay $0x8  }
0x128: {  	v2 =	vpop (erf)  }
0x129: {  	[tilespmem:$0x5280] =	vst v2  }
0x12a: {  	[tilespmem:v3+s7+$0x0] =	vst.idx.add.f32.msk $0xffff, v2  }
0x12b: {  	v2 =	vld [tilespmem:s30+$0x4F90]  }
0x12c: {  	v3 =	vld [tilespmem:s30+$0x5010];
	_ =	sdelay $0x6  }
0x12d: {  	v2 =	vld.idx.msk [tilespmem:v2+s0+$0x0], $0xffff  }
0x12e: {  	v4 =	vld.idx.msk [tilespmem:v3+s6+$0x0], $0xffff;
	_ =	sdelay $0x4  }
0x12f: {  	v2 =	vadd.f32 v4, v2;
	_ =	sdelay $0x1  }
0x130: {  	v4 =	vmul.f32 $2.000000030e-01, v2;
	_ =	sdelay $0x1  }
0x131: {  	v2 =	vmax.f32 v2, v4  }
0x132: {  	v2 =	vsub.f32 v2, v1;
	_ =	sdelay $0x1  }
0x133: {  	v2 =	vmul.f32 $1.442695020e+00, v2;
	_ =	sdelay $0x1  }
0x134: {  	(erf) = vpow2.f32 v2;
	_ =	sdelay $0x8  }
0x135: {  	v2 =	vpop (erf)  }
0x136: {  	[tilespmem:$0x5290] =	vst v2  }
0x137: {  	[tilespmem:v3+s7+$0x0] =	vst.idx.add.f32.msk $0xffff, v2  }
0x138: {  	v2 =	vld [tilespmem:s30+$0x4FA0]  }
0x139: {  	v3 =	vld [tilespmem:s30+$0x5020];
	_ =	sdelay $0x6  }
0x13a: {  	v2 =	vld.idx.msk [tilespmem:v2+s0+$0x0], $0xffff  }
0x13b: {  	v4 =	vld.idx.msk [tilespmem:v3+s6+$0x0], $0xffff;
	_ =	sdelay $0x4  }
0x13c: {  	v2 =	vadd.f32 v4, v2;
	_ =	sdelay $0x1  }
0x13d: {  	v4 =	vmul.f32 $2.000000030e-01, v2;
	_ =	sdelay $0x1  }
0x13e: {  	v2 =	vmax.f32 v2, v4  }
0x13f: {  	v2 =	vsub.f32 v2, v1;
	_ =	sdelay $0x1  }
0x140: {  	v2 =	vmul.f32 $1.442695020e+00, v2;
	_ =	sdelay $0x1  }
0x141: {  	(erf) = vpow2.f32 v2;
	_ =	sdelay $0x8  }
0x142: {  	v2 =	vpop (erf)  }
0x143: {  	[tilespmem:$0x52A0] =	vst v2  }
0x144: {  	[tilespmem:v3+s7+$0x0] =	vst.idx.add.f32.msk $0xffff, v2  }
0x145: {  	v2 =	vld [tilespmem:s30+$0x4FB0]  }
0x146: {  	v3 =	vld [tilespmem:s30+$0x5030];
	_ =	sdelay $0x6  }
0x147: {  	v2 =	vld.idx.msk [tilespmem:v2+s0+$0x0], $0xffff  }
0x148: {  	v4 =	vld.idx.msk [tilespmem:v3+s6+$0x0], $0xffff;
	_ =	sdelay $0x4  }
0x149: {  	v2 =	vadd.f32 v4, v2;
	_ =	sdelay $0x1  }
0x14a: {  	v4 =	vmul.f32 $2.000000030e-01, v2;
	_ =	sdelay $0x1  }
0x14b: {  	v2 =	vmax.f32 v2, v4  }
0x14c: {  	v2 =	vsub.f32 v2, v1;
	_ =	sdelay $0x1  }
0x14d: {  	v2 =	vmul.f32 $1.442695020e+00, v2;
	_ =	sdelay $0x1  }
0x14e: {  	(erf) = vpow2.f32 v2;
	_ =	sdelay $0x8  }
0x14f: {  	v2 =	vpop (erf)  }
0x150: {  	[tilespmem:$0x52B0] =	vst v2  }
0x151: {  	[tilespmem:v3+s7+$0x0] =	vst.idx.add.f32.msk $0xffff, v2  }
0x152: {  	_ =	swait.ge [sflag:s12], $0x2000  }
0x153: {  	v2 =	vmov s0;
	[sflag:s12] =	ssyncset.done $0x0  }
0x154: {  	s29 =	simm.s32 $0x7340;
	[sflag:s12] =	ssyncadd.s32 $0xFFFFE000  }
0x155: {  	v6 =	vld [tilespmem:s29+$0x30]  }
0x156: {  	v9 =	vld [tilespmem:s29+$0x10]  }
0x157: {  	v7 =	vld [tilespmem:s29+$0xFFFFFFC0]  }
0x158: {  	v3 =	vld.idx.msk [tilespmem:v2+s9+$0x0], $0xffff  }
0x159: {  	v11 =	vld [tilespmem:s29+$0xFFFFFFE0]  }
0x15a: {  	v4 =	vld [tilespmem:s29+$0x20]  }
0x15b: {  	v5 =	vld [tilespmem:s29+$0xFFFFFFD0]  }
0x15c: {  	v2 =	vld [tilespmem:s29+$0xFFFFFFF0]  }
0x15d: {  	v10 =	vmul.f32 v6, v3;
	v6 =	vld [tilespmem:s29+$0x0]  }
0x15e: {  	v8 =	vmul.f32 v7, v3  }
0x15f: {  	s4 =	simm.s32 $0x7340;
	s30 =	sadd.s32 $0x5000, s30;
	s0 =	simm.s32 $0x1;
	v7 =	vmul.f32 v11, v3;
	v9 =	vmul.f32 v9, v3  }
.LBB2_10:
0x160: {  	p1 =	sne.s32 s0, $0x3F  }
0x161: {  	v5 =	vmul.f32 v5, v3;
	v4 =	vmul.f32 v4, v3;
	[tilespmem:s29+$0x30] =	vst v10;
	s4 =	sadd.s32 $0x80, s4;
	s14 =	smov.u32 s0;
	s0 =	sadd.s32 $0x1, s0  }
0x162: {  	[tilespmem:s29+$0xFFFFFFC0] =	vst v8;
	v8 =	vmul.f32 v2, v3;
	v3 =	vmul.f32 v6, v3  }
0x163: {  	[tilespmem:s29+$0x10] =	vst v9  }
0x164: {  	v6 =	vmov s14;
	[tilespmem:s29+$0xFFFFFFE0] =	vst v7  }
0x165: {  	v2 =	vld [tilespmem:s4+$0xFFFFFFF0];
	[tilespmem:s29+$0xFFFFFFF0] =	vst v8  }
0x166: {  	v7 =	vld [tilespmem:s4+$0x30];
	[tilespmem:s29+$0x0] =	vst v3  }
0x167: {  	v9 =	vld [tilespmem:s4+$0x10];
	[tilespmem:s29+$0x20] =	vst v4  }
0x168: {  	v8 =	vld [tilespmem:s4+$0xFFFFFFC0];
	[tilespmem:s29+$0xFFFFFFD0] =	vst v5;
	s29 =	smov.u32 s4  }
0x169: {  	v3 =	vld.idx.msk [tilespmem:v6+s9+$0x0], $0xffff  }
0x16a: {  	v11 =	vld [tilespmem:s4+$0xFFFFFFE0]  }
0x16b: {  	v4 =	vld [tilespmem:s4+$0x20]  }
.Ltmp8:
0x16c: {  	v5 =	vld [tilespmem:s4+$0xFFFFFFD0];
	(pc) =	sbr.rel @p1 .LBB2_10-.Ltmp8, $3  }
0x16d: {  	v6 =	vld [tilespmem:s4+$0x0];
	_ =	sdelay $0x1  }
0x16e: {  	v8 =	vmul.f32 v8, v3;
	v10 =	vmul.f32 v7, v3  }
0x16f: {  	v9 =	vmul.f32 v9, v3;
	v7 =	vmul.f32 v11, v3  }
0x170: {  	[tilespmem:s29+$0x30] =	vst v10  }
0x171: {  	[tilespmem:s29+$0xFFFFFFC0] =	vst v8  }
0x172: {  	v2 =	vmul.f32 v2, v3;
	[tilespmem:s29+$0x10] =	vst v9  }
0x173: {  	v4 =	vmul.f32 v4, v3;
	[tilespmem:s29+$0xFFFFFFE0] =	vst v7  }
.Ltmp9:
0x174: {  	v6 =	vmul.f32 v6, v3;
	[tilespmem:s29+$0xFFFFFFF0] =	vst v2;
	(pc) =	sbr.rel .LBB2_12-.Ltmp9, $4  }
0x175: {  	v2 =	vmul.f32 v5, v3;
	[tilespmem:s29+$0x20] =	vst v4  }
0x176: {  	[tilespmem:s29+$0x0] =	vst v6  }
0x177: {  	[tilespmem:s29+$0xFFFFFFD0] =	vst v2  }
0x178: {  	[spmem:s2] =	stream.indirect.scatter [tilespmem:s13], [sflag:$0x5], $0x80, s30, s10, $0xb8;
	[tilespmem:$0x1F380] =	vst v63  }
.LBB2_14:
0x179: {  	_ =	sfence.sel $0x180000  }
0x17a: {  	[bflag:$0x0] =	sbarrier.arrive $0xFFFF  }
0x17b: {  	_ =	strace $0x90000047  }
0x17c: {  	s0 =	stileid.u32;
	[bflag:$0x2] =	sbarrier.arrive $0xFFFF  }
0x17d: {  	p0 =	sne.s32 s0, $0x0;
	s0 =	rddreg [dreg:$0x3]  }
0x17e: {  	s0 =	sadd.s32 @!p0 $0x100000, s0  }
0x17f: {  	[sflag:s0] =	ssyncadd.tile.s32 @!p0 $0x1;
	_ =	shalt  }
.Lfunc_end2:
_tile_overlayer_lowered:
.L_overlay_start_2:
0x180: {  	(tag) =	ssettag $0x2  }
0x181: {  	s0 =	rddreg [dreg:$0x0];
	s2 =	stileid.u32  }
0x182: {  	s1 =	rddreg [dreg:$0x1];
	p0 =	sne.s32 s2, $0x0  }
0x183: {  	s3 =	rddreg [dreg:$0x2];
	[bflag:$0x3] =	sbarrier.arrive $0xFFFF;
	s2 =	simm.s32 @!p0 $0x1C06  }
0x184: {  	[timem:s3], [sflag:s2] =	dma.local @!p0 [hbm:s0], s1  }
0x185: {  	s0 =	simm.s32 @!p0 $0x6  }
0x186: {  	_ =	swait.ge @!p0 [sflag:s0], s1  }
0x187: {  	s1 =	ssub.s32 @!p0 $0x0, s1;
	[sflag:s0] =	ssyncset.done @!p0 $0x0  }
0x188: {  	[sflag:s0] =	ssyncadd.s32 @!p0 s1  }
0x189: {  	[bflag:$0x3] =	sbarrier.arrive $0xFFFF  }
0x18a: {  	_ =	shalt  }

</sc_bundles>
